<compile_context>
chip_gen: v7x
topology: tpu7x:2x2x1
jax: 0.10.2.dev20260603
libtpu: 0.0.44.dev20260713+nightly
codegen_flags: <defaults>
</compile_context>

<pallas_src>
import functools

import jax
import jax.numpy as jnp
from jax import lax
from jax.experimental import pallas as pl
from jax.experimental.pallas import tpu as pltpu
from jax.experimental.pallas import tpu_sc as plsc

N, E, D = 10000, 320000, 128
R3 = 96
R = 32

NC, NS = 2, 16
NW = NC * NS
EPW = E // NW
CH = 80
CPW = EPW // CH
KG = 5
NPAD = 10240
NPT = NPAD // NS


def _silu(x):
    return x * jax.nn.sigmoid(x)


def _a_body(h_ref, a1_ref, a2_ref, hd_ref, hs_ref):
    h = h_ref[...]
    hd_ref[...] = jnp.dot(h, a1_ref[...], preferred_element_type=jnp.float32)
    hs_ref[...] = jnp.dot(h, a2_ref[...], preferred_element_type=jnp.float32)


NG = 5
CPG = CPW // NG


def _gather_body(hd, hs, dst4, src4, gd, gs,
                 idxd_v, idxs_v, bufd, bufs, semg, semw):
    c = lax.axis_index("c")
    s = lax.axis_index("s")
    w = s * NC + c

    def group(g, carry0):
        pltpu.sync_copy(dst4.at[w, g], idxd_v)
        pltpu.sync_copy(src4.at[w, g], idxs_v)

        def super_iter(i, carry):
            c0 = i * KG
            cps = []
            for k in range(KG):
                cps.append(pltpu.async_copy(
                    hd.at[idxd_v.at[c0 + k]], bufd.at[pl.ds(k * CH, CH)], semg))
                cps.append(pltpu.async_copy(
                    hs.at[idxs_v.at[c0 + k]], bufs.at[pl.ds(k * CH, CH)], semg))
            for cp in cps:
                cp.wait()
            eb = ((w * NG + g) * CPG + c0) * CH
            cpo1 = pltpu.async_copy(bufd, gd.at[pl.ds(eb, KG * CH)], semw)
            cpo2 = pltpu.async_copy(bufs, gs.at[pl.ds(eb, KG * CH)], semw)
            cpo1.wait()
            cpo2.wait()
            return carry

        lax.fori_loop(0, CPG // KG, super_iter, 0)
        return carry0

    lax.fori_loop(0, NG, group, 0)


def _c_body(ef_ref, gd_ref, gs_ref, a3_ref, bm_ref, bmsg_ref,
            wea_ref, web_ref, bwe_ref, x2a_ref, lng_ref, lnb_ref,
            mc_ref, eo_ref):
    e = ef_ref[...]
    w = jnp.dot(jnp.dot(e, wea_ref[...], preferred_element_type=jnp.float32),
                web_ref[...], preferred_element_type=jnp.float32) + bwe_ref[...]
    t = gd_ref[...] + gs_ref[...] + jnp.dot(
        e, a3_ref[...], preferred_element_type=jnp.float32)
    u = jnp.dot(t, bm_ref[...], preferred_element_type=jnp.float32) + bmsg_ref[...]
    m = _silu(u) * w
    mc_ref[...] = jnp.dot(m, x2a_ref[...], preferred_element_type=jnp.float32)
    v = e + w
    mu = jnp.mean(v, axis=-1, keepdims=True)
    var = jnp.mean((v - mu) ** 2, axis=-1, keepdims=True)
    vn = (v - mu) / jnp.sqrt(var + 1e-5) * lng_ref[...] + lnb_ref[...]
    eo_ref[...] = _silu(vn)


def _scatter_body(mc, dst2, zeros, out,
                  idx_v, rows, zbuf, acc, semr, sema):
    c = lax.axis_index("c")
    s = lax.axis_index("s")
    w = s * NC + c
    row0 = w * CPW
    pltpu.sync_copy(zeros.at[pl.ds(s * NPT, NPT)], zbuf)
    pltpu.sync_copy(zbuf, acc.at[pl.ds(s * NPT, NPT)])
    plsc.subcore_barrier()
    pltpu.sync_copy(dst2.at[w], idx_v)

    KS = 25

    def super_iter(i, carry):
        c0 = i * KS
        eb = (row0 + c0) * CH
        pltpu.sync_copy(mc.at[pl.ds(eb, KS * CH)], rows)
        cps = []
        for k in range(KS):
            cps.append(pltpu.async_copy(
                rows.at[pl.ds(k * CH, CH)], acc.at[idx_v.at[c0 + k]],
                sema, add=True))
        for cp in cps:
            cp.wait()
        return carry

    lax.fori_loop(0, CPW // KS, super_iter, 0)
    plsc.subcore_barrier()
    pltpu.sync_copy(acc.at[pl.ds(s * NPT, NPT)], zbuf)
    pltpu.sync_copy(zbuf, out.at[c, pl.ds(s * NPT, NPT)])


def _e_body(h_ref, p0_ref, p1_ref, x2a_ref, x2b_ref, bx2_ref,
            ra1_ref, rb1_ref, rc1_ref, ra2_ref, rb2_ref, rc2_ref,
            lng_ref, lnb_ref, x_ref):
    hh = h_ref[...]
    z = jnp.dot(hh, x2a_ref[...], preferred_element_type=jnp.float32)
    z = z + p0_ref[...] + p1_ref[...]
    u = jnp.dot(z, x2b_ref[...], preferred_element_type=jnp.float32) + bx2_ref[...]
    x = _silu(u)
    for k in range(3):
        y = _silu(jnp.dot(jnp.dot(x, ra1_ref[k], preferred_element_type=jnp.float32),
                          rb1_ref[k], preferred_element_type=jnp.float32)
                  + rc1_ref[k])
        y = _silu(jnp.dot(jnp.dot(y, ra2_ref[k], preferred_element_type=jnp.float32),
                          rb2_ref[k], preferred_element_type=jnp.float32)
                  + rc2_ref[k])
        x = x + y
    mu = jnp.mean(x, axis=-1, keepdims=True)
    var = jnp.mean((x - mu) ** 2, axis=-1, keepdims=True)
    xn = (x - mu) / jnp.sqrt(var + 1e-5) * lng_ref[...] + lnb_ref[...]
    x_ref[...] = hh + _silu(xn)


def kernel(node_feats, edge_feats, edge_index, params):
    f32 = jnp.float32
    h = node_feats
    ef = edge_feats
    dst2 = edge_index[1].reshape(NW, CPW, CH)
    src4 = edge_index[0].reshape(NW, NG, CPG, CH)
    dst4 = edge_index[1].reshape(NW, NG, CPG, CH)

    pm = params["msg"]
    pad = ((0, 0), (0, D - R3))
    a1 = jnp.pad(pm["A"][0:D], pad)
    a2 = jnp.pad(pm["A"][D:2 * D], pad)
    a3 = jnp.pad(pm["A"][2 * D:3 * D], pad)
    bm = jnp.pad(pm["B"], ((0, D - R3), (0, 0)))
    bmsg = pm["b"].reshape(1, D)
    wea = params["We"]["A"]
    web = params["We"]["B"]
    bwe = params["We"]["b"].reshape(1, D)
    x2a = params["x2"]["A"]
    x2b = params["x2"]["B"]
    bx2 = params["x2"]["b"].reshape(1, D)
    ra1 = jnp.stack([blk[0]["A"] for blk in params["res"]])
    rb1 = jnp.stack([blk[0]["B"] for blk in params["res"]])
    rc1 = jnp.stack([blk[0]["b"].reshape(1, D) for blk in params["res"]])
    ra2 = jnp.stack([blk[1]["A"] for blk in params["res"]])
    rb2 = jnp.stack([blk[1]["B"] for blk in params["res"]])
    rc2 = jnp.stack([blk[1]["b"].reshape(1, D) for blk in params["res"]])
    lng_n = params["ln_node"]["g"].reshape(1, D)
    lnb_n = params["ln_node"]["b"].reshape(1, D)
    lng_e = params["ln_edge"]["g"].reshape(1, D)
    lnb_e = params["ln_edge"]["b"].reshape(1, D)

    BA = 1000
    bf16 = jnp.bfloat16
    hd, hs = pl.pallas_call(
        _a_body,
        grid=(N // BA,),
        in_specs=[
            pl.BlockSpec((BA, D), lambda i: (i, 0)),
            pl.BlockSpec((D, D), lambda i: (0, 0)),
            pl.BlockSpec((D, D), lambda i: (0, 0)),
        ],
        out_specs=[
            pl.BlockSpec((BA, D), lambda i: (i, 0)),
            pl.BlockSpec((BA, D), lambda i: (i, 0)),
        ],
        out_shape=[
            jax.ShapeDtypeStruct((N, D), f32),
            jax.ShapeDtypeStruct((N, D), f32),
        ],
    )(h, a1, a2)

    mesh = plsc.VectorSubcoreMesh(core_axis_name="c", subcore_axis_name="s")
    gd, gs = pl.kernel(
        _gather_body,
        out_type=[
            jax.ShapeDtypeStruct((E, D), f32),
            jax.ShapeDtypeStruct((E, D), f32),
        ],
        mesh=mesh,
        scratch_types=[
            pltpu.VMEM((CPG, CH), jnp.int32),
            pltpu.VMEM((CPG, CH), jnp.int32),
            pltpu.VMEM((KG * CH, D), f32),
            pltpu.VMEM((KG * CH, D), f32),
            pltpu.SemaphoreType.DMA,
            pltpu.SemaphoreType.DMA,
        ],
        compiler_params=pltpu.CompilerParams(use_tc_tiling_on_sc=True),
    )(hd, hs, dst4, src4)

    BE = 4000
    mc, e_out = pl.pallas_call(
        _c_body,
        grid=(E // BE,),
        in_specs=[
            pl.BlockSpec((BE, D), lambda i: (i, 0)),
            pl.BlockSpec((BE, D), lambda i: (i, 0)),
            pl.BlockSpec((BE, D), lambda i: (i, 0)),
            pl.BlockSpec((D, D), lambda i: (0, 0)),
            pl.BlockSpec((D, D), lambda i: (0, 0)),
            pl.BlockSpec((1, D), lambda i: (0, 0)),
            pl.BlockSpec((D, R), lambda i: (0, 0)),
            pl.BlockSpec((R, D), lambda i: (0, 0)),
            pl.BlockSpec((1, D), lambda i: (0, 0)),
            pl.BlockSpec((D, R), lambda i: (0, 0)),
            pl.BlockSpec((1, D), lambda i: (0, 0)),
            pl.BlockSpec((1, D), lambda i: (0, 0)),
        ],
        out_specs=[
            pl.BlockSpec((BE, R), lambda i: (i, 0)),
            pl.BlockSpec((BE, D), lambda i: (i, 0)),
        ],
        out_shape=[
            jax.ShapeDtypeStruct((E, R), f32),
            jax.ShapeDtypeStruct((E, D), f32),
        ],
    )(ef, gd, gs, a3, bm, bmsg, wea, web, bwe, x2a, lng_e, lnb_e)

    zeros = jnp.zeros((NPAD, R), f32)
    partials = pl.kernel(
        _scatter_body,
        out_type=jax.ShapeDtypeStruct((NC, NPAD, R), f32),
        mesh=plsc.VectorSubcoreMesh(core_axis_name="c", subcore_axis_name="s"),
        scratch_types=[
            pltpu.VMEM((CPW, CH), jnp.int32),
            pltpu.VMEM((25 * CH, R), f32),
            pltpu.VMEM((NPT, R), f32),
            pltpu.VMEM_SHARED((NPAD, R), f32),
            pltpu.SemaphoreType.DMA,
            pltpu.SemaphoreType.DMA,
        ],
        compiler_params=pltpu.CompilerParams(use_tc_tiling_on_sc=False),
    )(mc, dst2, zeros)
    p0 = partials[0, :N]
    p1 = partials[1, :N]

    BN = 1000
    x_out = pl.pallas_call(
        _e_body,
        grid=(N // BN,),
        in_specs=[
            pl.BlockSpec((BN, D), lambda i: (i, 0)),
            pl.BlockSpec((BN, R), lambda i: (i, 0)),
            pl.BlockSpec((BN, R), lambda i: (i, 0)),
            pl.BlockSpec((D, R), lambda i: (0, 0)),
            pl.BlockSpec((R, D), lambda i: (0, 0)),
            pl.BlockSpec((1, D), lambda i: (0, 0)),
            pl.BlockSpec((3, D, R), lambda i: (0, 0, 0)),
            pl.BlockSpec((3, R, D), lambda i: (0, 0, 0)),
            pl.BlockSpec((3, 1, D), lambda i: (0, 0, 0)),
            pl.BlockSpec((3, D, R), lambda i: (0, 0, 0)),
            pl.BlockSpec((3, R, D), lambda i: (0, 0, 0)),
            pl.BlockSpec((3, 1, D), lambda i: (0, 0, 0)),
            pl.BlockSpec((1, D), lambda i: (0, 0)),
            pl.BlockSpec((1, D), lambda i: (0, 0)),
        ],
        out_specs=pl.BlockSpec((BN, D), lambda i: (i, 0)),
        out_shape=jax.ShapeDtypeStruct((N, D), f32),
    )(h, p0, p1, x2a, x2b, bx2,
      ra1, rb1, rc1, ra2, rb2, rc2, lng_n, lnb_n)

    return (x_out, e_out)

# --- scband reference (transcript-rebuilt; emitter-appended) ---
"""Pipeline reference for scband-edge-gated-graph-conv-74371653697783 (READ-ONLY COPY).

The authoritative reference and input builder live on the scoring server;
editing this copy changes nothing except your own understanding.
"""

import jax, jax.numpy as jnp
import numpy as np

N, E, D = 10000, 320000, 128


def _silu(x):
    return x * jax.nn.sigmoid(x)


def _lowrank(x, p):
    # LowRankLinear with rank_factor=4: x @ A (no bias) @ B + b
    return (x @ p["A"]) @ p["B"] + p["b"]


def _ln(x, p):
    mu = jnp.mean(x, axis=-1, keepdims=True)
    var = jnp.var(x, axis=-1, keepdims=True)
    return (x - mu) / jnp.sqrt(var + 1e-5) * p["g"] + p["b"]


def _lr_params(key, fin, fout, rank_factor=4):
    r = fin // rank_factor
    k1, k2 = jax.random.split(key)
    return {
        "A": jax.random.normal(k1, (fin, r), dtype=jnp.float32) / np.sqrt(fin),
        "B": jax.random.normal(k2, (r, fout), dtype=jnp.float32) / np.sqrt(r),
        "b": jnp.zeros((fout,), dtype=jnp.float32),
    }


def setup_inputs(seed: int = 0) -> dict:
    key = jax.random.key(seed)
    ks = jax.random.split(key, 16)
    node_feats = jax.random.normal(ks[0], (N, D), dtype=jnp.float32)
    edge_feats = jax.random.normal(ks[1], (E, D), dtype=jnp.float32)
    edge_index = jax.random.randint(ks[2], (2, E), 0, N, dtype=jnp.int32)
    params = {
        "msg": _lr_params(ks[3], 3 * D, D),
        "We": _lr_params(ks[4], D, D),
        "x2": _lr_params(ks[5], D, D),
        "res": [
            [_lr_params(ks[6], D, D), _lr_params(ks[7], D, D)],
            [_lr_params(ks[8], D, D), _lr_params(ks[9], D, D)],
            [_lr_params(ks[10], D, D), _lr_params(ks[11], D, D)],
        ],
        "ln_node": {"g": jnp.ones((D,), jnp.float32), "b": jnp.zeros((D,), jnp.float32)},
        "ln_edge": {"g": jnp.ones((D,), jnp.float32), "b": jnp.zeros((D,), jnp.float32)},
    }
    return {"node_feats": node_feats, "edge_feats": edge_feats, "edge_index": edge_index, "params": params}


def reference(node_feats, edge_feats, edge_index, params):
    src = edge_index[0]
    dst = edge_index[1]
    x0, e0 = node_feats, edge_feats
    h = node_feats
    h_j = jnp.take(h, src, axis=0)
    h_i = jnp.take(h, dst, axis=0)
    # mlp_msg = LowRankLinear(3D->D) + SiLU
    m = _silu(_lowrank(jnp.concatenate((h_i, h_j, edge_feats), axis=1), params["msg"]))
    m = m * _lowrank(edge_feats, params["We"])
    agg = jax.ops.segment_sum(m, dst, num_segments=h.shape[0])
    x = h + agg
    # mlp_x2 = LowRankLinear(D->D) + SiLU
    x = _silu(_lowrank(x, params["x2"]))
    # three residual blocks: x + silu(lr2(silu(lr1(x))))
    for blk in params["res"]:
        y = _silu(_lowrank(x, blk[0]))
        y = _silu(_lowrank(y, blk[1]))
        x = x + y
    x = _ln(x, params["ln_node"])
    x = _silu(x)
    x = x0 + x
    e = e0 + _lowrank(e0, params["We"])
    e = _ln(e, params["ln_edge"])
    e = _silu(e)
    return (x, e)

if __name__ == "__main__":
    import jax
    _d = setup_inputs()
    print(jax.jit(kernel)(*tuple(_d.values())))

</pallas_src>

<mosaic_0001>
#map = affine_map<(d0, d1) -> (0, 0)>
#map1 = affine_map<(d0, d1) -> (0, 0, 0)>
module attributes {stable_mosaic.version = 14 : i64} {
  func.func @_scatter_body(%arg0: i32, %arg1: i32, %arg2: memref<320000x32xf32, #tpu.memory_space<hbm>>, %arg3: memref<32x125x80xi32, #tpu.memory_space<hbm>>, %arg4: memref<10240x32xf32, #tpu.memory_space<hbm>>, %arg5: memref<2x10240x32xf32, #tpu.memory_space<hbm>>, %arg6: memref<125x80xi32, #tpu.memory_space<vmem>>, %arg7: memref<2000x32xf32, #tpu.memory_space<vmem>>, %arg8: memref<640x32xf32, #tpu.memory_space<vmem>>, %arg9: memref<10240x32xf32, #tpu.memory_space<vmem_shared>>, %arg10: memref<!tpu.dma_semaphore, #tpu.memory_space<semaphore_mem>>, %arg11: memref<!tpu.dma_semaphore, #tpu.memory_space<semaphore_mem>>) attributes {dimension_semantics = [#tpu.dimension_semantics<core_parallel>, #tpu.dimension_semantics<subcore_parallel>], iteration_bounds = array<i64: 2, 16>, scalar_prefetch = 0 : i64, scratch_operands = 6 : i64, tpu.core_type = #tpu.core_type<sc_vector_subcore>, window_params = [{transform_indices = #map}, {transform_indices = #map1}, {transform_indices = #map}, {transform_indices = #map1}]} {
    %mul3A = arith.constant 2 : i32
    %mul3A_0 = arith.muli %arg1, %mul3A : i32
    %add3A = arith.addi %mul3A_0, %arg0 : i32
    %mul3A_1 = arith.constant 125 : i32
    %mul3A_2 = arith.muli %add3A, %mul3A_1 : i32
    %mul3A_3 = arith.constant 640 : i32
    %mul3A_4 = arith.muli %arg1, %mul3A_3 : i32
    "tpu.region"() ({
      %run_scoped3A = tpu.sem_alloc : memref<!tpu.dma_semaphore, #tpu.memory_space<semaphore_mem>>
      %dma_start3A = arith.constant 0 : i32
      %dma_start3A_17 = tpu.memref_slice %arg4[%mul3A_4, %dma_start3A] : memref<10240x32xf32, #tpu.memory_space<hbm>> -> memref<640x32xf32, #tpu.memory_space<hbm>>
      %dma_start3A_18 = arith.constant 0 : i32
      %dma_start3A_19 = tpu.memref_slice %arg4[%mul3A_4, %dma_start3A_18] : memref<10240x32xf32, #tpu.memory_space<hbm>> -> memref<640x32xf32, #tpu.memory_space<hbm>>
      tpu.enqueue_dma source(%dma_start3A_19 : memref<640x32xf32, #tpu.memory_space<hbm>>) target(%arg8 : memref<640x32xf32, #tpu.memory_space<vmem>>) target_semaphore(%run_scoped3A : memref<!tpu.dma_semaphore, #tpu.memory_space<semaphore_mem>>)
      %dma_wait3A = arith.constant 0 : i32
      %dma_wait3A_20 = tpu.memref_slice %arg4[%mul3A_4, %dma_wait3A] : memref<10240x32xf32, #tpu.memory_space<hbm>> -> memref<640x32xf32, #tpu.memory_space<hbm>>
      %dma_wait3A_21 = arith.constant 0 : i32
      %dma_wait3A_22 = tpu.memref_slice %arg4[%mul3A_4, %dma_wait3A_21] : memref<10240x32xf32, #tpu.memory_space<hbm>> -> memref<640x32xf32, #tpu.memory_space<hbm>>
      tpu.wait_dma2 semaphore(%run_scoped3A : memref<!tpu.dma_semaphore, #tpu.memory_space<semaphore_mem>>) src(%dma_wait3A_22 : memref<640x32xf32, #tpu.memory_space<hbm>>) dst(%arg8 : memref<640x32xf32, #tpu.memory_space<vmem>>)
      tpu.yield
    }) : () -> ()
    %mul3A_5 = arith.constant 640 : i32
    %mul3A_6 = arith.muli %arg1, %mul3A_5 : i32
    "tpu.region"() ({
      %run_scoped3A = tpu.sem_alloc : memref<!tpu.dma_semaphore, #tpu.memory_space<semaphore_mem>>
      %dma_start3A = arith.constant 0 : i32
      %dma_start3A_17 = tpu.memref_slice %arg9[%mul3A_6, %dma_start3A] : memref<10240x32xf32, #tpu.memory_space<vmem_shared>> -> memref<640x32xf32, #tpu.memory_space<vmem_shared>>
      %dma_start3A_18 = arith.constant 0 : i32
      %dma_start3A_19 = tpu.memref_slice %arg9[%mul3A_6, %dma_start3A_18] : memref<10240x32xf32, #tpu.memory_space<vmem_shared>> -> memref<640x32xf32, #tpu.memory_space<vmem_shared>>
      tpu.enqueue_dma source(%arg8 : memref<640x32xf32, #tpu.memory_space<vmem>>) target(%dma_start3A_19 : memref<640x32xf32, #tpu.memory_space<vmem_shared>>) target_semaphore(%run_scoped3A : memref<!tpu.dma_semaphore, #tpu.memory_space<semaphore_mem>>)
      %dma_wait3A = arith.constant 0 : i32
      %dma_wait3A_20 = tpu.memref_slice %arg9[%mul3A_6, %dma_wait3A] : memref<10240x32xf32, #tpu.memory_space<vmem_shared>> -> memref<640x32xf32, #tpu.memory_space<vmem_shared>>
      %dma_wait3A_21 = arith.constant 0 : i32
      %dma_wait3A_22 = tpu.memref_slice %arg9[%mul3A_6, %dma_wait3A_21] : memref<10240x32xf32, #tpu.memory_space<vmem_shared>> -> memref<640x32xf32, #tpu.memory_space<vmem_shared>>
      tpu.wait_dma2 semaphore(%run_scoped3A : memref<!tpu.dma_semaphore, #tpu.memory_space<semaphore_mem>>) src(%arg8 : memref<640x32xf32, #tpu.memory_space<vmem>>) dst(%dma_wait3A_22 : memref<640x32xf32, #tpu.memory_space<vmem_shared>>)
      tpu.yield
    }) : () -> ()
    %barrier3A = arith.constant 0 : index
    tpu.barrier barrier_id(%barrier3A)
    "tpu.region"() ({
      %run_scoped3A = tpu.sem_alloc : memref<!tpu.dma_semaphore, #tpu.memory_space<semaphore_mem>>
      %dma_start3A = arith.constant 0 : i32
      %dma_start3A_17 = arith.constant 0 : i32
      %dma_start3A_18 = tpu.memref_slice %arg3[%add3A, %dma_start3A, %dma_start3A_17] : memref<32x125x80xi32, #tpu.memory_space<hbm>> -> memref<1x125x80xi32, #tpu.memory_space<hbm>>
      %dma_start3A_19 = tpu.memref_squeeze %dma_start3A_18 : memref<1x125x80xi32, #tpu.memory_space<hbm>> -> memref<125x80xi32, #tpu.memory_space<hbm>>
      %dma_start3A_20 = arith.constant 0 : i32
      %dma_start3A_21 = arith.constant 0 : i32
      %dma_start3A_22 = tpu.memref_slice %arg3[%add3A, %dma_start3A_20, %dma_start3A_21] : memref<32x125x80xi32, #tpu.memory_space<hbm>> -> memref<1x125x80xi32, #tpu.memory_space<hbm>>
      %dma_start3A_23 = tpu.memref_squeeze %dma_start3A_22 : memref<1x125x80xi32, #tpu.memory_space<hbm>> -> memref<125x80xi32, #tpu.memory_space<hbm>>
      tpu.enqueue_dma source(%dma_start3A_23 : memref<125x80xi32, #tpu.memory_space<hbm>>) target(%arg6 : memref<125x80xi32, #tpu.memory_space<vmem>>) target_semaphore(%run_scoped3A : memref<!tpu.dma_semaphore, #tpu.memory_space<semaphore_mem>>)
      %dma_wait3A = arith.constant 0 : i32
      %dma_wait3A_24 = arith.constant 0 : i32
      %dma_wait3A_25 = tpu.memref_slice %arg3[%add3A, %dma_wait3A, %dma_wait3A_24] : memref<32x125x80xi32, #tpu.memory_space<hbm>> -> memref<1x125x80xi32, #tpu.memory_space<hbm>>
      %dma_wait3A_26 = tpu.memref_squeeze %dma_wait3A_25 : memref<1x125x80xi32, #tpu.memory_space<hbm>> -> memref<125x80xi32, #tpu.memory_space<hbm>>
      %dma_wait3A_27 = arith.constant 0 : i32
      %dma_wait3A_28 = arith.constant 0 : i32
      %dma_wait3A_29 = tpu.memref_slice %arg3[%add3A, %dma_wait3A_27, %dma_wait3A_28] : memref<32x125x80xi32, #tpu.memory_space<hbm>> -> memref<1x125x80xi32, #tpu.memory_space<hbm>>
      %dma_wait3A_30 = tpu.memref_squeeze %dma_wait3A_29 : memref<1x125x80xi32, #tpu.memory_space<hbm>> -> memref<125x80xi32, #tpu.memory_space<hbm>>
      tpu.wait_dma2 semaphore(%run_scoped3A : memref<!tpu.dma_semaphore, #tpu.memory_space<semaphore_mem>>) src(%dma_wait3A_30 : memref<125x80xi32, #tpu.memory_space<hbm>>) dst(%arg6 : memref<125x80xi32, #tpu.memory_space<vmem>>)
      tpu.yield
    }) : () -> ()
    %scan3A = arith.constant 0 : i32
    %scan3A_7 = arith.constant 0 : i32
    %scan3A_8 = arith.constant 5 : i32
    %scan3A_9 = arith.addi %scan3A_7, %scan3A_8 : i32
    %scan3A_10 = arith.constant 1 : i32
    scf.for %scan3A_17 = %scan3A_7 to %scan3A_9 step %scan3A_10  : i32 {
      %mul3A_18 = arith.constant 25 : i32
      %mul3A_19 = arith.muli %scan3A_17, %mul3A_18 : i32
      %add3A_20 = arith.addi %mul3A_2, %mul3A_19 : i32
      %mul3A_21 = arith.constant 80 : i32
      %mul3A_22 = arith.muli %add3A_20, %mul3A_21 : i32
      "tpu.region"() ({
        %run_scoped3A = tpu.sem_alloc : memref<!tpu.dma_semaphore, #tpu.memory_space<semaphore_mem>>
        %dma_start3A_521 = arith.constant 0 : i32
        %dma_start3A_522 = tpu.memref_slice %arg2[%mul3A_22, %dma_start3A_521] : memref<320000x32xf32, #tpu.memory_space<hbm>> -> memref<2000x32xf32, #tpu.memory_space<hbm>>
        %dma_start3A_523 = arith.constant 0 : i32
        %dma_start3A_524 = tpu.memref_slice %arg2[%mul3A_22, %dma_start3A_523] : memref<320000x32xf32, #tpu.memory_space<hbm>> -> memref<2000x32xf32, #tpu.memory_space<hbm>>
        tpu.enqueue_dma source(%dma_start3A_524 : memref<2000x32xf32, #tpu.memory_space<hbm>>) target(%arg7 : memref<2000x32xf32, #tpu.memory_space<vmem>>) target_semaphore(%run_scoped3A : memref<!tpu.dma_semaphore, #tpu.memory_space<semaphore_mem>>)
        %dma_wait3A_525 = arith.constant 0 : i32
        %dma_wait3A_526 = tpu.memref_slice %arg2[%mul3A_22, %dma_wait3A_525] : memref<320000x32xf32, #tpu.memory_space<hbm>> -> memref<2000x32xf32, #tpu.memory_space<hbm>>
        %dma_wait3A_527 = arith.constant 0 : i32
        %dma_wait3A_528 = tpu.memref_slice %arg2[%mul3A_22, %dma_wait3A_527] : memref<320000x32xf32, #tpu.memory_space<hbm>> -> memref<2000x32xf32, #tpu.memory_space<hbm>>
        tpu.wait_dma2 semaphore(%run_scoped3A : memref<!tpu.dma_semaphore, #tpu.memory_space<semaphore_mem>>) src(%dma_wait3A_528 : memref<2000x32xf32, #tpu.memory_space<hbm>>) dst(%arg7 : memref<2000x32xf32, #tpu.memory_space<vmem>>)
        tpu.yield
      }) : () -> ()
      %add3A_23 = arith.constant 0 : i32
      %add3A_24 = arith.addi %mul3A_19, %add3A_23 : i32
      %dma_start3A = arith.constant 0 : i32
      %dma_start3A_25 = arith.constant 0 : i32
      %dma_start3A_26 = tpu.memref_slice %arg7[%dma_start3A, %dma_start3A_25] : memref<2000x32xf32, #tpu.memory_space<vmem>> -> memref<80x32xf32, #tpu.memory_space<vmem>>
      %dma_start3A_27 = arith.constant 0 : i32
      %dma_start3A_28 = tpu.memref_slice %arg6[%add3A_24, %dma_start3A_27] : memref<125x80xi32, #tpu.memory_space<vmem>> -> memref<1x80xi32, #tpu.memory_space<vmem>>
      %dma_start3A_29 = tpu.memref_squeeze %dma_start3A_28 : memref<1x80xi32, #tpu.memory_space<vmem>> -> memref<80xi32, #tpu.memory_space<vmem>>
      %dma_start3A_30 = arith.constant 0 : i32
      %dma_start3A_31 = arith.constant 0 : i32
      %dma_start3A_32 = tpu.memref_slice %arg9[%dma_start3A_30, %dma_start3A_31] : memref<10240x32xf32, #tpu.memory_space<vmem_shared>> -> memref<10240x32xf32, #tpu.memory_space<vmem_shared>>
      tpu.enqueue_indirect_dma source(%dma_start3A_26 : memref<80x32xf32, #tpu.memory_space<vmem>>) target(%dma_start3A_32 : memref<10240x32xf32, #tpu.memory_space<vmem_shared>>) offsets(%dma_start3A_29 : memref<80xi32, #tpu.memory_space<vmem>>) semaphore(%arg11 : memref<!tpu.dma_semaphore, #tpu.memory_space<semaphore_mem>>) {add = true}
      %add3A_33 = arith.constant 1 : i32
      %add3A_34 = arith.addi %mul3A_19, %add3A_33 : i32
      %dma_start3A_35 = arith.constant 80 : i32
      %dma_start3A_36 = arith.constant 0 : i32
      %dma_start3A_37 = tpu.memref_slice %arg7[%dma_start3A_35, %dma_start3A_36] : memref<2000x32xf32, #tpu.memory_space<vmem>> -> memref<80x32xf32, #tpu.memory_space<vmem>>
      %dma_start3A_38 = arith.constant 0 : i32
      %dma_start3A_39 = tpu.memref_slice %arg6[%add3A_34, %dma_start3A_38] : memref<125x80xi32, #tpu.memory_space<vmem>> -> memref<1x80xi32, #tpu.memory_space<vmem>>
      %dma_start3A_40 = tpu.memref_squeeze %dma_start3A_39 : memref<1x80xi32, #tpu.memory_space<vmem>> -> memref<80xi32, #tpu.memory_space<vmem>>
      %dma_start3A_41 = arith.constant 0 : i32
      %dma_start3A_42 = arith.constant 0 : i32
      %dma_start3A_43 = tpu.memref_slice %arg9[%dma_start3A_41, %dma_start3A_42] : memref<10240x32xf32, #tpu.memory_space<vmem_shared>> -> memref<10240x32xf32, #tpu.memory_space<vmem_shared>>
      tpu.enqueue_indirect_dma source(%dma_start3A_37 : memref<80x32xf32, #tpu.memory_space<vmem>>) target(%dma_start3A_43 : memref<10240x32xf32, #tpu.memory_space<vmem_shared>>) offsets(%dma_start3A_40 : memref<80xi32, #tpu.memory_space<vmem>>) semaphore(%arg11 : memref<!tpu.dma_semaphore, #tpu.memory_space<semaphore_mem>>) {add = true}
      %add3A_44 = arith.constant 2 : i32
      %add3A_45 = arith.addi %mul3A_19, %add3A_44 : i32
      %dma_start3A_46 = arith.constant 160 : i32
      %dma_start3A_47 = arith.constant 0 : i32
      %dma_start3A_48 = tpu.memref_slice %arg7[%dma_start3A_46, %dma_start3A_47] : memref<2000x32xf32, #tpu.memory_space<vmem>> -> memref<80x32xf32, #tpu.memory_space<vmem>>
      %dma_start3A_49 = arith.constant 0 : i32
      %dma_start3A_50 = tpu.memref_slice %arg6[%add3A_45, %dma_start3A_49] : memref<125x80xi32, #tpu.memory_space<vmem>> -> memref<1x80xi32, #tpu.memory_space<vmem>>
      %dma_start3A_51 = tpu.memref_squeeze %dma_start3A_50 : memref<1x80xi32, #tpu.memory_space<vmem>> -> memref<80xi32, #tpu.memory_space<vmem>>
      %dma_start3A_52 = arith.constant 0 : i32
      %dma_start3A_53 = arith.constant 0 : i32
      %dma_start3A_54 = tpu.memref_slice %arg9[%dma_start3A_52, %dma_start3A_53] : memref<10240x32xf32, #tpu.memory_space<vmem_shared>> -> memref<10240x32xf32, #tpu.memory_space<vmem_shared>>
      tpu.enqueue_indirect_dma source(%dma_start3A_48 : memref<80x32xf32, #tpu.memory_space<vmem>>) target(%dma_start3A_54 : memref<10240x32xf32, #tpu.memory_space<vmem_shared>>) offsets(%dma_start3A_51 : memref<80xi32, #tpu.memory_space<vmem>>) semaphore(%arg11 : memref<!tpu.dma_semaphore, #tpu.memory_space<semaphore_mem>>) {add = true}
      %add3A_55 = arith.constant 3 : i32
      %add3A_56 = arith.addi %mul3A_19, %add3A_55 : i32
      %dma_start3A_57 = arith.constant 240 : i32
      %dma_start3A_58 = arith.constant 0 : i32
      %dma_start3A_59 = tpu.memref_slice %arg7[%dma_start3A_57, %dma_start3A_58] : memref<2000x32xf32, #tpu.memory_space<vmem>> -> memref<80x32xf32, #tpu.memory_space<vmem>>
      %dma_start3A_60 = arith.constant 0 : i32
      %dma_start3A_61 = tpu.memref_slice %arg6[%add3A_56, %dma_start3A_60] : memref<125x80xi32, #tpu.memory_space<vmem>> -> memref<1x80xi32, #tpu.memory_space<vmem>>
      %dma_start3A_62 = tpu.memref_squeeze %dma_start3A_61 : memref<1x80xi32, #tpu.memory_space<vmem>> -> memref<80xi32, #tpu.memory_space<vmem>>
      %dma_start3A_63 = arith.constant 0 : i32
      %dma_start3A_64 = arith.constant 0 : i32
      %dma_start3A_65 = tpu.memref_slice %arg9[%dma_start3A_63, %dma_start3A_64] : memref<10240x32xf32, #tpu.memory_space<vmem_shared>> -> memref<10240x32xf32, #tpu.memory_space<vmem_shared>>
      tpu.enqueue_indirect_dma source(%dma_start3A_59 : memref<80x32xf32, #tpu.memory_space<vmem>>) target(%dma_start3A_65 : memref<10240x32xf32, #tpu.memory_space<vmem_shared>>) offsets(%dma_start3A_62 : memref<80xi32, #tpu.memory_space<vmem>>) semaphore(%arg11 : memref<!tpu.dma_semaphore, #tpu.memory_space<semaphore_mem>>) {add = true}
      %add3A_66 = arith.constant 4 : i32
      %add3A_67 = arith.addi %mul3A_19, %add3A_66 : i32
      %dma_start3A_68 = arith.constant 320 : i32
      %dma_start3A_69 = arith.constant 0 : i32
      %dma_start3A_70 = tpu.memref_slice %arg7[%dma_start3A_68, %dma_start3A_69] : memref<2000x32xf32, #tpu.memory_space<vmem>> -> memref<80x32xf32, #tpu.memory_space<vmem>>
      %dma_start3A_71 = arith.constant 0 : i32
      %dma_start3A_72 = tpu.memref_slice %arg6[%add3A_67, %dma_start3A_71] : memref<125x80xi32, #tpu.memory_space<vmem>> -> memref<1x80xi32, #tpu.memory_space<vmem>>
      %dma_start3A_73 = tpu.memref_squeeze %dma_start3A_72 : memref<1x80xi32, #tpu.memory_space<vmem>> -> memref<80xi32, #tpu.memory_space<vmem>>
      %dma_start3A_74 = arith.constant 0 : i32
      %dma_start3A_75 = arith.constant 0 : i32
      %dma_start3A_76 = tpu.memref_slice %arg9[%dma_start3A_74, %dma_start3A_75] : memref<10240x32xf32, #tpu.memory_space<vmem_shared>> -> memref<10240x32xf32, #tpu.memory_space<vmem_shared>>
      tpu.enqueue_indirect_dma source(%dma_start3A_70 : memref<80x32xf32, #tpu.memory_space<vmem>>) target(%dma_start3A_76 : memref<10240x32xf32, #tpu.memory_space<vmem_shared>>) offsets(%dma_start3A_73 : memref<80xi32, #tpu.memory_space<vmem>>) semaphore(%arg11 : memref<!tpu.dma_semaphore, #tpu.memory_space<semaphore_mem>>) {add = true}
      %add3A_77 = arith.constant 5 : i32
      %add3A_78 = arith.addi %mul3A_19, %add3A_77 : i32
      %dma_start3A_79 = arith.constant 400 : i32
      %dma_start3A_80 = arith.constant 0 : i32
      %dma_start3A_81 = tpu.memref_slice %arg7[%dma_start3A_79, %dma_start3A_80] : memref<2000x32xf32, #tpu.memory_space<vmem>> -> memref<80x32xf32, #tpu.memory_space<vmem>>
      %dma_start3A_82 = arith.constant 0 : i32
      %dma_start3A_83 = tpu.memref_slice %arg6[%add3A_78, %dma_start3A_82] : memref<125x80xi32, #tpu.memory_space<vmem>> -> memref<1x80xi32, #tpu.memory_space<vmem>>
      %dma_start3A_84 = tpu.memref_squeeze %dma_start3A_83 : memref<1x80xi32, #tpu.memory_space<vmem>> -> memref<80xi32, #tpu.memory_space<vmem>>
      %dma_start3A_85 = arith.constant 0 : i32
      %dma_start3A_86 = arith.constant 0 : i32
      %dma_start3A_87 = tpu.memref_slice %arg9[%dma_start3A_85, %dma_start3A_86] : memref<10240x32xf32, #tpu.memory_space<vmem_shared>> -> memref<10240x32xf32, #tpu.memory_space<vmem_shared>>
      tpu.enqueue_indirect_dma source(%dma_start3A_81 : memref<80x32xf32, #tpu.memory_space<vmem>>) target(%dma_start3A_87 : memref<10240x32xf32, #tpu.memory_space<vmem_shared>>) offsets(%dma_start3A_84 : memref<80xi32, #tpu.memory_space<vmem>>) semaphore(%arg11 : memref<!tpu.dma_semaphore, #tpu.memory_space<semaphore_mem>>) {add = true}
      %add3A_88 = arith.constant 6 : i32
      %add3A_89 = arith.addi %mul3A_19, %add3A_88 : i32
      %dma_start3A_90 = arith.constant 480 : i32
      %dma_start3A_91 = arith.constant 0 : i32
      %dma_start3A_92 = tpu.memref_slice %arg7[%dma_start3A_90, %dma_start3A_91] : memref<2000x32xf32, #tpu.memory_space<vmem>> -> memref<80x32xf32, #tpu.memory_space<vmem>>
      %dma_start3A_93 = arith.constant 0 : i32
      %dma_start3A_94 = tpu.memref_slice %arg6[%add3A_89, %dma_start3A_93] : memref<125x80xi32, #tpu.memory_space<vmem>> -> memref<1x80xi32, #tpu.memory_space<vmem>>
      %dma_start3A_95 = tpu.memref_squeeze %dma_start3A_94 : memref<1x80xi32, #tpu.memory_space<vmem>> -> memref<80xi32, #tpu.memory_space<vmem>>
      %dma_start3A_96 = arith.constant 0 : i32
      %dma_start3A_97 = arith.constant 0 : i32
      %dma_start3A_98 = tpu.memref_slice %arg9[%dma_start3A_96, %dma_start3A_97] : memref<10240x32xf32, #tpu.memory_space<vmem_shared>> -> memref<10240x32xf32, #tpu.memory_space<vmem_shared>>
      tpu.enqueue_indirect_dma source(%dma_start3A_92 : memref<80x32xf32, #tpu.memory_space<vmem>>) target(%dma_start3A_98 : memref<10240x32xf32, #tpu.memory_space<vmem_shared>>) offsets(%dma_start3A_95 : memref<80xi32, #tpu.memory_space<vmem>>) semaphore(%arg11 : memref<!tpu.dma_semaphore, #tpu.memory_space<semaphore_mem>>) {add = true}
      %add3A_99 = arith.constant 7 : i32
      %add3A_100 = arith.addi %mul3A_19, %add3A_99 : i32
      %dma_start3A_101 = arith.constant 560 : i32
      %dma_start3A_102 = arith.constant 0 : i32
      %dma_start3A_103 = tpu.memref_slice %arg7[%dma_start3A_101, %dma_start3A_102] : memref<2000x32xf32, #tpu.memory_space<vmem>> -> memref<80x32xf32, #tpu.memory_space<vmem>>
      %dma_start3A_104 = arith.constant 0 : i32
      %dma_start3A_105 = tpu.memref_slice %arg6[%add3A_100, %dma_start3A_104] : memref<125x80xi32, #tpu.memory_space<vmem>> -> memref<1x80xi32, #tpu.memory_space<vmem>>
      %dma_start3A_106 = tpu.memref_squeeze %dma_start3A_105 : memref<1x80xi32, #tpu.memory_space<vmem>> -> memref<80xi32, #tpu.memory_space<vmem>>
      %dma_start3A_107 = arith.constant 0 : i32
      %dma_start3A_108 = arith.constant 0 : i32
      %dma_start3A_109 = tpu.memref_slice %arg9[%dma_start3A_107, %dma_start3A_108] : memref<10240x32xf32, #tpu.memory_space<vmem_shared>> -> memref<10240x32xf32, #tpu.memory_space<vmem_shared>>
      tpu.enqueue_indirect_dma source(%dma_start3A_103 : memref<80x32xf32, #tpu.memory_space<vmem>>) target(%dma_start3A_109 : memref<10240x32xf32, #tpu.memory_space<vmem_shared>>) offsets(%dma_start3A_106 : memref<80xi32, #tpu.memory_space<vmem>>) semaphore(%arg11 : memref<!tpu.dma_semaphore, #tpu.memory_space<semaphore_mem>>) {add = true}
      %add3A_110 = arith.constant 8 : i32
      %add3A_111 = arith.addi %mul3A_19, %add3A_110 : i32
      %dma_start3A_112 = arith.constant 640 : i32
      %dma_start3A_113 = arith.constant 0 : i32
      %dma_start3A_114 = tpu.memref_slice %arg7[%dma_start3A_112, %dma_start3A_113] : memref<2000x32xf32, #tpu.memory_space<vmem>> -> memref<80x32xf32, #tpu.memory_space<vmem>>
      %dma_start3A_115 = arith.constant 0 : i32
      %dma_start3A_116 = tpu.memref_slice %arg6[%add3A_111, %dma_start3A_115] : memref<125x80xi32, #tpu.memory_space<vmem>> -> memref<1x80xi32, #tpu.memory_space<vmem>>
      %dma_start3A_117 = tpu.memref_squeeze %dma_start3A_116 : memref<1x80xi32, #tpu.memory_space<vmem>> -> memref<80xi32, #tpu.memory_space<vmem>>
      %dma_start3A_118 = arith.constant 0 : i32
      %dma_start3A_119 = arith.constant 0 : i32
      %dma_start3A_120 = tpu.memref_slice %arg9[%dma_start3A_118, %dma_start3A_119] : memref<10240x32xf32, #tpu.memory_space<vmem_shared>> -> memref<10240x32xf32, #tpu.memory_space<vmem_shared>>
      tpu.enqueue_indirect_dma source(%dma_start3A_114 : memref<80x32xf32, #tpu.memory_space<vmem>>) target(%dma_start3A_120 : memref<10240x32xf32, #tpu.memory_space<vmem_shared>>) offsets(%dma_start3A_117 : memref<80xi32, #tpu.memory_space<vmem>>) semaphore(%arg11 : memref<!tpu.dma_semaphore, #tpu.memory_space<semaphore_mem>>) {add = true}
      %add3A_121 = arith.constant 9 : i32
      %add3A_122 = arith.addi %mul3A_19, %add3A_121 : i32
      %dma_start3A_123 = arith.constant 720 : i32
      %dma_start3A_124 = arith.constant 0 : i32
      %dma_start3A_125 = tpu.memref_slice %arg7[%dma_start3A_123, %dma_start3A_124] : memref<2000x32xf32, #tpu.memory_space<vmem>> -> memref<80x32xf32, #tpu.memory_space<vmem>>
      %dma_start3A_126 = arith.constant 0 : i32
      %dma_start3A_127 = tpu.memref_slice %arg6[%add3A_122, %dma_start3A_126] : memref<125x80xi32, #tpu.memory_space<vmem>> -> memref<1x80xi32, #tpu.memory_space<vmem>>
      %dma_start3A_128 = tpu.memref_squeeze %dma_start3A_127 : memref<1x80xi32, #tpu.memory_space<vmem>> -> memref<80xi32, #tpu.memory_space<vmem>>
      %dma_start3A_129 = arith.constant 0 : i32
      %dma_start3A_130 = arith.constant 0 : i32
      %dma_start3A_131 = tpu.memref_slice %arg9[%dma_start3A_129, %dma_start3A_130] : memref<10240x32xf32, #tpu.memory_space<vmem_shared>> -> memref<10240x32xf32, #tpu.memory_space<vmem_shared>>
      tpu.enqueue_indirect_dma source(%dma_start3A_125 : memref<80x32xf32, #tpu.memory_space<vmem>>) target(%dma_start3A_131 : memref<10240x32xf32, #tpu.memory_space<vmem_shared>>) offsets(%dma_start3A_128 : memref<80xi32, #tpu.memory_space<vmem>>) semaphore(%arg11 : memref<!tpu.dma_semaphore, #tpu.memory_space<semaphore_mem>>) {add = true}
      %add3A_132 = arith.constant 10 : i32
      %add3A_133 = arith.addi %mul3A_19, %add3A_132 : i32
      %dma_start3A_134 = arith.constant 800 : i32
      %dma_start3A_135 = arith.constant 0 : i32
      %dma_start3A_136 = tpu.memref_slice %arg7[%dma_start3A_134, %dma_start3A_135] : memref<2000x32xf32, #tpu.memory_space<vmem>> -> memref<80x32xf32, #tpu.memory_space<vmem>>
      %dma_start3A_137 = arith.constant 0 : i32
      %dma_start3A_138 = tpu.memref_slice %arg6[%add3A_133, %dma_start3A_137] : memref<125x80xi32, #tpu.memory_space<vmem>> -> memref<1x80xi32, #tpu.memory_space<vmem>>
      %dma_start3A_139 = tpu.memref_squeeze %dma_start3A_138 : memref<1x80xi32, #tpu.memory_space<vmem>> -> memref<80xi32, #tpu.memory_space<vmem>>
      %dma_start3A_140 = arith.constant 0 : i32
      %dma_start3A_141 = arith.constant 0 : i32
      %dma_start3A_142 = tpu.memref_slice %arg9[%dma_start3A_140, %dma_start3A_141] : memref<10240x32xf32, #tpu.memory_space<vmem_shared>> -> memref<10240x32xf32, #tpu.memory_space<vmem_shared>>
      tpu.enqueue_indirect_dma source(%dma_start3A_136 : memref<80x32xf32, #tpu.memory_space<vmem>>) target(%dma_start3A_142 : memref<10240x32xf32, #tpu.memory_space<vmem_shared>>) offsets(%dma_start3A_139 : memref<80xi32, #tpu.memory_space<vmem>>) semaphore(%arg11 : memref<!tpu.dma_semaphore, #tpu.memory_space<semaphore_mem>>) {add = true}
      %add3A_143 = arith.constant 11 : i32
      %add3A_144 = arith.addi %mul3A_19, %add3A_143 : i32
      %dma_start3A_145 = arith.constant 880 : i32
      %dma_start3A_146 = arith.constant 0 : i32
      %dma_start3A_147 = tpu.memref_slice %arg7[%dma_start3A_145, %dma_start3A_146] : memref<2000x32xf32, #tpu.memory_space<vmem>> -> memref<80x32xf32, #tpu.memory_space<vmem>>
      %dma_start3A_148 = arith.constant 0 : i32
      %dma_start3A_149 = tpu.memref_slice %arg6[%add3A_144, %dma_start3A_148] : memref<125x80xi32, #tpu.memory_space<vmem>> -> memref<1x80xi32, #tpu.memory_space<vmem>>
      %dma_start3A_150 = tpu.memref_squeeze %dma_start3A_149 : memref<1x80xi32, #tpu.memory_space<vmem>> -> memref<80xi32, #tpu.memory_space<vmem>>
      %dma_start3A_151 = arith.constant 0 : i32
      %dma_start3A_152 = arith.constant 0 : i32
      %dma_start3A_153 = tpu.memref_slice %arg9[%dma_start3A_151, %dma_start3A_152] : memref<10240x32xf32, #tpu.memory_space<vmem_shared>> -> memref<10240x32xf32, #tpu.memory_space<vmem_shared>>
      tpu.enqueue_indirect_dma source(%dma_start3A_147 : memref<80x32xf32, #tpu.memory_space<vmem>>) target(%dma_start3A_153 : memref<10240x32xf32, #tpu.memory_space<vmem_shared>>) offsets(%dma_start3A_150 : memref<80xi32, #tpu.memory_space<vmem>>) semaphore(%arg11 : memref<!tpu.dma_semaphore, #tpu.memory_space<semaphore_mem>>) {add = true}
      %add3A_154 = arith.constant 12 : i32
      %add3A_155 = arith.addi %mul3A_19, %add3A_154 : i32
      %dma_start3A_156 = arith.constant 960 : i32
      %dma_start3A_157 = arith.constant 0 : i32
      %dma_start3A_158 = tpu.memref_slice %arg7[%dma_start3A_156, %dma_start3A_157] : memref<2000x32xf32, #tpu.memory_space<vmem>> -> memref<80x32xf32, #tpu.memory_space<vmem>>
      %dma_start3A_159 = arith.constant 0 : i32
      %dma_start3A_160 = tpu.memref_slice %arg6[%add3A_155, %dma_start3A_159] : memref<125x80xi32, #tpu.memory_space<vmem>> -> memref<1x80xi32, #tpu.memory_space<vmem>>
      %dma_start3A_161 = tpu.memref_squeeze %dma_start3A_160 : memref<1x80xi32, #tpu.memory_space<vmem>> -> memref<80xi32, #tpu.memory_space<vmem>>
      %dma_start3A_162 = arith.constant 0 : i32
      %dma_start3A_163 = arith.constant 0 : i32
      %dma_start3A_164 = tpu.memref_slice %arg9[%dma_start3A_162, %dma_start3A_163] : memref<10240x32xf32, #tpu.memory_space<vmem_shared>> -> memref<10240x32xf32, #tpu.memory_space<vmem_shared>>
      tpu.enqueue_indirect_dma source(%dma_start3A_158 : memref<80x32xf32, #tpu.memory_space<vmem>>) target(%dma_start3A_164 : memref<10240x32xf32, #tpu.memory_space<vmem_shared>>) offsets(%dma_start3A_161 : memref<80xi32, #tpu.memory_space<vmem>>) semaphore(%arg11 : memref<!tpu.dma_semaphore, #tpu.memory_space<semaphore_mem>>) {add = true}
      %add3A_165 = arith.constant 13 : i32
      %add3A_166 = arith.addi %mul3A_19, %add3A_165 : i32
      %dma_start3A_167 = arith.constant 1040 : i32
      %dma_start3A_168 = arith.constant 0 : i32
      %dma_start3A_169 = tpu.memref_slice %arg7[%dma_start3A_167, %dma_start3A_168] : memref<2000x32xf32, #tpu.memory_space<vmem>> -> memref<80x32xf32, #tpu.memory_space<vmem>>
      %dma_start3A_170 = arith.constant 0 : i32
      %dma_start3A_171 = tpu.memref_slice %arg6[%add3A_166, %dma_start3A_170] : memref<125x80xi32, #tpu.memory_space<vmem>> -> memref<1x80xi32, #tpu.memory_space<vmem>>
      %dma_start3A_172 = tpu.memref_squeeze %dma_start3A_171 : memref<1x80xi32, #tpu.memory_space<vmem>> -> memref<80xi32, #tpu.memory_space<vmem>>
      %dma_start3A_173 = arith.constant 0 : i32
      %dma_start3A_174 = arith.constant 0 : i32
      %dma_start3A_175 = tpu.memref_slice %arg9[%dma_start3A_173, %dma_start3A_174] : memref<10240x32xf32, #tpu.memory_space<vmem_shared>> -> memref<10240x32xf32, #tpu.memory_space<vmem_shared>>
      tpu.enqueue_indirect_dma source(%dma_start3A_169 : memref<80x32xf32, #tpu.memory_space<vmem>>) target(%dma_start3A_175 : memref<10240x32xf32, #tpu.memory_space<vmem_shared>>) offsets(%dma_start3A_172 : memref<80xi32, #tpu.memory_space<vmem>>) semaphore(%arg11 : memref<!tpu.dma_semaphore, #tpu.memory_space<semaphore_mem>>) {add = true}
      %add3A_176 = arith.constant 14 : i32
      %add3A_177 = arith.addi %mul3A_19, %add3A_176 : i32
      %dma_start3A_178 = arith.constant 1120 : i32
      %dma_start3A_179 = arith.constant 0 : i32
      %dma_start3A_180 = tpu.memref_slice %arg7[%dma_start3A_178, %dma_start3A_179] : memref<2000x32xf32, #tpu.memory_space<vmem>> -> memref<80x32xf32, #tpu.memory_space<vmem>>
      %dma_start3A_181 = arith.constant 0 : i32
      %dma_start3A_182 = tpu.memref_slice %arg6[%add3A_177, %dma_start3A_181] : memref<125x80xi32, #tpu.memory_space<vmem>> -> memref<1x80xi32, #tpu.memory_space<vmem>>
      %dma_start3A_183 = tpu.memref_squeeze %dma_start3A_182 : memref<1x80xi32, #tpu.memory_space<vmem>> -> memref<80xi32, #tpu.memory_space<vmem>>
      %dma_start3A_184 = arith.constant 0 : i32
      %dma_start3A_185 = arith.constant 0 : i32
      %dma_start3A_186 = tpu.memref_slice %arg9[%dma_start3A_184, %dma_start3A_185] : memref<10240x32xf32, #tpu.memory_space<vmem_shared>> -> memref<10240x32xf32, #tpu.memory_space<vmem_shared>>
      tpu.enqueue_indirect_dma source(%dma_start3A_180 : memref<80x32xf32, #tpu.memory_space<vmem>>) target(%dma_start3A_186 : memref<10240x32xf32, #tpu.memory_space<vmem_shared>>) offsets(%dma_start3A_183 : memref<80xi32, #tpu.memory_space<vmem>>) semaphore(%arg11 : memref<!tpu.dma_semaphore, #tpu.memory_space<semaphore_mem>>) {add = true}
      %add3A_187 = arith.constant 15 : i32
      %add3A_188 = arith.addi %mul3A_19, %add3A_187 : i32
      %dma_start3A_189 = arith.constant 1200 : i32
      %dma_start3A_190 = arith.constant 0 : i32
      %dma_start3A_191 = tpu.memref_slice %arg7[%dma_start3A_189, %dma_start3A_190] : memref<2000x32xf32, #tpu.memory_space<vmem>> -> memref<80x32xf32, #tpu.memory_space<vmem>>
      %dma_start3A_192 = arith.constant 0 : i32
      %dma_start3A_193 = tpu.memref_slice %arg6[%add3A_188, %dma_start3A_192] : memref<125x80xi32, #tpu.memory_space<vmem>> -> memref<1x80xi32, #tpu.memory_space<vmem>>
      %dma_start3A_194 = tpu.memref_squeeze %dma_start3A_193 : memref<1x80xi32, #tpu.memory_space<vmem>> -> memref<80xi32, #tpu.memory_space<vmem>>
      %dma_start3A_195 = arith.constant 0 : i32
      %dma_start3A_196 = arith.constant 0 : i32
      %dma_start3A_197 = tpu.memref_slice %arg9[%dma_start3A_195, %dma_start3A_196] : memref<10240x32xf32, #tpu.memory_space<vmem_shared>> -> memref<10240x32xf32, #tpu.memory_space<vmem_shared>>
      tpu.enqueue_indirect_dma source(%dma_start3A_191 : memref<80x32xf32, #tpu.memory_space<vmem>>) target(%dma_start3A_197 : memref<10240x32xf32, #tpu.memory_space<vmem_shared>>) offsets(%dma_start3A_194 : memref<80xi32, #tpu.memory_space<vmem>>) semaphore(%arg11 : memref<!tpu.dma_semaphore, #tpu.memory_space<semaphore_mem>>) {add = true}
      %add3A_198 = arith.constant 16 : i32
      %add3A_199 = arith.addi %mul3A_19, %add3A_198 : i32
      %dma_start3A_200 = arith.constant 1280 : i32
      %dma_start3A_201 = arith.constant 0 : i32
      %dma_start3A_202 = tpu.memref_slice %arg7[%dma_start3A_200, %dma_start3A_201] : memref<2000x32xf32, #tpu.memory_space<vmem>> -> memref<80x32xf32, #tpu.memory_space<vmem>>
      %dma_start3A_203 = arith.constant 0 : i32
      %dma_start3A_204 = tpu.memref_slice %arg6[%add3A_199, %dma_start3A_203] : memref<125x80xi32, #tpu.memory_space<vmem>> -> memref<1x80xi32, #tpu.memory_space<vmem>>
      %dma_start3A_205 = tpu.memref_squeeze %dma_start3A_204 : memref<1x80xi32, #tpu.memory_space<vmem>> -> memref<80xi32, #tpu.memory_space<vmem>>
      %dma_start3A_206 = arith.constant 0 : i32
      %dma_start3A_207 = arith.constant 0 : i32
      %dma_start3A_208 = tpu.memref_slice %arg9[%dma_start3A_206, %dma_start3A_207] : memref<10240x32xf32, #tpu.memory_space<vmem_shared>> -> memref<10240x32xf32, #tpu.memory_space<vmem_shared>>
      tpu.enqueue_indirect_dma source(%dma_start3A_202 : memref<80x32xf32, #tpu.memory_space<vmem>>) target(%dma_start3A_208 : memref<10240x32xf32, #tpu.memory_space<vmem_shared>>) offsets(%dma_start3A_205 : memref<80xi32, #tpu.memory_space<vmem>>) semaphore(%arg11 : memref<!tpu.dma_semaphore, #tpu.memory_space<semaphore_mem>>) {add = true}
      %add3A_209 = arith.constant 17 : i32
      %add3A_210 = arith.addi %mul3A_19, %add3A_209 : i32
      %dma_start3A_211 = arith.constant 1360 : i32
      %dma_start3A_212 = arith.constant 0 : i32
      %dma_start3A_213 = tpu.memref_slice %arg7[%dma_start3A_211, %dma_start3A_212] : memref<2000x32xf32, #tpu.memory_space<vmem>> -> memref<80x32xf32, #tpu.memory_space<vmem>>
      %dma_start3A_214 = arith.constant 0 : i32
      %dma_start3A_215 = tpu.memref_slice %arg6[%add3A_210, %dma_start3A_214] : memref<125x80xi32, #tpu.memory_space<vmem>> -> memref<1x80xi32, #tpu.memory_space<vmem>>
      %dma_start3A_216 = tpu.memref_squeeze %dma_start3A_215 : memref<1x80xi32, #tpu.memory_space<vmem>> -> memref<80xi32, #tpu.memory_space<vmem>>
      %dma_start3A_217 = arith.constant 0 : i32
      %dma_start3A_218 = arith.constant 0 : i32
      %dma_start3A_219 = tpu.memref_slice %arg9[%dma_start3A_217, %dma_start3A_218] : memref<10240x32xf32, #tpu.memory_space<vmem_shared>> -> memref<10240x32xf32, #tpu.memory_space<vmem_shared>>
      tpu.enqueue_indirect_dma source(%dma_start3A_213 : memref<80x32xf32, #tpu.memory_space<vmem>>) target(%dma_start3A_219 : memref<10240x32xf32, #tpu.memory_space<vmem_shared>>) offsets(%dma_start3A_216 : memref<80xi32, #tpu.memory_space<vmem>>) semaphore(%arg11 : memref<!tpu.dma_semaphore, #tpu.memory_space<semaphore_mem>>) {add = true}
      %add3A_220 = arith.constant 18 : i32
      %add3A_221 = arith.addi %mul3A_19, %add3A_220 : i32
      %dma_start3A_222 = arith.constant 1440 : i32
      %dma_start3A_223 = arith.constant 0 : i32
      %dma_start3A_224 = tpu.memref_slice %arg7[%dma_start3A_222, %dma_start3A_223] : memref<2000x32xf32, #tpu.memory_space<vmem>> -> memref<80x32xf32, #tpu.memory_space<vmem>>
      %dma_start3A_225 = arith.constant 0 : i32
      %dma_start3A_226 = tpu.memref_slice %arg6[%add3A_221, %dma_start3A_225] : memref<125x80xi32, #tpu.memory_space<vmem>> -> memref<1x80xi32, #tpu.memory_space<vmem>>
      %dma_start3A_227 = tpu.memref_squeeze %dma_start3A_226 : memref<1x80xi32, #tpu.memory_space<vmem>> -> memref<80xi32, #tpu.memory_space<vmem>>
      %dma_start3A_228 = arith.constant 0 : i32
      %dma_start3A_229 = arith.constant 0 : i32
      %dma_start3A_230 = tpu.memref_slice %arg9[%dma_start3A_228, %dma_start3A_229] : memref<10240x32xf32, #tpu.memory_space<vmem_shared>> -> memref<10240x32xf32, #tpu.memory_space<vmem_shared>>
      tpu.enqueue_indirect_dma source(%dma_start3A_224 : memref<80x32xf32, #tpu.memory_space<vmem>>) target(%dma_start3A_230 : memref<10240x32xf32, #tpu.memory_space<vmem_shared>>) offsets(%dma_start3A_227 : memref<80xi32, #tpu.memory_space<vmem>>) semaphore(%arg11 : memref<!tpu.dma_semaphore, #tpu.memory_space<semaphore_mem>>) {add = true}
      %add3A_231 = arith.constant 19 : i32
      %add3A_232 = arith.addi %mul3A_19, %add3A_231 : i32
      %dma_start3A_233 = arith.constant 1520 : i32
      %dma_start3A_234 = arith.constant 0 : i32
      %dma_start3A_235 = tpu.memref_slice %arg7[%dma_start3A_233, %dma_start3A_234] : memref<2000x32xf32, #tpu.memory_space<vmem>> -> memref<80x32xf32, #tpu.memory_space<vmem>>
      %dma_start3A_236 = arith.constant 0 : i32
      %dma_start3A_237 = tpu.memref_slice %arg6[%add3A_232, %dma_start3A_236] : memref<125x80xi32, #tpu.memory_space<vmem>> -> memref<1x80xi32, #tpu.memory_space<vmem>>
      %dma_start3A_238 = tpu.memref_squeeze %dma_start3A_237 : memref<1x80xi32, #tpu.memory_space<vmem>> -> memref<80xi32, #tpu.memory_space<vmem>>
      %dma_start3A_239 = arith.constant 0 : i32
      %dma_start3A_240 = arith.constant 0 : i32
      %dma_start3A_241 = tpu.memref_slice %arg9[%dma_start3A_239, %dma_start3A_240] : memref<10240x32xf32, #tpu.memory_space<vmem_shared>> -> memref<10240x32xf32, #tpu.memory_space<vmem_shared>>
      tpu.enqueue_indirect_dma source(%dma_start3A_235 : memref<80x32xf32, #tpu.memory_space<vmem>>) target(%dma_start3A_241 : memref<10240x32xf32, #tpu.memory_space<vmem_shared>>) offsets(%dma_start3A_238 : memref<80xi32, #tpu.memory_space<vmem>>) semaphore(%arg11 : memref<!tpu.dma_semaphore, #tpu.memory_space<semaphore_mem>>) {add = true}
      %add3A_242 = arith.constant 20 : i32
      %add3A_243 = arith.addi %mul3A_19, %add3A_242 : i32
      %dma_start3A_244 = arith.constant 1600 : i32
      %dma_start3A_245 = arith.constant 0 : i32
      %dma_start3A_246 = tpu.memref_slice %arg7[%dma_start3A_244, %dma_start3A_245] : memref<2000x32xf32, #tpu.memory_space<vmem>> -> memref<80x32xf32, #tpu.memory_space<vmem>>
      %dma_start3A_247 = arith.constant 0 : i32
      %dma_start3A_248 = tpu.memref_slice %arg6[%add3A_243, %dma_start3A_247] : memref<125x80xi32, #tpu.memory_space<vmem>> -> memref<1x80xi32, #tpu.memory_space<vmem>>
      %dma_start3A_249 = tpu.memref_squeeze %dma_start3A_248 : memref<1x80xi32, #tpu.memory_space<vmem>> -> memref<80xi32, #tpu.memory_space<vmem>>
      %dma_start3A_250 = arith.constant 0 : i32
      %dma_start3A_251 = arith.constant 0 : i32
      %dma_start3A_252 = tpu.memref_slice %arg9[%dma_start3A_250, %dma_start3A_251] : memref<10240x32xf32, #tpu.memory_space<vmem_shared>> -> memref<10240x32xf32, #tpu.memory_space<vmem_shared>>
      tpu.enqueue_indirect_dma source(%dma_start3A_246 : memref<80x32xf32, #tpu.memory_space<vmem>>) target(%dma_start3A_252 : memref<10240x32xf32, #tpu.memory_space<vmem_shared>>) offsets(%dma_start3A_249 : memref<80xi32, #tpu.memory_space<vmem>>) semaphore(%arg11 : memref<!tpu.dma_semaphore, #tpu.memory_space<semaphore_mem>>) {add = true}
      %add3A_253 = arith.constant 21 : i32
      %add3A_254 = arith.addi %mul3A_19, %add3A_253 : i32
      %dma_start3A_255 = arith.constant 1680 : i32
      %dma_start3A_256 = arith.constant 0 : i32
      %dma_start3A_257 = tpu.memref_slice %arg7[%dma_start3A_255, %dma_start3A_256] : memref<2000x32xf32, #tpu.memory_space<vmem>> -> memref<80x32xf32, #tpu.memory_space<vmem>>
      %dma_start3A_258 = arith.constant 0 : i32
      %dma_start3A_259 = tpu.memref_slice %arg6[%add3A_254, %dma_start3A_258] : memref<125x80xi32, #tpu.memory_space<vmem>> -> memref<1x80xi32, #tpu.memory_space<vmem>>
      %dma_start3A_260 = tpu.memref_squeeze %dma_start3A_259 : memref<1x80xi32, #tpu.memory_space<vmem>> -> memref<80xi32, #tpu.memory_space<vmem>>
      %dma_start3A_261 = arith.constant 0 : i32
      %dma_start3A_262 = arith.constant 0 : i32
      %dma_start3A_263 = tpu.memref_slice %arg9[%dma_start3A_261, %dma_start3A_262] : memref<10240x32xf32, #tpu.memory_space<vmem_shared>> -> memref<10240x32xf32, #tpu.memory_space<vmem_shared>>
      tpu.enqueue_indirect_dma source(%dma_start3A_257 : memref<80x32xf32, #tpu.memory_space<vmem>>) target(%dma_start3A_263 : memref<10240x32xf32, #tpu.memory_space<vmem_shared>>) offsets(%dma_start3A_260 : memref<80xi32, #tpu.memory_space<vmem>>) semaphore(%arg11 : memref<!tpu.dma_semaphore, #tpu.memory_space<semaphore_mem>>) {add = true}
      %add3A_264 = arith.constant 22 : i32
      %add3A_265 = arith.addi %mul3A_19, %add3A_264 : i32
      %dma_start3A_266 = arith.constant 1760 : i32
      %dma_start3A_267 = arith.constant 0 : i32
      %dma_start3A_268 = tpu.memref_slice %arg7[%dma_start3A_266, %dma_start3A_267] : memref<2000x32xf32, #tpu.memory_space<vmem>> -> memref<80x32xf32, #tpu.memory_space<vmem>>
      %dma_start3A_269 = arith.constant 0 : i32
      %dma_start3A_270 = tpu.memref_slice %arg6[%add3A_265, %dma_start3A_269] : memref<125x80xi32, #tpu.memory_space<vmem>> -> memref<1x80xi32, #tpu.memory_space<vmem>>
      %dma_start3A_271 = tpu.memref_squeeze %dma_start3A_270 : memref<1x80xi32, #tpu.memory_space<vmem>> -> memref<80xi32, #tpu.memory_space<vmem>>
      %dma_start3A_272 = arith.constant 0 : i32
      %dma_start3A_273 = arith.constant 0 : i32
      %dma_start3A_274 = tpu.memref_slice %arg9[%dma_start3A_272, %dma_start3A_273] : memref<10240x32xf32, #tpu.memory_space<vmem_shared>> -> memref<10240x32xf32, #tpu.memory_space<vmem_shared>>
      tpu.enqueue_indirect_dma source(%dma_start3A_268 : memref<80x32xf32, #tpu.memory_space<vmem>>) target(%dma_start3A_274 : memref<10240x32xf32, #tpu.memory_space<vmem_shared>>) offsets(%dma_start3A_271 : memref<80xi32, #tpu.memory_space<vmem>>) semaphore(%arg11 : memref<!tpu.dma_semaphore, #tpu.memory_space<semaphore_mem>>) {add = true}
      %add3A_275 = arith.constant 23 : i32
      %add3A_276 = arith.addi %mul3A_19, %add3A_275 : i32
      %dma_start3A_277 = arith.constant 1840 : i32
      %dma_start3A_278 = arith.constant 0 : i32
      %dma_start3A_279 = tpu.memref_slice %arg7[%dma_start3A_277, %dma_start3A_278] : memref<2000x32xf32, #tpu.memory_space<vmem>> -> memref<80x32xf32, #tpu.memory_space<vmem>>
      %dma_start3A_280 = arith.constant 0 : i32
      %dma_start3A_281 = tpu.memref_slice %arg6[%add3A_276, %dma_start3A_280] : memref<125x80xi32, #tpu.memory_space<vmem>> -> memref<1x80xi32, #tpu.memory_space<vmem>>
      %dma_start3A_282 = tpu.memref_squeeze %dma_start3A_281 : memref<1x80xi32, #tpu.memory_space<vmem>> -> memref<80xi32, #tpu.memory_space<vmem>>
      %dma_start3A_283 = arith.constant 0 : i32
      %dma_start3A_284 = arith.constant 0 : i32
      %dma_start3A_285 = tpu.memref_slice %arg9[%dma_start3A_283, %dma_start3A_284] : memref<10240x32xf32, #tpu.memory_space<vmem_shared>> -> memref<10240x32xf32, #tpu.memory_space<vmem_shared>>
      tpu.enqueue_indirect_dma source(%dma_start3A_279 : memref<80x32xf32, #tpu.memory_space<vmem>>) target(%dma_start3A_285 : memref<10240x32xf32, #tpu.memory_space<vmem_shared>>) offsets(%dma_start3A_282 : memref<80xi32, #tpu.memory_space<vmem>>) semaphore(%arg11 : memref<!tpu.dma_semaphore, #tpu.memory_space<semaphore_mem>>) {add = true}
      %add3A_286 = arith.constant 24 : i32
      %add3A_287 = arith.addi %mul3A_19, %add3A_286 : i32
      %dma_start3A_288 = arith.constant 1920 : i32
      %dma_start3A_289 = arith.constant 0 : i32
      %dma_start3A_290 = tpu.memref_slice %arg7[%dma_start3A_288, %dma_start3A_289] : memref<2000x32xf32, #tpu.memory_space<vmem>> -> memref<80x32xf32, #tpu.memory_space<vmem>>
      %dma_start3A_291 = arith.constant 0 : i32
      %dma_start3A_292 = tpu.memref_slice %arg6[%add3A_287, %dma_start3A_291] : memref<125x80xi32, #tpu.memory_space<vmem>> -> memref<1x80xi32, #tpu.memory_space<vmem>>
      %dma_start3A_293 = tpu.memref_squeeze %dma_start3A_292 : memref<1x80xi32, #tpu.memory_space<vmem>> -> memref<80xi32, #tpu.memory_space<vmem>>
      %dma_start3A_294 = arith.constant 0 : i32
      %dma_start3A_295 = arith.constant 0 : i32
      %dma_start3A_296 = tpu.memref_slice %arg9[%dma_start3A_294, %dma_start3A_295] : memref<10240x32xf32, #tpu.memory_space<vmem_shared>> -> memref<10240x32xf32, #tpu.memory_space<vmem_shared>>
      tpu.enqueue_indirect_dma source(%dma_start3A_290 : memref<80x32xf32, #tpu.memory_space<vmem>>) target(%dma_start3A_296 : memref<10240x32xf32, #tpu.memory_space<vmem_shared>>) offsets(%dma_start3A_293 : memref<80xi32, #tpu.memory_space<vmem>>) semaphore(%arg11 : memref<!tpu.dma_semaphore, #tpu.memory_space<semaphore_mem>>) {add = true}
      %dma_wait3A = arith.constant 0 : i32
      %dma_wait3A_297 = arith.constant 0 : i32
      %dma_wait3A_298 = tpu.memref_slice %arg7[%dma_wait3A, %dma_wait3A_297] : memref<2000x32xf32, #tpu.memory_space<vmem>> -> memref<80x32xf32, #tpu.memory_space<vmem>>
      %dma_wait3A_299 = arith.constant 0 : i32
      %dma_wait3A_300 = tpu.memref_slice %arg6[%add3A_24, %dma_wait3A_299] : memref<125x80xi32, #tpu.memory_space<vmem>> -> memref<1x80xi32, #tpu.memory_space<vmem>>
      %dma_wait3A_301 = tpu.memref_squeeze %dma_wait3A_300 : memref<1x80xi32, #tpu.memory_space<vmem>> -> memref<80xi32, #tpu.memory_space<vmem>>
      %dma_wait3A_302 = arith.constant 0 : i32
      %dma_wait3A_303 = arith.constant 0 : i32
      %dma_wait3A_304 = tpu.memref_slice %arg9[%dma_wait3A_302, %dma_wait3A_303] : memref<10240x32xf32, #tpu.memory_space<vmem_shared>> -> memref<10240x32xf32, #tpu.memory_space<vmem_shared>>
      tpu.wait_indirect_dma semaphore(%arg11 : memref<!tpu.dma_semaphore, #tpu.memory_space<semaphore_mem>>) src(%dma_wait3A_298 : memref<80x32xf32, #tpu.memory_space<vmem>>) dst(%dma_wait3A_304 : memref<10240x32xf32, #tpu.memory_space<vmem_shared>>)
      %dma_wait3A_305 = arith.constant 80 : i32
      %dma_wait3A_306 = arith.constant 0 : i32
      %dma_wait3A_307 = tpu.memref_slice %arg7[%dma_wait3A_305, %dma_wait3A_306] : memref<2000x32xf32, #tpu.memory_space<vmem>> -> memref<80x32xf32, #tpu.memory_space<vmem>>
      %dma_wait3A_308 = arith.constant 0 : i32
      %dma_wait3A_309 = tpu.memref_slice %arg6[%add3A_34, %dma_wait3A_308] : memref<125x80xi32, #tpu.memory_space<vmem>> -> memref<1x80xi32, #tpu.memory_space<vmem>>
      %dma_wait3A_310 = tpu.memref_squeeze %dma_wait3A_309 : memref<1x80xi32, #tpu.memory_space<vmem>> -> memref<80xi32, #tpu.memory_space<vmem>>
      %dma_wait3A_311 = arith.constant 0 : i32
      %dma_wait3A_312 = arith.constant 0 : i32
      %dma_wait3A_313 = tpu.memref_slice %arg9[%dma_wait3A_311, %dma_wait3A_312] : memref<10240x32xf32, #tpu.memory_space<vmem_shared>> -> memref<10240x32xf32, #tpu.memory_space<vmem_shared>>
      tpu.wait_indirect_dma semaphore(%arg11 : memref<!tpu.dma_semaphore, #tpu.memory_space<semaphore_mem>>) src(%dma_wait3A_307 : memref<80x32xf32, #tpu.memory_space<vmem>>) dst(%dma_wait3A_313 : memref<10240x32xf32, #tpu.memory_space<vmem_shared>>)
      %dma_wait3A_314 = arith.constant 160 : i32
      %dma_wait3A_315 = arith.constant 0 : i32
      %dma_wait3A_316 = tpu.memref_slice %arg7[%dma_wait3A_314, %dma_wait3A_315] : memref<2000x32xf32, #tpu.memory_space<vmem>> -> memref<80x32xf32, #tpu.memory_space<vmem>>
      %dma_wait3A_317 = arith.constant 0 : i32
      %dma_wait3A_318 = tpu.memref_slice %arg6[%add3A_45, %dma_wait3A_317] : memref<125x80xi32, #tpu.memory_space<vmem>> -> memref<1x80xi32, #tpu.memory_space<vmem>>
      %dma_wait3A_319 = tpu.memref_squeeze %dma_wait3A_318 : memref<1x80xi32, #tpu.memory_space<vmem>> -> memref<80xi32, #tpu.memory_space<vmem>>
      %dma_wait3A_320 = arith.constant 0 : i32
      %dma_wait3A_321 = arith.constant 0 : i32
      %dma_wait3A_322 = tpu.memref_slice %arg9[%dma_wait3A_320, %dma_wait3A_321] : memref<10240x32xf32, #tpu.memory_space<vmem_shared>> -> memref<10240x32xf32, #tpu.memory_space<vmem_shared>>
      tpu.wait_indirect_dma semaphore(%arg11 : memref<!tpu.dma_semaphore, #tpu.memory_space<semaphore_mem>>) src(%dma_wait3A_316 : memref<80x32xf32, #tpu.memory_space<vmem>>) dst(%dma_wait3A_322 : memref<10240x32xf32, #tpu.memory_space<vmem_shared>>)
      %dma_wait3A_323 = arith.constant 240 : i32
      %dma_wait3A_324 = arith.constant 0 : i32
      %dma_wait3A_325 = tpu.memref_slice %arg7[%dma_wait3A_323, %dma_wait3A_324] : memref<2000x32xf32, #tpu.memory_space<vmem>> -> memref<80x32xf32, #tpu.memory_space<vmem>>
      %dma_wait3A_326 = arith.constant 0 : i32
      %dma_wait3A_327 = tpu.memref_slice %arg6[%add3A_56, %dma_wait3A_326] : memref<125x80xi32, #tpu.memory_space<vmem>> -> memref<1x80xi32, #tpu.memory_space<vmem>>
      %dma_wait3A_328 = tpu.memref_squeeze %dma_wait3A_327 : memref<1x80xi32, #tpu.memory_space<vmem>> -> memref<80xi32, #tpu.memory_space<vmem>>
      %dma_wait3A_329 = arith.constant 0 : i32
      %dma_wait3A_330 = arith.constant 0 : i32
      %dma_wait3A_331 = tpu.memref_slice %arg9[%dma_wait3A_329, %dma_wait3A_330] : memref<10240x32xf32, #tpu.memory_space<vmem_shared>> -> memref<10240x32xf32, #tpu.memory_space<vmem_shared>>
      tpu.wait_indirect_dma semaphore(%arg11 : memref<!tpu.dma_semaphore, #tpu.memory_space<semaphore_mem>>) src(%dma_wait3A_325 : memref<80x32xf32, #tpu.memory_space<vmem>>) dst(%dma_wait3A_331 : memref<10240x32xf32, #tpu.memory_space<vmem_shared>>)
      %dma_wait3A_332 = arith.constant 320 : i32
      %dma_wait3A_333 = arith.constant 0 : i32
      %dma_wait3A_334 = tpu.memref_slice %arg7[%dma_wait3A_332, %dma_wait3A_333] : memref<2000x32xf32, #tpu.memory_space<vmem>> -> memref<80x32xf32, #tpu.memory_space<vmem>>
      %dma_wait3A_335 = arith.constant 0 : i32
      %dma_wait3A_336 = tpu.memref_slice %arg6[%add3A_67, %dma_wait3A_335] : memref<125x80xi32, #tpu.memory_space<vmem>> -> memref<1x80xi32, #tpu.memory_space<vmem>>
      %dma_wait3A_337 = tpu.memref_squeeze %dma_wait3A_336 : memref<1x80xi32, #tpu.memory_space<vmem>> -> memref<80xi32, #tpu.memory_space<vmem>>
      %dma_wait3A_338 = arith.constant 0 : i32
      %dma_wait3A_339 = arith.constant 0 : i32
      %dma_wait3A_340 = tpu.memref_slice %arg9[%dma_wait3A_338, %dma_wait3A_339] : memref<10240x32xf32, #tpu.memory_space<vmem_shared>> -> memref<10240x32xf32, #tpu.memory_space<vmem_shared>>
      tpu.wait_indirect_dma semaphore(%arg11 : memref<!tpu.dma_semaphore, #tpu.memory_space<semaphore_mem>>) src(%dma_wait3A_334 : memref<80x32xf32, #tpu.memory_space<vmem>>) dst(%dma_wait3A_340 : memref<10240x32xf32, #tpu.memory_space<vmem_shared>>)
      %dma_wait3A_341 = arith.constant 400 : i32
      %dma_wait3A_342 = arith.constant 0 : i32
      %dma_wait3A_343 = tpu.memref_slice %arg7[%dma_wait3A_341, %dma_wait3A_342] : memref<2000x32xf32, #tpu.memory_space<vmem>> -> memref<80x32xf32, #tpu.memory_space<vmem>>
      %dma_wait3A_344 = arith.constant 0 : i32
      %dma_wait3A_345 = tpu.memref_slice %arg6[%add3A_78, %dma_wait3A_344] : memref<125x80xi32, #tpu.memory_space<vmem>> -> memref<1x80xi32, #tpu.memory_space<vmem>>
      %dma_wait3A_346 = tpu.memref_squeeze %dma_wait3A_345 : memref<1x80xi32, #tpu.memory_space<vmem>> -> memref<80xi32, #tpu.memory_space<vmem>>
      %dma_wait3A_347 = arith.constant 0 : i32
      %dma_wait3A_348 = arith.constant 0 : i32
      %dma_wait3A_349 = tpu.memref_slice %arg9[%dma_wait3A_347, %dma_wait3A_348] : memref<10240x32xf32, #tpu.memory_space<vmem_shared>> -> memref<10240x32xf32, #tpu.memory_space<vmem_shared>>
      tpu.wait_indirect_dma semaphore(%arg11 : memref<!tpu.dma_semaphore, #tpu.memory_space<semaphore_mem>>) src(%dma_wait3A_343 : memref<80x32xf32, #tpu.memory_space<vmem>>) dst(%dma_wait3A_349 : memref<10240x32xf32, #tpu.memory_space<vmem_shared>>)
      %dma_wait3A_350 = arith.constant 480 : i32
      %dma_wait3A_351 = arith.constant 0 : i32
      %dma_wait3A_352 = tpu.memref_slice %arg7[%dma_wait3A_350, %dma_wait3A_351] : memref<2000x32xf32, #tpu.memory_space<vmem>> -> memref<80x32xf32, #tpu.memory_space<vmem>>
      %dma_wait3A_353 = arith.constant 0 : i32
      %dma_wait3A_354 = tpu.memref_slice %arg6[%add3A_89, %dma_wait3A_353] : memref<125x80xi32, #tpu.memory_space<vmem>> -> memref<1x80xi32, #tpu.memory_space<vmem>>
      %dma_wait3A_355 = tpu.memref_squeeze %dma_wait3A_354 : memref<1x80xi32, #tpu.memory_space<vmem>> -> memref<80xi32, #tpu.memory_space<vmem>>
      %dma_wait3A_356 = arith.constant 0 : i32
      %dma_wait3A_357 = arith.constant 0 : i32
      %dma_wait3A_358 = tpu.memref_slice %arg9[%dma_wait3A_356, %dma_wait3A_357] : memref<10240x32xf32, #tpu.memory_space<vmem_shared>> -> memref<10240x32xf32, #tpu.memory_space<vmem_shared>>
      tpu.wait_indirect_dma semaphore(%arg11 : memref<!tpu.dma_semaphore, #tpu.memory_space<semaphore_mem>>) src(%dma_wait3A_352 : memref<80x32xf32, #tpu.memory_space<vmem>>) dst(%dma_wait3A_358 : memref<10240x32xf32, #tpu.memory_space<vmem_shared>>)
      %dma_wait3A_359 = arith.constant 560 : i32
      %dma_wait3A_360 = arith.constant 0 : i32
      %dma_wait3A_361 = tpu.memref_slice %arg7[%dma_wait3A_359, %dma_wait3A_360] : memref<2000x32xf32, #tpu.memory_space<vmem>> -> memref<80x32xf32, #tpu.memory_space<vmem>>
      %dma_wait3A_362 = arith.constant 0 : i32
      %dma_wait3A_363 = tpu.memref_slice %arg6[%add3A_100, %dma_wait3A_362] : memref<125x80xi32, #tpu.memory_space<vmem>> -> memref<1x80xi32, #tpu.memory_space<vmem>>
      %dma_wait3A_364 = tpu.memref_squeeze %dma_wait3A_363 : memref<1x80xi32, #tpu.memory_space<vmem>> -> memref<80xi32, #tpu.memory_space<vmem>>
      %dma_wait3A_365 = arith.constant 0 : i32
      %dma_wait3A_366 = arith.constant 0 : i32
      %dma_wait3A_367 = tpu.memref_slice %arg9[%dma_wait3A_365, %dma_wait3A_366] : memref<10240x32xf32, #tpu.memory_space<vmem_shared>> -> memref<10240x32xf32, #tpu.memory_space<vmem_shared>>
      tpu.wait_indirect_dma semaphore(%arg11 : memref<!tpu.dma_semaphore, #tpu.memory_space<semaphore_mem>>) src(%dma_wait3A_361 : memref<80x32xf32, #tpu.memory_space<vmem>>) dst(%dma_wait3A_367 : memref<10240x32xf32, #tpu.memory_space<vmem_shared>>)
      %dma_wait3A_368 = arith.constant 640 : i32
      %dma_wait3A_369 = arith.constant 0 : i32
      %dma_wait3A_370 = tpu.memref_slice %arg7[%dma_wait3A_368, %dma_wait3A_369] : memref<2000x32xf32, #tpu.memory_space<vmem>> -> memref<80x32xf32, #tpu.memory_space<vmem>>
      %dma_wait3A_371 = arith.constant 0 : i32
      %dma_wait3A_372 = tpu.memref_slice %arg6[%add3A_111, %dma_wait3A_371] : memref<125x80xi32, #tpu.memory_space<vmem>> -> memref<1x80xi32, #tpu.memory_space<vmem>>
      %dma_wait3A_373 = tpu.memref_squeeze %dma_wait3A_372 : memref<1x80xi32, #tpu.memory_space<vmem>> -> memref<80xi32, #tpu.memory_space<vmem>>
      %dma_wait3A_374 = arith.constant 0 : i32
      %dma_wait3A_375 = arith.constant 0 : i32
      %dma_wait3A_376 = tpu.memref_slice %arg9[%dma_wait3A_374, %dma_wait3A_375] : memref<10240x32xf32, #tpu.memory_space<vmem_shared>> -> memref<10240x32xf32, #tpu.memory_space<vmem_shared>>
      tpu.wait_indirect_dma semaphore(%arg11 : memref<!tpu.dma_semaphore, #tpu.memory_space<semaphore_mem>>) src(%dma_wait3A_370 : memref<80x32xf32, #tpu.memory_space<vmem>>) dst(%dma_wait3A_376 : memref<10240x32xf32, #tpu.memory_space<vmem_shared>>)
      %dma_wait3A_377 = arith.constant 720 : i32
      %dma_wait3A_378 = arith.constant 0 : i32
      %dma_wait3A_379 = tpu.memref_slice %arg7[%dma_wait3A_377, %dma_wait3A_378] : memref<2000x32xf32, #tpu.memory_space<vmem>> -> memref<80x32xf32, #tpu.memory_space<vmem>>
      %dma_wait3A_380 = arith.constant 0 : i32
      %dma_wait3A_381 = tpu.memref_slice %arg6[%add3A_122, %dma_wait3A_380] : memref<125x80xi32, #tpu.memory_space<vmem>> -> memref<1x80xi32, #tpu.memory_space<vmem>>
      %dma_wait3A_382 = tpu.memref_squeeze %dma_wait3A_381 : memref<1x80xi32, #tpu.memory_space<vmem>> -> memref<80xi32, #tpu.memory_space<vmem>>
      %dma_wait3A_383 = arith.constant 0 : i32
      %dma_wait3A_384 = arith.constant 0 : i32
      %dma_wait3A_385 = tpu.memref_slice %arg9[%dma_wait3A_383, %dma_wait3A_384] : memref<10240x32xf32, #tpu.memory_space<vmem_shared>> -> memref<10240x32xf32, #tpu.memory_space<vmem_shared>>
      tpu.wait_indirect_dma semaphore(%arg11 : memref<!tpu.dma_semaphore, #tpu.memory_space<semaphore_mem>>) src(%dma_wait3A_379 : memref<80x32xf32, #tpu.memory_space<vmem>>) dst(%dma_wait3A_385 : memref<10240x32xf32, #tpu.memory_space<vmem_shared>>)
      %dma_wait3A_386 = arith.constant 800 : i32
      %dma_wait3A_387 = arith.constant 0 : i32
      %dma_wait3A_388 = tpu.memref_slice %arg7[%dma_wait3A_386, %dma_wait3A_387] : memref<2000x32xf32, #tpu.memory_space<vmem>> -> memref<80x32xf32, #tpu.memory_space<vmem>>
      %dma_wait3A_389 = arith.constant 0 : i32
      %dma_wait3A_390 = tpu.memref_slice %arg6[%add3A_133, %dma_wait3A_389] : memref<125x80xi32, #tpu.memory_space<vmem>> -> memref<1x80xi32, #tpu.memory_space<vmem>>
      %dma_wait3A_391 = tpu.memref_squeeze %dma_wait3A_390 : memref<1x80xi32, #tpu.memory_space<vmem>> -> memref<80xi32, #tpu.memory_space<vmem>>
      %dma_wait3A_392 = arith.constant 0 : i32
      %dma_wait3A_393 = arith.constant 0 : i32
      %dma_wait3A_394 = tpu.memref_slice %arg9[%dma_wait3A_392, %dma_wait3A_393] : memref<10240x32xf32, #tpu.memory_space<vmem_shared>> -> memref<10240x32xf32, #tpu.memory_space<vmem_shared>>
      tpu.wait_indirect_dma semaphore(%arg11 : memref<!tpu.dma_semaphore, #tpu.memory_space<semaphore_mem>>) src(%dma_wait3A_388 : memref<80x32xf32, #tpu.memory_space<vmem>>) dst(%dma_wait3A_394 : memref<10240x32xf32, #tpu.memory_space<vmem_shared>>)
      %dma_wait3A_395 = arith.constant 880 : i32
      %dma_wait3A_396 = arith.constant 0 : i32
      %dma_wait3A_397 = tpu.memref_slice %arg7[%dma_wait3A_395, %dma_wait3A_396] : memref<2000x32xf32, #tpu.memory_space<vmem>> -> memref<80x32xf32, #tpu.memory_space<vmem>>
      %dma_wait3A_398 = arith.constant 0 : i32
      %dma_wait3A_399 = tpu.memref_slice %arg6[%add3A_144, %dma_wait3A_398] : memref<125x80xi32, #tpu.memory_space<vmem>> -> memref<1x80xi32, #tpu.memory_space<vmem>>
      %dma_wait3A_400 = tpu.memref_squeeze %dma_wait3A_399 : memref<1x80xi32, #tpu.memory_space<vmem>> -> memref<80xi32, #tpu.memory_space<vmem>>
      %dma_wait3A_401 = arith.constant 0 : i32
      %dma_wait3A_402 = arith.constant 0 : i32
      %dma_wait3A_403 = tpu.memref_slice %arg9[%dma_wait3A_401, %dma_wait3A_402] : memref<10240x32xf32, #tpu.memory_space<vmem_shared>> -> memref<10240x32xf32, #tpu.memory_space<vmem_shared>>
      tpu.wait_indirect_dma semaphore(%arg11 : memref<!tpu.dma_semaphore, #tpu.memory_space<semaphore_mem>>) src(%dma_wait3A_397 : memref<80x32xf32, #tpu.memory_space<vmem>>) dst(%dma_wait3A_403 : memref<10240x32xf32, #tpu.memory_space<vmem_shared>>)
      %dma_wait3A_404 = arith.constant 960 : i32
      %dma_wait3A_405 = arith.constant 0 : i32
      %dma_wait3A_406 = tpu.memref_slice %arg7[%dma_wait3A_404, %dma_wait3A_405] : memref<2000x32xf32, #tpu.memory_space<vmem>> -> memref<80x32xf32, #tpu.memory_space<vmem>>
      %dma_wait3A_407 = arith.constant 0 : i32
      %dma_wait3A_408 = tpu.memref_slice %arg6[%add3A_155, %dma_wait3A_407] : memref<125x80xi32, #tpu.memory_space<vmem>> -> memref<1x80xi32, #tpu.memory_space<vmem>>
      %dma_wait3A_409 = tpu.memref_squeeze %dma_wait3A_408 : memref<1x80xi32, #tpu.memory_space<vmem>> -> memref<80xi32, #tpu.memory_space<vmem>>
      %dma_wait3A_410 = arith.constant 0 : i32
      %dma_wait3A_411 = arith.constant 0 : i32
      %dma_wait3A_412 = tpu.memref_slice %arg9[%dma_wait3A_410, %dma_wait3A_411] : memref<10240x32xf32, #tpu.memory_space<vmem_shared>> -> memref<10240x32xf32, #tpu.memory_space<vmem_shared>>
      tpu.wait_indirect_dma semaphore(%arg11 : memref<!tpu.dma_semaphore, #tpu.memory_space<semaphore_mem>>) src(%dma_wait3A_406 : memref<80x32xf32, #tpu.memory_space<vmem>>) dst(%dma_wait3A_412 : memref<10240x32xf32, #tpu.memory_space<vmem_shared>>)
      %dma_wait3A_413 = arith.constant 1040 : i32
      %dma_wait3A_414 = arith.constant 0 : i32
      %dma_wait3A_415 = tpu.memref_slice %arg7[%dma_wait3A_413, %dma_wait3A_414] : memref<2000x32xf32, #tpu.memory_space<vmem>> -> memref<80x32xf32, #tpu.memory_space<vmem>>
      %dma_wait3A_416 = arith.constant 0 : i32
      %dma_wait3A_417 = tpu.memref_slice %arg6[%add3A_166, %dma_wait3A_416] : memref<125x80xi32, #tpu.memory_space<vmem>> -> memref<1x80xi32, #tpu.memory_space<vmem>>
      %dma_wait3A_418 = tpu.memref_squeeze %dma_wait3A_417 : memref<1x80xi32, #tpu.memory_space<vmem>> -> memref<80xi32, #tpu.memory_space<vmem>>
      %dma_wait3A_419 = arith.constant 0 : i32
      %dma_wait3A_420 = arith.constant 0 : i32
      %dma_wait3A_421 = tpu.memref_slice %arg9[%dma_wait3A_419, %dma_wait3A_420] : memref<10240x32xf32, #tpu.memory_space<vmem_shared>> -> memref<10240x32xf32, #tpu.memory_space<vmem_shared>>
      tpu.wait_indirect_dma semaphore(%arg11 : memref<!tpu.dma_semaphore, #tpu.memory_space<semaphore_mem>>) src(%dma_wait3A_415 : memref<80x32xf32, #tpu.memory_space<vmem>>) dst(%dma_wait3A_421 : memref<10240x32xf32, #tpu.memory_space<vmem_shared>>)
      %dma_wait3A_422 = arith.constant 1120 : i32
      %dma_wait3A_423 = arith.constant 0 : i32
      %dma_wait3A_424 = tpu.memref_slice %arg7[%dma_wait3A_422, %dma_wait3A_423] : memref<2000x32xf32, #tpu.memory_space<vmem>> -> memref<80x32xf32, #tpu.memory_space<vmem>>
      %dma_wait3A_425 = arith.constant 0 : i32
      %dma_wait3A_426 = tpu.memref_slice %arg6[%add3A_177, %dma_wait3A_425] : memref<125x80xi32, #tpu.memory_space<vmem>> -> memref<1x80xi32, #tpu.memory_space<vmem>>
      %dma_wait3A_427 = tpu.memref_squeeze %dma_wait3A_426 : memref<1x80xi32, #tpu.memory_space<vmem>> -> memref<80xi32, #tpu.memory_space<vmem>>
      %dma_wait3A_428 = arith.constant 0 : i32
      %dma_wait3A_429 = arith.constant 0 : i32
      %dma_wait3A_430 = tpu.memref_slice %arg9[%dma_wait3A_428, %dma_wait3A_429] : memref<10240x32xf32, #tpu.memory_space<vmem_shared>> -> memref<10240x32xf32, #tpu.memory_space<vmem_shared>>
      tpu.wait_indirect_dma semaphore(%arg11 : memref<!tpu.dma_semaphore, #tpu.memory_space<semaphore_mem>>) src(%dma_wait3A_424 : memref<80x32xf32, #tpu.memory_space<vmem>>) dst(%dma_wait3A_430 : memref<10240x32xf32, #tpu.memory_space<vmem_shared>>)
      %dma_wait3A_431 = arith.constant 1200 : i32
      %dma_wait3A_432 = arith.constant 0 : i32
      %dma_wait3A_433 = tpu.memref_slice %arg7[%dma_wait3A_431, %dma_wait3A_432] : memref<2000x32xf32, #tpu.memory_space<vmem>> -> memref<80x32xf32, #tpu.memory_space<vmem>>
      %dma_wait3A_434 = arith.constant 0 : i32
      %dma_wait3A_435 = tpu.memref_slice %arg6[%add3A_188, %dma_wait3A_434] : memref<125x80xi32, #tpu.memory_space<vmem>> -> memref<1x80xi32, #tpu.memory_space<vmem>>
      %dma_wait3A_436 = tpu.memref_squeeze %dma_wait3A_435 : memref<1x80xi32, #tpu.memory_space<vmem>> -> memref<80xi32, #tpu.memory_space<vmem>>
      %dma_wait3A_437 = arith.constant 0 : i32
      %dma_wait3A_438 = arith.constant 0 : i32
      %dma_wait3A_439 = tpu.memref_slice %arg9[%dma_wait3A_437, %dma_wait3A_438] : memref<10240x32xf32, #tpu.memory_space<vmem_shared>> -> memref<10240x32xf32, #tpu.memory_space<vmem_shared>>
      tpu.wait_indirect_dma semaphore(%arg11 : memref<!tpu.dma_semaphore, #tpu.memory_space<semaphore_mem>>) src(%dma_wait3A_433 : memref<80x32xf32, #tpu.memory_space<vmem>>) dst(%dma_wait3A_439 : memref<10240x32xf32, #tpu.memory_space<vmem_shared>>)
      %dma_wait3A_440 = arith.constant 1280 : i32
      %dma_wait3A_441 = arith.constant 0 : i32
      %dma_wait3A_442 = tpu.memref_slice %arg7[%dma_wait3A_440, %dma_wait3A_441] : memref<2000x32xf32, #tpu.memory_space<vmem>> -> memref<80x32xf32, #tpu.memory_space<vmem>>
      %dma_wait3A_443 = arith.constant 0 : i32
      %dma_wait3A_444 = tpu.memref_slice %arg6[%add3A_199, %dma_wait3A_443] : memref<125x80xi32, #tpu.memory_space<vmem>> -> memref<1x80xi32, #tpu.memory_space<vmem>>
      %dma_wait3A_445 = tpu.memref_squeeze %dma_wait3A_444 : memref<1x80xi32, #tpu.memory_space<vmem>> -> memref<80xi32, #tpu.memory_space<vmem>>
      %dma_wait3A_446 = arith.constant 0 : i32
      %dma_wait3A_447 = arith.constant 0 : i32
      %dma_wait3A_448 = tpu.memref_slice %arg9[%dma_wait3A_446, %dma_wait3A_447] : memref<10240x32xf32, #tpu.memory_space<vmem_shared>> -> memref<10240x32xf32, #tpu.memory_space<vmem_shared>>
      tpu.wait_indirect_dma semaphore(%arg11 : memref<!tpu.dma_semaphore, #tpu.memory_space<semaphore_mem>>) src(%dma_wait3A_442 : memref<80x32xf32, #tpu.memory_space<vmem>>) dst(%dma_wait3A_448 : memref<10240x32xf32, #tpu.memory_space<vmem_shared>>)
      %dma_wait3A_449 = arith.constant 1360 : i32
      %dma_wait3A_450 = arith.constant 0 : i32
      %dma_wait3A_451 = tpu.memref_slice %arg7[%dma_wait3A_449, %dma_wait3A_450] : memref<2000x32xf32, #tpu.memory_space<vmem>> -> memref<80x32xf32, #tpu.memory_space<vmem>>
      %dma_wait3A_452 = arith.constant 0 : i32
      %dma_wait3A_453 = tpu.memref_slice %arg6[%add3A_210, %dma_wait3A_452] : memref<125x80xi32, #tpu.memory_space<vmem>> -> memref<1x80xi32, #tpu.memory_space<vmem>>
      %dma_wait3A_454 = tpu.memref_squeeze %dma_wait3A_453 : memref<1x80xi32, #tpu.memory_space<vmem>> -> memref<80xi32, #tpu.memory_space<vmem>>
      %dma_wait3A_455 = arith.constant 0 : i32
      %dma_wait3A_456 = arith.constant 0 : i32
      %dma_wait3A_457 = tpu.memref_slice %arg9[%dma_wait3A_455, %dma_wait3A_456] : memref<10240x32xf32, #tpu.memory_space<vmem_shared>> -> memref<10240x32xf32, #tpu.memory_space<vmem_shared>>
      tpu.wait_indirect_dma semaphore(%arg11 : memref<!tpu.dma_semaphore, #tpu.memory_space<semaphore_mem>>) src(%dma_wait3A_451 : memref<80x32xf32, #tpu.memory_space<vmem>>) dst(%dma_wait3A_457 : memref<10240x32xf32, #tpu.memory_space<vmem_shared>>)
      %dma_wait3A_458 = arith.constant 1440 : i32
      %dma_wait3A_459 = arith.constant 0 : i32
      %dma_wait3A_460 = tpu.memref_slice %arg7[%dma_wait3A_458, %dma_wait3A_459] : memref<2000x32xf32, #tpu.memory_space<vmem>> -> memref<80x32xf32, #tpu.memory_space<vmem>>
      %dma_wait3A_461 = arith.constant 0 : i32
      %dma_wait3A_462 = tpu.memref_slice %arg6[%add3A_221, %dma_wait3A_461] : memref<125x80xi32, #tpu.memory_space<vmem>> -> memref<1x80xi32, #tpu.memory_space<vmem>>
      %dma_wait3A_463 = tpu.memref_squeeze %dma_wait3A_462 : memref<1x80xi32, #tpu.memory_space<vmem>> -> memref<80xi32, #tpu.memory_space<vmem>>
      %dma_wait3A_464 = arith.constant 0 : i32
      %dma_wait3A_465 = arith.constant 0 : i32
      %dma_wait3A_466 = tpu.memref_slice %arg9[%dma_wait3A_464, %dma_wait3A_465] : memref<10240x32xf32, #tpu.memory_space<vmem_shared>> -> memref<10240x32xf32, #tpu.memory_space<vmem_shared>>
      tpu.wait_indirect_dma semaphore(%arg11 : memref<!tpu.dma_semaphore, #tpu.memory_space<semaphore_mem>>) src(%dma_wait3A_460 : memref<80x32xf32, #tpu.memory_space<vmem>>) dst(%dma_wait3A_466 : memref<10240x32xf32, #tpu.memory_space<vmem_shared>>)
      %dma_wait3A_467 = arith.constant 1520 : i32
      %dma_wait3A_468 = arith.constant 0 : i32
      %dma_wait3A_469 = tpu.memref_slice %arg7[%dma_wait3A_467, %dma_wait3A_468] : memref<2000x32xf32, #tpu.memory_space<vmem>> -> memref<80x32xf32, #tpu.memory_space<vmem>>
      %dma_wait3A_470 = arith.constant 0 : i32
      %dma_wait3A_471 = tpu.memref_slice %arg6[%add3A_232, %dma_wait3A_470] : memref<125x80xi32, #tpu.memory_space<vmem>> -> memref<1x80xi32, #tpu.memory_space<vmem>>
      %dma_wait3A_472 = tpu.memref_squeeze %dma_wait3A_471 : memref<1x80xi32, #tpu.memory_space<vmem>> -> memref<80xi32, #tpu.memory_space<vmem>>
      %dma_wait3A_473 = arith.constant 0 : i32
      %dma_wait3A_474 = arith.constant 0 : i32
      %dma_wait3A_475 = tpu.memref_slice %arg9[%dma_wait3A_473, %dma_wait3A_474] : memref<10240x32xf32, #tpu.memory_space<vmem_shared>> -> memref<10240x32xf32, #tpu.memory_space<vmem_shared>>
      tpu.wait_indirect_dma semaphore(%arg11 : memref<!tpu.dma_semaphore, #tpu.memory_space<semaphore_mem>>) src(%dma_wait3A_469 : memref<80x32xf32, #tpu.memory_space<vmem>>) dst(%dma_wait3A_475 : memref<10240x32xf32, #tpu.memory_space<vmem_shared>>)
      %dma_wait3A_476 = arith.constant 1600 : i32
      %dma_wait3A_477 = arith.constant 0 : i32
      %dma_wait3A_478 = tpu.memref_slice %arg7[%dma_wait3A_476, %dma_wait3A_477] : memref<2000x32xf32, #tpu.memory_space<vmem>> -> memref<80x32xf32, #tpu.memory_space<vmem>>
      %dma_wait3A_479 = arith.constant 0 : i32
      %dma_wait3A_480 = tpu.memref_slice %arg6[%add3A_243, %dma_wait3A_479] : memref<125x80xi32, #tpu.memory_space<vmem>> -> memref<1x80xi32, #tpu.memory_space<vmem>>
      %dma_wait3A_481 = tpu.memref_squeeze %dma_wait3A_480 : memref<1x80xi32, #tpu.memory_space<vmem>> -> memref<80xi32, #tpu.memory_space<vmem>>
      %dma_wait3A_482 = arith.constant 0 : i32
      %dma_wait3A_483 = arith.constant 0 : i32
      %dma_wait3A_484 = tpu.memref_slice %arg9[%dma_wait3A_482, %dma_wait3A_483] : memref<10240x32xf32, #tpu.memory_space<vmem_shared>> -> memref<10240x32xf32, #tpu.memory_space<vmem_shared>>
      tpu.wait_indirect_dma semaphore(%arg11 : memref<!tpu.dma_semaphore, #tpu.memory_space<semaphore_mem>>) src(%dma_wait3A_478 : memref<80x32xf32, #tpu.memory_space<vmem>>) dst(%dma_wait3A_484 : memref<10240x32xf32, #tpu.memory_space<vmem_shared>>)
      %dma_wait3A_485 = arith.constant 1680 : i32
      %dma_wait3A_486 = arith.constant 0 : i32
      %dma_wait3A_487 = tpu.memref_slice %arg7[%dma_wait3A_485, %dma_wait3A_486] : memref<2000x32xf32, #tpu.memory_space<vmem>> -> memref<80x32xf32, #tpu.memory_space<vmem>>
      %dma_wait3A_488 = arith.constant 0 : i32
      %dma_wait3A_489 = tpu.memref_slice %arg6[%add3A_254, %dma_wait3A_488] : memref<125x80xi32, #tpu.memory_space<vmem>> -> memref<1x80xi32, #tpu.memory_space<vmem>>
      %dma_wait3A_490 = tpu.memref_squeeze %dma_wait3A_489 : memref<1x80xi32, #tpu.memory_space<vmem>> -> memref<80xi32, #tpu.memory_space<vmem>>
      %dma_wait3A_491 = arith.constant 0 : i32
      %dma_wait3A_492 = arith.constant 0 : i32
      %dma_wait3A_493 = tpu.memref_slice %arg9[%dma_wait3A_491, %dma_wait3A_492] : memref<10240x32xf32, #tpu.memory_space<vmem_shared>> -> memref<10240x32xf32, #tpu.memory_space<vmem_shared>>
      tpu.wait_indirect_dma semaphore(%arg11 : memref<!tpu.dma_semaphore, #tpu.memory_space<semaphore_mem>>) src(%dma_wait3A_487 : memref<80x32xf32, #tpu.memory_space<vmem>>) dst(%dma_wait3A_493 : memref<10240x32xf32, #tpu.memory_space<vmem_shared>>)
      %dma_wait3A_494 = arith.constant 1760 : i32
      %dma_wait3A_495 = arith.constant 0 : i32
      %dma_wait3A_496 = tpu.memref_slice %arg7[%dma_wait3A_494, %dma_wait3A_495] : memref<2000x32xf32, #tpu.memory_space<vmem>> -> memref<80x32xf32, #tpu.memory_space<vmem>>
      %dma_wait3A_497 = arith.constant 0 : i32
      %dma_wait3A_498 = tpu.memref_slice %arg6[%add3A_265, %dma_wait3A_497] : memref<125x80xi32, #tpu.memory_space<vmem>> -> memref<1x80xi32, #tpu.memory_space<vmem>>
      %dma_wait3A_499 = tpu.memref_squeeze %dma_wait3A_498 : memref<1x80xi32, #tpu.memory_space<vmem>> -> memref<80xi32, #tpu.memory_space<vmem>>
      %dma_wait3A_500 = arith.constant 0 : i32
      %dma_wait3A_501 = arith.constant 0 : i32
      %dma_wait3A_502 = tpu.memref_slice %arg9[%dma_wait3A_500, %dma_wait3A_501] : memref<10240x32xf32, #tpu.memory_space<vmem_shared>> -> memref<10240x32xf32, #tpu.memory_space<vmem_shared>>
      tpu.wait_indirect_dma semaphore(%arg11 : memref<!tpu.dma_semaphore, #tpu.memory_space<semaphore_mem>>) src(%dma_wait3A_496 : memref<80x32xf32, #tpu.memory_space<vmem>>) dst(%dma_wait3A_502 : memref<10240x32xf32, #tpu.memory_space<vmem_shared>>)
      %dma_wait3A_503 = arith.constant 1840 : i32
      %dma_wait3A_504 = arith.constant 0 : i32
      %dma_wait3A_505 = tpu.memref_slice %arg7[%dma_wait3A_503, %dma_wait3A_504] : memref<2000x32xf32, #tpu.memory_space<vmem>> -> memref<80x32xf32, #tpu.memory_space<vmem>>
      %dma_wait3A_506 = arith.constant 0 : i32
      %dma_wait3A_507 = tpu.memref_slice %arg6[%add3A_276, %dma_wait3A_506] : memref<125x80xi32, #tpu.memory_space<vmem>> -> memref<1x80xi32, #tpu.memory_space<vmem>>
      %dma_wait3A_508 = tpu.memref_squeeze %dma_wait3A_507 : memref<1x80xi32, #tpu.memory_space<vmem>> -> memref<80xi32, #tpu.memory_space<vmem>>
      %dma_wait3A_509 = arith.constant 0 : i32
      %dma_wait3A_510 = arith.constant 0 : i32
      %dma_wait3A_511 = tpu.memref_slice %arg9[%dma_wait3A_509, %dma_wait3A_510] : memref<10240x32xf32, #tpu.memory_space<vmem_shared>> -> memref<10240x32xf32, #tpu.memory_space<vmem_shared>>
      tpu.wait_indirect_dma semaphore(%arg11 : memref<!tpu.dma_semaphore, #tpu.memory_space<semaphore_mem>>) src(%dma_wait3A_505 : memref<80x32xf32, #tpu.memory_space<vmem>>) dst(%dma_wait3A_511 : memref<10240x32xf32, #tpu.memory_space<vmem_shared>>)
      %dma_wait3A_512 = arith.constant 1920 : i32
      %dma_wait3A_513 = arith.constant 0 : i32
      %dma_wait3A_514 = tpu.memref_slice %arg7[%dma_wait3A_512, %dma_wait3A_513] : memref<2000x32xf32, #tpu.memory_space<vmem>> -> memref<80x32xf32, #tpu.memory_space<vmem>>
      %dma_wait3A_515 = arith.constant 0 : i32
      %dma_wait3A_516 = tpu.memref_slice %arg6[%add3A_287, %dma_wait3A_515] : memref<125x80xi32, #tpu.memory_space<vmem>> -> memref<1x80xi32, #tpu.memory_space<vmem>>
      %dma_wait3A_517 = tpu.memref_squeeze %dma_wait3A_516 : memref<1x80xi32, #tpu.memory_space<vmem>> -> memref<80xi32, #tpu.memory_space<vmem>>
      %dma_wait3A_518 = arith.constant 0 : i32
      %dma_wait3A_519 = arith.constant 0 : i32
      %dma_wait3A_520 = tpu.memref_slice %arg9[%dma_wait3A_518, %dma_wait3A_519] : memref<10240x32xf32, #tpu.memory_space<vmem_shared>> -> memref<10240x32xf32, #tpu.memory_space<vmem_shared>>
      tpu.wait_indirect_dma semaphore(%arg11 : memref<!tpu.dma_semaphore, #tpu.memory_space<semaphore_mem>>) src(%dma_wait3A_514 : memref<80x32xf32, #tpu.memory_space<vmem>>) dst(%dma_wait3A_520 : memref<10240x32xf32, #tpu.memory_space<vmem_shared>>)
    }
    %scan3A_11 = arith.constant 5 : i32
    %barrier3A_12 = arith.constant 0 : index
    tpu.barrier barrier_id(%barrier3A_12)
    %mul3A_13 = arith.constant 640 : i32
    %mul3A_14 = arith.muli %arg1, %mul3A_13 : i32
    "tpu.region"() ({
      %run_scoped3A = tpu.sem_alloc : memref<!tpu.dma_semaphore, #tpu.memory_space<semaphore_mem>>
      %dma_start3A = arith.constant 0 : i32
      %dma_start3A_17 = tpu.memref_slice %arg9[%mul3A_14, %dma_start3A] : memref<10240x32xf32, #tpu.memory_space<vmem_shared>> -> memref<640x32xf32, #tpu.memory_space<vmem_shared>>
      %dma_start3A_18 = arith.constant 0 : i32
      %dma_start3A_19 = tpu.memref_slice %arg9[%mul3A_14, %dma_start3A_18] : memref<10240x32xf32, #tpu.memory_space<vmem_shared>> -> memref<640x32xf32, #tpu.memory_space<vmem_shared>>
      tpu.enqueue_dma source(%dma_start3A_19 : memref<640x32xf32, #tpu.memory_space<vmem_shared>>) target(%arg8 : memref<640x32xf32, #tpu.memory_space<vmem>>) target_semaphore(%run_scoped3A : memref<!tpu.dma_semaphore, #tpu.memory_space<semaphore_mem>>)
      %dma_wait3A = arith.constant 0 : i32
      %dma_wait3A_20 = tpu.memref_slice %arg9[%mul3A_14, %dma_wait3A] : memref<10240x32xf32, #tpu.memory_space<vmem_shared>> -> memref<640x32xf32, #tpu.memory_space<vmem_shared>>
      %dma_wait3A_21 = arith.constant 0 : i32
      %dma_wait3A_22 = tpu.memref_slice %arg9[%mul3A_14, %dma_wait3A_21] : memref<10240x32xf32, #tpu.memory_space<vmem_shared>> -> memref<640x32xf32, #tpu.memory_space<vmem_shared>>
      tpu.wait_dma2 semaphore(%run_scoped3A : memref<!tpu.dma_semaphore, #tpu.memory_space<semaphore_mem>>) src(%dma_wait3A_22 : memref<640x32xf32, #tpu.memory_space<vmem_shared>>) dst(%arg8 : memref<640x32xf32, #tpu.memory_space<vmem>>)
      tpu.yield
    }) : () -> ()
    %mul3A_15 = arith.constant 640 : i32
    %mul3A_16 = arith.muli %arg1, %mul3A_15 : i32
    "tpu.region"() ({
      %run_scoped3A = tpu.sem_alloc : memref<!tpu.dma_semaphore, #tpu.memory_space<semaphore_mem>>
      %dma_start3A = arith.constant 0 : i32
      %dma_start3A_17 = tpu.memref_slice %arg5[%arg0, %mul3A_16, %dma_start3A] : memref<2x10240x32xf32, #tpu.memory_space<hbm>> -> memref<1x640x32xf32, #tpu.memory_space<hbm>>
      %dma_start3A_18 = tpu.memref_squeeze %dma_start3A_17 : memref<1x640x32xf32, #tpu.memory_space<hbm>> -> memref<640x32xf32, #tpu.memory_space<hbm>>
      %dma_start3A_19 = arith.constant 0 : i32
      %dma_start3A_20 = tpu.memref_slice %arg5[%arg0, %mul3A_16, %dma_start3A_19] : memref<2x10240x32xf32, #tpu.memory_space<hbm>> -> memref<1x640x32xf32, #tpu.memory_space<hbm>>
      %dma_start3A_21 = tpu.memref_squeeze %dma_start3A_20 : memref<1x640x32xf32, #tpu.memory_space<hbm>> -> memref<640x32xf32, #tpu.memory_space<hbm>>
      tpu.enqueue_dma source(%arg8 : memref<640x32xf32, #tpu.memory_space<vmem>>) target(%dma_start3A_21 : memref<640x32xf32, #tpu.memory_space<hbm>>) target_semaphore(%run_scoped3A : memref<!tpu.dma_semaphore, #tpu.memory_space<semaphore_mem>>)
      %dma_wait3A = arith.constant 0 : i32
      %dma_wait3A_22 = tpu.memref_slice %arg5[%arg0, %mul3A_16, %dma_wait3A] : memref<2x10240x32xf32, #tpu.memory_space<hbm>> -> memref<1x640x32xf32, #tpu.memory_space<hbm>>
      %dma_wait3A_23 = tpu.memref_squeeze %dma_wait3A_22 : memref<1x640x32xf32, #tpu.memory_space<hbm>> -> memref<640x32xf32, #tpu.memory_space<hbm>>
      %dma_wait3A_24 = arith.constant 0 : i32
      %dma_wait3A_25 = tpu.memref_slice %arg5[%arg0, %mul3A_16, %dma_wait3A_24] : memref<2x10240x32xf32, #tpu.memory_space<hbm>> -> memref<1x640x32xf32, #tpu.memory_space<hbm>>
      %dma_wait3A_26 = tpu.memref_squeeze %dma_wait3A_25 : memref<1x640x32xf32, #tpu.memory_space<hbm>> -> memref<640x32xf32, #tpu.memory_space<hbm>>
      tpu.wait_dma2 semaphore(%run_scoped3A : memref<!tpu.dma_semaphore, #tpu.memory_space<semaphore_mem>>) src(%arg8 : memref<640x32xf32, #tpu.memory_space<vmem>>) dst(%dma_wait3A_26 : memref<640x32xf32, #tpu.memory_space<hbm>>)
      tpu.yield
    }) : () -> ()
    return
  }
}

#map = affine_map<(d0, d1) -> (0, 0)>
#map1 = affine_map<(d0, d1) -> (0, 0, 0, 0)>
module attributes {stable_mosaic.version = 14 : i64} {
  func.func @_gather_body(%arg0: i32, %arg1: i32, %arg2: memref<10000x128xf32, #tpu.memory_space<hbm>>, %arg3: memref<10000x128xf32, #tpu.memory_space<hbm>>, %arg4: memref<32x5x25x80xi32, #tpu.memory_space<hbm>>, %arg5: memref<32x5x25x80xi32, #tpu.memory_space<hbm>>, %arg6: memref<320000x128xf32, #tpu.memory_space<hbm>>, %arg7: memref<320000x128xf32, #tpu.memory_space<hbm>>, %arg8: memref<25x80xi32, #tpu.memory_space<vmem>>, %arg9: memref<25x80xi32, #tpu.memory_space<vmem>>, %arg10: memref<400x128xf32, #tpu.memory_space<vmem>>, %arg11: memref<400x128xf32, #tpu.memory_space<vmem>>, %arg12: memref<!tpu.dma_semaphore, #tpu.memory_space<semaphore_mem>>, %arg13: memref<!tpu.dma_semaphore, #tpu.memory_space<semaphore_mem>>) attributes {dimension_semantics = [#tpu.dimension_semantics<core_parallel>, #tpu.dimension_semantics<subcore_parallel>], iteration_bounds = array<i64: 2, 16>, scalar_prefetch = 0 : i64, scratch_operands = 6 : i64, tpu.core_type = #tpu.core_type<sc_vector_subcore>, window_params = [{transform_indices = #map}, {transform_indices = #map}, {transform_indices = #map1}, {transform_indices = #map1}, {transform_indices = #map}, {transform_indices = #map}]} {
    %mul3A = arith.constant 2 : i32
    %mul3A_0 = arith.muli %arg1, %mul3A : i32
    %add3A = arith.addi %mul3A_0, %arg0 : i32
    %scan3A = arith.constant 0 : i32
    %scan3A_1 = arith.constant 0 : i32
    %scan3A_2 = arith.constant 5 : i32
    %scan3A_3 = arith.addi %scan3A_1, %scan3A_2 : i32
    %scan3A_4 = arith.constant 1 : i32
    scf.for %scan3A_6 = %scan3A_1 to %scan3A_3 step %scan3A_4  : i32 {
      "tpu.region"() ({
        %run_scoped3A = tpu.sem_alloc : memref<!tpu.dma_semaphore, #tpu.memory_space<semaphore_mem>>
        %dma_start3A = arith.constant 0 : i32
        %dma_start3A_13 = arith.constant 0 : i32
        %dma_start3A_14 = tpu.memref_slice %arg4[%add3A, %scan3A_6, %dma_start3A, %dma_start3A_13] : memref<32x5x25x80xi32, #tpu.memory_space<hbm>> -> memref<1x1x25x80xi32, #tpu.memory_space<hbm>>
        %dma_start3A_15 = tpu.memref_squeeze %dma_start3A_14 : memref<1x1x25x80xi32, #tpu.memory_space<hbm>> -> memref<25x80xi32, #tpu.memory_space<hbm>>
        %dma_start3A_16 = arith.constant 0 : i32
        %dma_start3A_17 = arith.constant 0 : i32
        %dma_start3A_18 = tpu.memref_slice %arg4[%add3A, %scan3A_6, %dma_start3A_16, %dma_start3A_17] : memref<32x5x25x80xi32, #tpu.memory_space<hbm>> -> memref<1x1x25x80xi32, #tpu.memory_space<hbm>>
        %dma_start3A_19 = tpu.memref_squeeze %dma_start3A_18 : memref<1x1x25x80xi32, #tpu.memory_space<hbm>> -> memref<25x80xi32, #tpu.memory_space<hbm>>
        tpu.enqueue_dma source(%dma_start3A_19 : memref<25x80xi32, #tpu.memory_space<hbm>>) target(%arg8 : memref<25x80xi32, #tpu.memory_space<vmem>>) target_semaphore(%run_scoped3A : memref<!tpu.dma_semaphore, #tpu.memory_space<semaphore_mem>>)
        %dma_wait3A = arith.constant 0 : i32
        %dma_wait3A_20 = arith.constant 0 : i32
        %dma_wait3A_21 = tpu.memref_slice %arg4[%add3A, %scan3A_6, %dma_wait3A, %dma_wait3A_20] : memref<32x5x25x80xi32, #tpu.memory_space<hbm>> -> memref<1x1x25x80xi32, #tpu.memory_space<hbm>>
        %dma_wait3A_22 = tpu.memref_squeeze %dma_wait3A_21 : memref<1x1x25x80xi32, #tpu.memory_space<hbm>> -> memref<25x80xi32, #tpu.memory_space<hbm>>
        %dma_wait3A_23 = arith.constant 0 : i32
        %dma_wait3A_24 = arith.constant 0 : i32
        %dma_wait3A_25 = tpu.memref_slice %arg4[%add3A, %scan3A_6, %dma_wait3A_23, %dma_wait3A_24] : memref<32x5x25x80xi32, #tpu.memory_space<hbm>> -> memref<1x1x25x80xi32, #tpu.memory_space<hbm>>
        %dma_wait3A_26 = tpu.memref_squeeze %dma_wait3A_25 : memref<1x1x25x80xi32, #tpu.memory_space<hbm>> -> memref<25x80xi32, #tpu.memory_space<hbm>>
        tpu.wait_dma2 semaphore(%run_scoped3A : memref<!tpu.dma_semaphore, #tpu.memory_space<semaphore_mem>>) src(%dma_wait3A_26 : memref<25x80xi32, #tpu.memory_space<hbm>>) dst(%arg8 : memref<25x80xi32, #tpu.memory_space<vmem>>)
        tpu.yield
      }) : () -> ()
      "tpu.region"() ({
        %run_scoped3A = tpu.sem_alloc : memref<!tpu.dma_semaphore, #tpu.memory_space<semaphore_mem>>
        %dma_start3A = arith.constant 0 : i32
        %dma_start3A_13 = arith.constant 0 : i32
        %dma_start3A_14 = tpu.memref_slice %arg5[%add3A, %scan3A_6, %dma_start3A, %dma_start3A_13] : memref<32x5x25x80xi32, #tpu.memory_space<hbm>> -> memref<1x1x25x80xi32, #tpu.memory_space<hbm>>
        %dma_start3A_15 = tpu.memref_squeeze %dma_start3A_14 : memref<1x1x25x80xi32, #tpu.memory_space<hbm>> -> memref<25x80xi32, #tpu.memory_space<hbm>>
        %dma_start3A_16 = arith.constant 0 : i32
        %dma_start3A_17 = arith.constant 0 : i32
        %dma_start3A_18 = tpu.memref_slice %arg5[%add3A, %scan3A_6, %dma_start3A_16, %dma_start3A_17] : memref<32x5x25x80xi32, #tpu.memory_space<hbm>> -> memref<1x1x25x80xi32, #tpu.memory_space<hbm>>
        %dma_start3A_19 = tpu.memref_squeeze %dma_start3A_18 : memref<1x1x25x80xi32, #tpu.memory_space<hbm>> -> memref<25x80xi32, #tpu.memory_space<hbm>>
        tpu.enqueue_dma source(%dma_start3A_19 : memref<25x80xi32, #tpu.memory_space<hbm>>) target(%arg9 : memref<25x80xi32, #tpu.memory_space<vmem>>) target_semaphore(%run_scoped3A : memref<!tpu.dma_semaphore, #tpu.memory_space<semaphore_mem>>)
        %dma_wait3A = arith.constant 0 : i32
        %dma_wait3A_20 = arith.constant 0 : i32
        %dma_wait3A_21 = tpu.memref_slice %arg5[%add3A, %scan3A_6, %dma_wait3A, %dma_wait3A_20] : memref<32x5x25x80xi32, #tpu.memory_space<hbm>> -> memref<1x1x25x80xi32, #tpu.memory_space<hbm>>
        %dma_wait3A_22 = tpu.memref_squeeze %dma_wait3A_21 : memref<1x1x25x80xi32, #tpu.memory_space<hbm>> -> memref<25x80xi32, #tpu.memory_space<hbm>>
        %dma_wait3A_23 = arith.constant 0 : i32
        %dma_wait3A_24 = arith.constant 0 : i32
        %dma_wait3A_25 = tpu.memref_slice %arg5[%add3A, %scan3A_6, %dma_wait3A_23, %dma_wait3A_24] : memref<32x5x25x80xi32, #tpu.memory_space<hbm>> -> memref<1x1x25x80xi32, #tpu.memory_space<hbm>>
        %dma_wait3A_26 = tpu.memref_squeeze %dma_wait3A_25 : memref<1x1x25x80xi32, #tpu.memory_space<hbm>> -> memref<25x80xi32, #tpu.memory_space<hbm>>
        tpu.wait_dma2 semaphore(%run_scoped3A : memref<!tpu.dma_semaphore, #tpu.memory_space<semaphore_mem>>) src(%dma_wait3A_26 : memref<25x80xi32, #tpu.memory_space<hbm>>) dst(%arg9 : memref<25x80xi32, #tpu.memory_space<vmem>>)
        tpu.yield
      }) : () -> ()
      %scan3A_7 = arith.constant 0 : i32
      %scan3A_8 = arith.constant 0 : i32
      %scan3A_9 = arith.constant 5 : i32
      %scan3A_10 = arith.addi %scan3A_8, %scan3A_9 : i32
      %scan3A_11 = arith.constant 1 : i32
      scf.for %scan3A_13 = %scan3A_8 to %scan3A_10 step %scan3A_11  : i32 {
        %mul3A_14 = arith.constant 5 : i32
        %mul3A_15 = arith.muli %scan3A_13, %mul3A_14 : i32
        %add3A_16 = arith.constant 0 : i32
        %add3A_17 = arith.addi %mul3A_15, %add3A_16 : i32
        %dma_start3A = arith.constant 0 : i32
        %dma_start3A_18 = arith.constant 0 : i32
        %dma_start3A_19 = tpu.memref_slice %arg10[%dma_start3A, %dma_start3A_18] : memref<400x128xf32, #tpu.memory_space<vmem>> -> memref<80x128xf32, #tpu.memory_space<vmem>>
        %dma_start3A_20 = arith.constant 0 : i32
        %dma_start3A_21 = tpu.memref_slice %arg8[%add3A_17, %dma_start3A_20] : memref<25x80xi32, #tpu.memory_space<vmem>> -> memref<1x80xi32, #tpu.memory_space<vmem>>
        %dma_start3A_22 = tpu.memref_squeeze %dma_start3A_21 : memref<1x80xi32, #tpu.memory_space<vmem>> -> memref<80xi32, #tpu.memory_space<vmem>>
        %dma_start3A_23 = arith.constant 0 : i32
        %dma_start3A_24 = arith.constant 0 : i32
        %dma_start3A_25 = tpu.memref_slice %arg2[%dma_start3A_23, %dma_start3A_24] : memref<10000x128xf32, #tpu.memory_space<hbm>> -> memref<10000x128xf32, #tpu.memory_space<hbm>>
        tpu.enqueue_indirect_dma source(%dma_start3A_25 : memref<10000x128xf32, #tpu.memory_space<hbm>>) target(%dma_start3A_19 : memref<80x128xf32, #tpu.memory_space<vmem>>) offsets(%dma_start3A_22 : memref<80xi32, #tpu.memory_space<vmem>>) semaphore(%arg12 : memref<!tpu.dma_semaphore, #tpu.memory_space<semaphore_mem>>)
        %add3A_26 = arith.constant 0 : i32
        %add3A_27 = arith.addi %mul3A_15, %add3A_26 : i32
        %dma_start3A_28 = arith.constant 0 : i32
        %dma_start3A_29 = arith.constant 0 : i32
        %dma_start3A_30 = tpu.memref_slice %arg11[%dma_start3A_28, %dma_start3A_29] : memref<400x128xf32, #tpu.memory_space<vmem>> -> memref<80x128xf32, #tpu.memory_space<vmem>>
        %dma_start3A_31 = arith.constant 0 : i32
        %dma_start3A_32 = tpu.memref_slice %arg9[%add3A_27, %dma_start3A_31] : memref<25x80xi32, #tpu.memory_space<vmem>> -> memref<1x80xi32, #tpu.memory_space<vmem>>
        %dma_start3A_33 = tpu.memref_squeeze %dma_start3A_32 : memref<1x80xi32, #tpu.memory_space<vmem>> -> memref<80xi32, #tpu.memory_space<vmem>>
        %dma_start3A_34 = arith.constant 0 : i32
        %dma_start3A_35 = arith.constant 0 : i32
        %dma_start3A_36 = tpu.memref_slice %arg3[%dma_start3A_34, %dma_start3A_35] : memref<10000x128xf32, #tpu.memory_space<hbm>> -> memref<10000x128xf32, #tpu.memory_space<hbm>>
        tpu.enqueue_indirect_dma source(%dma_start3A_36 : memref<10000x128xf32, #tpu.memory_space<hbm>>) target(%dma_start3A_30 : memref<80x128xf32, #tpu.memory_space<vmem>>) offsets(%dma_start3A_33 : memref<80xi32, #tpu.memory_space<vmem>>) semaphore(%arg12 : memref<!tpu.dma_semaphore, #tpu.memory_space<semaphore_mem>>)
        %add3A_37 = arith.constant 1 : i32
        %add3A_38 = arith.addi %mul3A_15, %add3A_37 : i32
        %dma_start3A_39 = arith.constant 80 : i32
        %dma_start3A_40 = arith.constant 0 : i32
        %dma_start3A_41 = tpu.memref_slice %arg10[%dma_start3A_39, %dma_start3A_40] : memref<400x128xf32, #tpu.memory_space<vmem>> -> memref<80x128xf32, #tpu.memory_space<vmem>>
        %dma_start3A_42 = arith.constant 0 : i32
        %dma_start3A_43 = tpu.memref_slice %arg8[%add3A_38, %dma_start3A_42] : memref<25x80xi32, #tpu.memory_space<vmem>> -> memref<1x80xi32, #tpu.memory_space<vmem>>
        %dma_start3A_44 = tpu.memref_squeeze %dma_start3A_43 : memref<1x80xi32, #tpu.memory_space<vmem>> -> memref<80xi32, #tpu.memory_space<vmem>>
        %dma_start3A_45 = arith.constant 0 : i32
        %dma_start3A_46 = arith.constant 0 : i32
        %dma_start3A_47 = tpu.memref_slice %arg2[%dma_start3A_45, %dma_start3A_46] : memref<10000x128xf32, #tpu.memory_space<hbm>> -> memref<10000x128xf32, #tpu.memory_space<hbm>>
        tpu.enqueue_indirect_dma source(%dma_start3A_47 : memref<10000x128xf32, #tpu.memory_space<hbm>>) target(%dma_start3A_41 : memref<80x128xf32, #tpu.memory_space<vmem>>) offsets(%dma_start3A_44 : memref<80xi32, #tpu.memory_space<vmem>>) semaphore(%arg12 : memref<!tpu.dma_semaphore, #tpu.memory_space<semaphore_mem>>)
        %add3A_48 = arith.constant 1 : i32
        %add3A_49 = arith.addi %mul3A_15, %add3A_48 : i32
        %dma_start3A_50 = arith.constant 80 : i32
        %dma_start3A_51 = arith.constant 0 : i32
        %dma_start3A_52 = tpu.memref_slice %arg11[%dma_start3A_50, %dma_start3A_51] : memref<400x128xf32, #tpu.memory_space<vmem>> -> memref<80x128xf32, #tpu.memory_space<vmem>>
        %dma_start3A_53 = arith.constant 0 : i32
        %dma_start3A_54 = tpu.memref_slice %arg9[%add3A_49, %dma_start3A_53] : memref<25x80xi32, #tpu.memory_space<vmem>> -> memref<1x80xi32, #tpu.memory_space<vmem>>
        %dma_start3A_55 = tpu.memref_squeeze %dma_start3A_54 : memref<1x80xi32, #tpu.memory_space<vmem>> -> memref<80xi32, #tpu.memory_space<vmem>>
        %dma_start3A_56 = arith.constant 0 : i32
        %dma_start3A_57 = arith.constant 0 : i32
        %dma_start3A_58 = tpu.memref_slice %arg3[%dma_start3A_56, %dma_start3A_57] : memref<10000x128xf32, #tpu.memory_space<hbm>> -> memref<10000x128xf32, #tpu.memory_space<hbm>>
        tpu.enqueue_indirect_dma source(%dma_start3A_58 : memref<10000x128xf32, #tpu.memory_space<hbm>>) target(%dma_start3A_52 : memref<80x128xf32, #tpu.memory_space<vmem>>) offsets(%dma_start3A_55 : memref<80xi32, #tpu.memory_space<vmem>>) semaphore(%arg12 : memref<!tpu.dma_semaphore, #tpu.memory_space<semaphore_mem>>)
        %add3A_59 = arith.constant 2 : i32
        %add3A_60 = arith.addi %mul3A_15, %add3A_59 : i32
        %dma_start3A_61 = arith.constant 160 : i32
        %dma_start3A_62 = arith.constant 0 : i32
        %dma_start3A_63 = tpu.memref_slice %arg10[%dma_start3A_61, %dma_start3A_62] : memref<400x128xf32, #tpu.memory_space<vmem>> -> memref<80x128xf32, #tpu.memory_space<vmem>>
        %dma_start3A_64 = arith.constant 0 : i32
        %dma_start3A_65 = tpu.memref_slice %arg8[%add3A_60, %dma_start3A_64] : memref<25x80xi32, #tpu.memory_space<vmem>> -> memref<1x80xi32, #tpu.memory_space<vmem>>
        %dma_start3A_66 = tpu.memref_squeeze %dma_start3A_65 : memref<1x80xi32, #tpu.memory_space<vmem>> -> memref<80xi32, #tpu.memory_space<vmem>>
        %dma_start3A_67 = arith.constant 0 : i32
        %dma_start3A_68 = arith.constant 0 : i32
        %dma_start3A_69 = tpu.memref_slice %arg2[%dma_start3A_67, %dma_start3A_68] : memref<10000x128xf32, #tpu.memory_space<hbm>> -> memref<10000x128xf32, #tpu.memory_space<hbm>>
        tpu.enqueue_indirect_dma source(%dma_start3A_69 : memref<10000x128xf32, #tpu.memory_space<hbm>>) target(%dma_start3A_63 : memref<80x128xf32, #tpu.memory_space<vmem>>) offsets(%dma_start3A_66 : memref<80xi32, #tpu.memory_space<vmem>>) semaphore(%arg12 : memref<!tpu.dma_semaphore, #tpu.memory_space<semaphore_mem>>)
        %add3A_70 = arith.constant 2 : i32
        %add3A_71 = arith.addi %mul3A_15, %add3A_70 : i32
        %dma_start3A_72 = arith.constant 160 : i32
        %dma_start3A_73 = arith.constant 0 : i32
        %dma_start3A_74 = tpu.memref_slice %arg11[%dma_start3A_72, %dma_start3A_73] : memref<400x128xf32, #tpu.memory_space<vmem>> -> memref<80x128xf32, #tpu.memory_space<vmem>>
        %dma_start3A_75 = arith.constant 0 : i32
        %dma_start3A_76 = tpu.memref_slice %arg9[%add3A_71, %dma_start3A_75] : memref<25x80xi32, #tpu.memory_space<vmem>> -> memref<1x80xi32, #tpu.memory_space<vmem>>
        %dma_start3A_77 = tpu.memref_squeeze %dma_start3A_76 : memref<1x80xi32, #tpu.memory_space<vmem>> -> memref<80xi32, #tpu.memory_space<vmem>>
        %dma_start3A_78 = arith.constant 0 : i32
        %dma_start3A_79 = arith.constant 0 : i32
        %dma_start3A_80 = tpu.memref_slice %arg3[%dma_start3A_78, %dma_start3A_79] : memref<10000x128xf32, #tpu.memory_space<hbm>> -> memref<10000x128xf32, #tpu.memory_space<hbm>>
        tpu.enqueue_indirect_dma source(%dma_start3A_80 : memref<10000x128xf32, #tpu.memory_space<hbm>>) target(%dma_start3A_74 : memref<80x128xf32, #tpu.memory_space<vmem>>) offsets(%dma_start3A_77 : memref<80xi32, #tpu.memory_space<vmem>>) semaphore(%arg12 : memref<!tpu.dma_semaphore, #tpu.memory_space<semaphore_mem>>)
        %add3A_81 = arith.constant 3 : i32
        %add3A_82 = arith.addi %mul3A_15, %add3A_81 : i32
        %dma_start3A_83 = arith.constant 240 : i32
        %dma_start3A_84 = arith.constant 0 : i32
        %dma_start3A_85 = tpu.memref_slice %arg10[%dma_start3A_83, %dma_start3A_84] : memref<400x128xf32, #tpu.memory_space<vmem>> -> memref<80x128xf32, #tpu.memory_space<vmem>>
        %dma_start3A_86 = arith.constant 0 : i32
        %dma_start3A_87 = tpu.memref_slice %arg8[%add3A_82, %dma_start3A_86] : memref<25x80xi32, #tpu.memory_space<vmem>> -> memref<1x80xi32, #tpu.memory_space<vmem>>
        %dma_start3A_88 = tpu.memref_squeeze %dma_start3A_87 : memref<1x80xi32, #tpu.memory_space<vmem>> -> memref<80xi32, #tpu.memory_space<vmem>>
        %dma_start3A_89 = arith.constant 0 : i32
        %dma_start3A_90 = arith.constant 0 : i32
        %dma_start3A_91 = tpu.memref_slice %arg2[%dma_start3A_89, %dma_start3A_90] : memref<10000x128xf32, #tpu.memory_space<hbm>> -> memref<10000x128xf32, #tpu.memory_space<hbm>>
        tpu.enqueue_indirect_dma source(%dma_start3A_91 : memref<10000x128xf32, #tpu.memory_space<hbm>>) target(%dma_start3A_85 : memref<80x128xf32, #tpu.memory_space<vmem>>) offsets(%dma_start3A_88 : memref<80xi32, #tpu.memory_space<vmem>>) semaphore(%arg12 : memref<!tpu.dma_semaphore, #tpu.memory_space<semaphore_mem>>)
        %add3A_92 = arith.constant 3 : i32
        %add3A_93 = arith.addi %mul3A_15, %add3A_92 : i32
        %dma_start3A_94 = arith.constant 240 : i32
        %dma_start3A_95 = arith.constant 0 : i32
        %dma_start3A_96 = tpu.memref_slice %arg11[%dma_start3A_94, %dma_start3A_95] : memref<400x128xf32, #tpu.memory_space<vmem>> -> memref<80x128xf32, #tpu.memory_space<vmem>>
        %dma_start3A_97 = arith.constant 0 : i32
        %dma_start3A_98 = tpu.memref_slice %arg9[%add3A_93, %dma_start3A_97] : memref<25x80xi32, #tpu.memory_space<vmem>> -> memref<1x80xi32, #tpu.memory_space<vmem>>
        %dma_start3A_99 = tpu.memref_squeeze %dma_start3A_98 : memref<1x80xi32, #tpu.memory_space<vmem>> -> memref<80xi32, #tpu.memory_space<vmem>>
        %dma_start3A_100 = arith.constant 0 : i32
        %dma_start3A_101 = arith.constant 0 : i32
        %dma_start3A_102 = tpu.memref_slice %arg3[%dma_start3A_100, %dma_start3A_101] : memref<10000x128xf32, #tpu.memory_space<hbm>> -> memref<10000x128xf32, #tpu.memory_space<hbm>>
        tpu.enqueue_indirect_dma source(%dma_start3A_102 : memref<10000x128xf32, #tpu.memory_space<hbm>>) target(%dma_start3A_96 : memref<80x128xf32, #tpu.memory_space<vmem>>) offsets(%dma_start3A_99 : memref<80xi32, #tpu.memory_space<vmem>>) semaphore(%arg12 : memref<!tpu.dma_semaphore, #tpu.memory_space<semaphore_mem>>)
        %add3A_103 = arith.constant 4 : i32
        %add3A_104 = arith.addi %mul3A_15, %add3A_103 : i32
        %dma_start3A_105 = arith.constant 320 : i32
        %dma_start3A_106 = arith.constant 0 : i32
        %dma_start3A_107 = tpu.memref_slice %arg10[%dma_start3A_105, %dma_start3A_106] : memref<400x128xf32, #tpu.memory_space<vmem>> -> memref<80x128xf32, #tpu.memory_space<vmem>>
        %dma_start3A_108 = arith.constant 0 : i32
        %dma_start3A_109 = tpu.memref_slice %arg8[%add3A_104, %dma_start3A_108] : memref<25x80xi32, #tpu.memory_space<vmem>> -> memref<1x80xi32, #tpu.memory_space<vmem>>
        %dma_start3A_110 = tpu.memref_squeeze %dma_start3A_109 : memref<1x80xi32, #tpu.memory_space<vmem>> -> memref<80xi32, #tpu.memory_space<vmem>>
        %dma_start3A_111 = arith.constant 0 : i32
        %dma_start3A_112 = arith.constant 0 : i32
        %dma_start3A_113 = tpu.memref_slice %arg2[%dma_start3A_111, %dma_start3A_112] : memref<10000x128xf32, #tpu.memory_space<hbm>> -> memref<10000x128xf32, #tpu.memory_space<hbm>>
        tpu.enqueue_indirect_dma source(%dma_start3A_113 : memref<10000x128xf32, #tpu.memory_space<hbm>>) target(%dma_start3A_107 : memref<80x128xf32, #tpu.memory_space<vmem>>) offsets(%dma_start3A_110 : memref<80xi32, #tpu.memory_space<vmem>>) semaphore(%arg12 : memref<!tpu.dma_semaphore, #tpu.memory_space<semaphore_mem>>)
        %add3A_114 = arith.constant 4 : i32
        %add3A_115 = arith.addi %mul3A_15, %add3A_114 : i32
        %dma_start3A_116 = arith.constant 320 : i32
        %dma_start3A_117 = arith.constant 0 : i32
        %dma_start3A_118 = tpu.memref_slice %arg11[%dma_start3A_116, %dma_start3A_117] : memref<400x128xf32, #tpu.memory_space<vmem>> -> memref<80x128xf32, #tpu.memory_space<vmem>>
        %dma_start3A_119 = arith.constant 0 : i32
        %dma_start3A_120 = tpu.memref_slice %arg9[%add3A_115, %dma_start3A_119] : memref<25x80xi32, #tpu.memory_space<vmem>> -> memref<1x80xi32, #tpu.memory_space<vmem>>
        %dma_start3A_121 = tpu.memref_squeeze %dma_start3A_120 : memref<1x80xi32, #tpu.memory_space<vmem>> -> memref<80xi32, #tpu.memory_space<vmem>>
        %dma_start3A_122 = arith.constant 0 : i32
        %dma_start3A_123 = arith.constant 0 : i32
        %dma_start3A_124 = tpu.memref_slice %arg3[%dma_start3A_122, %dma_start3A_123] : memref<10000x128xf32, #tpu.memory_space<hbm>> -> memref<10000x128xf32, #tpu.memory_space<hbm>>
        tpu.enqueue_indirect_dma source(%dma_start3A_124 : memref<10000x128xf32, #tpu.memory_space<hbm>>) target(%dma_start3A_118 : memref<80x128xf32, #tpu.memory_space<vmem>>) offsets(%dma_start3A_121 : memref<80xi32, #tpu.memory_space<vmem>>) semaphore(%arg12 : memref<!tpu.dma_semaphore, #tpu.memory_space<semaphore_mem>>)
        %dma_wait3A = arith.constant 0 : i32
        %dma_wait3A_125 = arith.constant 0 : i32
        %dma_wait3A_126 = tpu.memref_slice %arg10[%dma_wait3A, %dma_wait3A_125] : memref<400x128xf32, #tpu.memory_space<vmem>> -> memref<80x128xf32, #tpu.memory_space<vmem>>
        %dma_wait3A_127 = arith.constant 0 : i32
        %dma_wait3A_128 = tpu.memref_slice %arg8[%add3A_17, %dma_wait3A_127] : memref<25x80xi32, #tpu.memory_space<vmem>> -> memref<1x80xi32, #tpu.memory_space<vmem>>
        %dma_wait3A_129 = tpu.memref_squeeze %dma_wait3A_128 : memref<1x80xi32, #tpu.memory_space<vmem>> -> memref<80xi32, #tpu.memory_space<vmem>>
        %dma_wait3A_130 = arith.constant 0 : i32
        %dma_wait3A_131 = arith.constant 0 : i32
        %dma_wait3A_132 = tpu.memref_slice %arg2[%dma_wait3A_130, %dma_wait3A_131] : memref<10000x128xf32, #tpu.memory_space<hbm>> -> memref<10000x128xf32, #tpu.memory_space<hbm>>
        tpu.wait_indirect_dma semaphore(%arg12 : memref<!tpu.dma_semaphore, #tpu.memory_space<semaphore_mem>>) src(%dma_wait3A_132 : memref<10000x128xf32, #tpu.memory_space<hbm>>) dst(%dma_wait3A_126 : memref<80x128xf32, #tpu.memory_space<vmem>>)
        %dma_wait3A_133 = arith.constant 0 : i32
        %dma_wait3A_134 = arith.constant 0 : i32
        %dma_wait3A_135 = tpu.memref_slice %arg11[%dma_wait3A_133, %dma_wait3A_134] : memref<400x128xf32, #tpu.memory_space<vmem>> -> memref<80x128xf32, #tpu.memory_space<vmem>>
        %dma_wait3A_136 = arith.constant 0 : i32
        %dma_wait3A_137 = tpu.memref_slice %arg9[%add3A_27, %dma_wait3A_136] : memref<25x80xi32, #tpu.memory_space<vmem>> -> memref<1x80xi32, #tpu.memory_space<vmem>>
        %dma_wait3A_138 = tpu.memref_squeeze %dma_wait3A_137 : memref<1x80xi32, #tpu.memory_space<vmem>> -> memref<80xi32, #tpu.memory_space<vmem>>
        %dma_wait3A_139 = arith.constant 0 : i32
        %dma_wait3A_140 = arith.constant 0 : i32
        %dma_wait3A_141 = tpu.memref_slice %arg3[%dma_wait3A_139, %dma_wait3A_140] : memref<10000x128xf32, #tpu.memory_space<hbm>> -> memref<10000x128xf32, #tpu.memory_space<hbm>>
        tpu.wait_indirect_dma semaphore(%arg12 : memref<!tpu.dma_semaphore, #tpu.memory_space<semaphore_mem>>) src(%dma_wait3A_141 : memref<10000x128xf32, #tpu.memory_space<hbm>>) dst(%dma_wait3A_135 : memref<80x128xf32, #tpu.memory_space<vmem>>)
        %dma_wait3A_142 = arith.constant 80 : i32
        %dma_wait3A_143 = arith.constant 0 : i32
        %dma_wait3A_144 = tpu.memref_slice %arg10[%dma_wait3A_142, %dma_wait3A_143] : memref<400x128xf32, #tpu.memory_space<vmem>> -> memref<80x128xf32, #tpu.memory_space<vmem>>
        %dma_wait3A_145 = arith.constant 0 : i32
        %dma_wait3A_146 = tpu.memref_slice %arg8[%add3A_38, %dma_wait3A_145] : memref<25x80xi32, #tpu.memory_space<vmem>> -> memref<1x80xi32, #tpu.memory_space<vmem>>
        %dma_wait3A_147 = tpu.memref_squeeze %dma_wait3A_146 : memref<1x80xi32, #tpu.memory_space<vmem>> -> memref<80xi32, #tpu.memory_space<vmem>>
        %dma_wait3A_148 = arith.constant 0 : i32
        %dma_wait3A_149 = arith.constant 0 : i32
        %dma_wait3A_150 = tpu.memref_slice %arg2[%dma_wait3A_148, %dma_wait3A_149] : memref<10000x128xf32, #tpu.memory_space<hbm>> -> memref<10000x128xf32, #tpu.memory_space<hbm>>
        tpu.wait_indirect_dma semaphore(%arg12 : memref<!tpu.dma_semaphore, #tpu.memory_space<semaphore_mem>>) src(%dma_wait3A_150 : memref<10000x128xf32, #tpu.memory_space<hbm>>) dst(%dma_wait3A_144 : memref<80x128xf32, #tpu.memory_space<vmem>>)
        %dma_wait3A_151 = arith.constant 80 : i32
        %dma_wait3A_152 = arith.constant 0 : i32
        %dma_wait3A_153 = tpu.memref_slice %arg11[%dma_wait3A_151, %dma_wait3A_152] : memref<400x128xf32, #tpu.memory_space<vmem>> -> memref<80x128xf32, #tpu.memory_space<vmem>>
        %dma_wait3A_154 = arith.constant 0 : i32
        %dma_wait3A_155 = tpu.memref_slice %arg9[%add3A_49, %dma_wait3A_154] : memref<25x80xi32, #tpu.memory_space<vmem>> -> memref<1x80xi32, #tpu.memory_space<vmem>>
        %dma_wait3A_156 = tpu.memref_squeeze %dma_wait3A_155 : memref<1x80xi32, #tpu.memory_space<vmem>> -> memref<80xi32, #tpu.memory_space<vmem>>
        %dma_wait3A_157 = arith.constant 0 : i32
        %dma_wait3A_158 = arith.constant 0 : i32
        %dma_wait3A_159 = tpu.memref_slice %arg3[%dma_wait3A_157, %dma_wait3A_158] : memref<10000x128xf32, #tpu.memory_space<hbm>> -> memref<10000x128xf32, #tpu.memory_space<hbm>>
        tpu.wait_indirect_dma semaphore(%arg12 : memref<!tpu.dma_semaphore, #tpu.memory_space<semaphore_mem>>) src(%dma_wait3A_159 : memref<10000x128xf32, #tpu.memory_space<hbm>>) dst(%dma_wait3A_153 : memref<80x128xf32, #tpu.memory_space<vmem>>)
        %dma_wait3A_160 = arith.constant 160 : i32
        %dma_wait3A_161 = arith.constant 0 : i32
        %dma_wait3A_162 = tpu.memref_slice %arg10[%dma_wait3A_160, %dma_wait3A_161] : memref<400x128xf32, #tpu.memory_space<vmem>> -> memref<80x128xf32, #tpu.memory_space<vmem>>
        %dma_wait3A_163 = arith.constant 0 : i32
        %dma_wait3A_164 = tpu.memref_slice %arg8[%add3A_60, %dma_wait3A_163] : memref<25x80xi32, #tpu.memory_space<vmem>> -> memref<1x80xi32, #tpu.memory_space<vmem>>
        %dma_wait3A_165 = tpu.memref_squeeze %dma_wait3A_164 : memref<1x80xi32, #tpu.memory_space<vmem>> -> memref<80xi32, #tpu.memory_space<vmem>>
        %dma_wait3A_166 = arith.constant 0 : i32
        %dma_wait3A_167 = arith.constant 0 : i32
        %dma_wait3A_168 = tpu.memref_slice %arg2[%dma_wait3A_166, %dma_wait3A_167] : memref<10000x128xf32, #tpu.memory_space<hbm>> -> memref<10000x128xf32, #tpu.memory_space<hbm>>
        tpu.wait_indirect_dma semaphore(%arg12 : memref<!tpu.dma_semaphore, #tpu.memory_space<semaphore_mem>>) src(%dma_wait3A_168 : memref<10000x128xf32, #tpu.memory_space<hbm>>) dst(%dma_wait3A_162 : memref<80x128xf32, #tpu.memory_space<vmem>>)
        %dma_wait3A_169 = arith.constant 160 : i32
        %dma_wait3A_170 = arith.constant 0 : i32
        %dma_wait3A_171 = tpu.memref_slice %arg11[%dma_wait3A_169, %dma_wait3A_170] : memref<400x128xf32, #tpu.memory_space<vmem>> -> memref<80x128xf32, #tpu.memory_space<vmem>>
        %dma_wait3A_172 = arith.constant 0 : i32
        %dma_wait3A_173 = tpu.memref_slice %arg9[%add3A_71, %dma_wait3A_172] : memref<25x80xi32, #tpu.memory_space<vmem>> -> memref<1x80xi32, #tpu.memory_space<vmem>>
        %dma_wait3A_174 = tpu.memref_squeeze %dma_wait3A_173 : memref<1x80xi32, #tpu.memory_space<vmem>> -> memref<80xi32, #tpu.memory_space<vmem>>
        %dma_wait3A_175 = arith.constant 0 : i32
        %dma_wait3A_176 = arith.constant 0 : i32
        %dma_wait3A_177 = tpu.memref_slice %arg3[%dma_wait3A_175, %dma_wait3A_176] : memref<10000x128xf32, #tpu.memory_space<hbm>> -> memref<10000x128xf32, #tpu.memory_space<hbm>>
        tpu.wait_indirect_dma semaphore(%arg12 : memref<!tpu.dma_semaphore, #tpu.memory_space<semaphore_mem>>) src(%dma_wait3A_177 : memref<10000x128xf32, #tpu.memory_space<hbm>>) dst(%dma_wait3A_171 : memref<80x128xf32, #tpu.memory_space<vmem>>)
        %dma_wait3A_178 = arith.constant 240 : i32
        %dma_wait3A_179 = arith.constant 0 : i32
        %dma_wait3A_180 = tpu.memref_slice %arg10[%dma_wait3A_178, %dma_wait3A_179] : memref<400x128xf32, #tpu.memory_space<vmem>> -> memref<80x128xf32, #tpu.memory_space<vmem>>
        %dma_wait3A_181 = arith.constant 0 : i32
        %dma_wait3A_182 = tpu.memref_slice %arg8[%add3A_82, %dma_wait3A_181] : memref<25x80xi32, #tpu.memory_space<vmem>> -> memref<1x80xi32, #tpu.memory_space<vmem>>
        %dma_wait3A_183 = tpu.memref_squeeze %dma_wait3A_182 : memref<1x80xi32, #tpu.memory_space<vmem>> -> memref<80xi32, #tpu.memory_space<vmem>>
        %dma_wait3A_184 = arith.constant 0 : i32
        %dma_wait3A_185 = arith.constant 0 : i32
        %dma_wait3A_186 = tpu.memref_slice %arg2[%dma_wait3A_184, %dma_wait3A_185] : memref<10000x128xf32, #tpu.memory_space<hbm>> -> memref<10000x128xf32, #tpu.memory_space<hbm>>
        tpu.wait_indirect_dma semaphore(%arg12 : memref<!tpu.dma_semaphore, #tpu.memory_space<semaphore_mem>>) src(%dma_wait3A_186 : memref<10000x128xf32, #tpu.memory_space<hbm>>) dst(%dma_wait3A_180 : memref<80x128xf32, #tpu.memory_space<vmem>>)
        %dma_wait3A_187 = arith.constant 240 : i32
        %dma_wait3A_188 = arith.constant 0 : i32
        %dma_wait3A_189 = tpu.memref_slice %arg11[%dma_wait3A_187, %dma_wait3A_188] : memref<400x128xf32, #tpu.memory_space<vmem>> -> memref<80x128xf32, #tpu.memory_space<vmem>>
        %dma_wait3A_190 = arith.constant 0 : i32
        %dma_wait3A_191 = tpu.memref_slice %arg9[%add3A_93, %dma_wait3A_190] : memref<25x80xi32, #tpu.memory_space<vmem>> -> memref<1x80xi32, #tpu.memory_space<vmem>>
        %dma_wait3A_192 = tpu.memref_squeeze %dma_wait3A_191 : memref<1x80xi32, #tpu.memory_space<vmem>> -> memref<80xi32, #tpu.memory_space<vmem>>
        %dma_wait3A_193 = arith.constant 0 : i32
        %dma_wait3A_194 = arith.constant 0 : i32
        %dma_wait3A_195 = tpu.memref_slice %arg3[%dma_wait3A_193, %dma_wait3A_194] : memref<10000x128xf32, #tpu.memory_space<hbm>> -> memref<10000x128xf32, #tpu.memory_space<hbm>>
        tpu.wait_indirect_dma semaphore(%arg12 : memref<!tpu.dma_semaphore, #tpu.memory_space<semaphore_mem>>) src(%dma_wait3A_195 : memref<10000x128xf32, #tpu.memory_space<hbm>>) dst(%dma_wait3A_189 : memref<80x128xf32, #tpu.memory_space<vmem>>)
        %dma_wait3A_196 = arith.constant 320 : i32
        %dma_wait3A_197 = arith.constant 0 : i32
        %dma_wait3A_198 = tpu.memref_slice %arg10[%dma_wait3A_196, %dma_wait3A_197] : memref<400x128xf32, #tpu.memory_space<vmem>> -> memref<80x128xf32, #tpu.memory_space<vmem>>
        %dma_wait3A_199 = arith.constant 0 : i32
        %dma_wait3A_200 = tpu.memref_slice %arg8[%add3A_104, %dma_wait3A_199] : memref<25x80xi32, #tpu.memory_space<vmem>> -> memref<1x80xi32, #tpu.memory_space<vmem>>
        %dma_wait3A_201 = tpu.memref_squeeze %dma_wait3A_200 : memref<1x80xi32, #tpu.memory_space<vmem>> -> memref<80xi32, #tpu.memory_space<vmem>>
        %dma_wait3A_202 = arith.constant 0 : i32
        %dma_wait3A_203 = arith.constant 0 : i32
        %dma_wait3A_204 = tpu.memref_slice %arg2[%dma_wait3A_202, %dma_wait3A_203] : memref<10000x128xf32, #tpu.memory_space<hbm>> -> memref<10000x128xf32, #tpu.memory_space<hbm>>
        tpu.wait_indirect_dma semaphore(%arg12 : memref<!tpu.dma_semaphore, #tpu.memory_space<semaphore_mem>>) src(%dma_wait3A_204 : memref<10000x128xf32, #tpu.memory_space<hbm>>) dst(%dma_wait3A_198 : memref<80x128xf32, #tpu.memory_space<vmem>>)
        %dma_wait3A_205 = arith.constant 320 : i32
        %dma_wait3A_206 = arith.constant 0 : i32
        %dma_wait3A_207 = tpu.memref_slice %arg11[%dma_wait3A_205, %dma_wait3A_206] : memref<400x128xf32, #tpu.memory_space<vmem>> -> memref<80x128xf32, #tpu.memory_space<vmem>>
        %dma_wait3A_208 = arith.constant 0 : i32
        %dma_wait3A_209 = tpu.memref_slice %arg9[%add3A_115, %dma_wait3A_208] : memref<25x80xi32, #tpu.memory_space<vmem>> -> memref<1x80xi32, #tpu.memory_space<vmem>>
        %dma_wait3A_210 = tpu.memref_squeeze %dma_wait3A_209 : memref<1x80xi32, #tpu.memory_space<vmem>> -> memref<80xi32, #tpu.memory_space<vmem>>
        %dma_wait3A_211 = arith.constant 0 : i32
        %dma_wait3A_212 = arith.constant 0 : i32
        %dma_wait3A_213 = tpu.memref_slice %arg3[%dma_wait3A_211, %dma_wait3A_212] : memref<10000x128xf32, #tpu.memory_space<hbm>> -> memref<10000x128xf32, #tpu.memory_space<hbm>>
        tpu.wait_indirect_dma semaphore(%arg12 : memref<!tpu.dma_semaphore, #tpu.memory_space<semaphore_mem>>) src(%dma_wait3A_213 : memref<10000x128xf32, #tpu.memory_space<hbm>>) dst(%dma_wait3A_207 : memref<80x128xf32, #tpu.memory_space<vmem>>)
        %mul3A_214 = arith.constant 5 : i32
        %mul3A_215 = arith.muli %add3A, %mul3A_214 : i32
        %add3A_216 = arith.addi %mul3A_215, %scan3A_6 : i32
        %mul3A_217 = arith.constant 25 : i32
        %mul3A_218 = arith.muli %add3A_216, %mul3A_217 : i32
        %add3A_219 = arith.addi %mul3A_218, %mul3A_15 : i32
        %mul3A_220 = arith.constant 80 : i32
        %mul3A_221 = arith.muli %add3A_219, %mul3A_220 : i32
        %dma_start3A_222 = arith.constant 0 : i32
        %dma_start3A_223 = tpu.memref_slice %arg6[%mul3A_221, %dma_start3A_222] : memref<320000x128xf32, #tpu.memory_space<hbm>> -> memref<400x128xf32, #tpu.memory_space<hbm>>
        %dma_start3A_224 = arith.constant 0 : i32
        %dma_start3A_225 = tpu.memref_slice %arg6[%mul3A_221, %dma_start3A_224] : memref<320000x128xf32, #tpu.memory_space<hbm>> -> memref<400x128xf32, #tpu.memory_space<hbm>>
        tpu.enqueue_dma source(%arg10 : memref<400x128xf32, #tpu.memory_space<vmem>>) target(%dma_start3A_225 : memref<400x128xf32, #tpu.memory_space<hbm>>) target_semaphore(%arg13 : memref<!tpu.dma_semaphore, #tpu.memory_space<semaphore_mem>>)
        %dma_start3A_226 = arith.constant 0 : i32
        %dma_start3A_227 = tpu.memref_slice %arg7[%mul3A_221, %dma_start3A_226] : memref<320000x128xf32, #tpu.memory_space<hbm>> -> memref<400x128xf32, #tpu.memory_space<hbm>>
        %dma_start3A_228 = arith.constant 0 : i32
        %dma_start3A_229 = tpu.memref_slice %arg7[%mul3A_221, %dma_start3A_228] : memref<320000x128xf32, #tpu.memory_space<hbm>> -> memref<400x128xf32, #tpu.memory_space<hbm>>
        tpu.enqueue_dma source(%arg11 : memref<400x128xf32, #tpu.memory_space<vmem>>) target(%dma_start3A_229 : memref<400x128xf32, #tpu.memory_space<hbm>>) target_semaphore(%arg13 : memref<!tpu.dma_semaphore, #tpu.memory_space<semaphore_mem>>)
        %dma_wait3A_230 = arith.constant 0 : i32
        %dma_wait3A_231 = tpu.memref_slice %arg6[%mul3A_221, %dma_wait3A_230] : memref<320000x128xf32, #tpu.memory_space<hbm>> -> memref<400x128xf32, #tpu.memory_space<hbm>>
        %dma_wait3A_232 = arith.constant 0 : i32
        %dma_wait3A_233 = tpu.memref_slice %arg6[%mul3A_221, %dma_wait3A_232] : memref<320000x128xf32, #tpu.memory_space<hbm>> -> memref<400x128xf32, #tpu.memory_space<hbm>>
        tpu.wait_dma2 semaphore(%arg13 : memref<!tpu.dma_semaphore, #tpu.memory_space<semaphore_mem>>) src(%arg10 : memref<400x128xf32, #tpu.memory_space<vmem>>) dst(%dma_wait3A_233 : memref<400x128xf32, #tpu.memory_space<hbm>>)
        %dma_wait3A_234 = arith.constant 0 : i32
        %dma_wait3A_235 = tpu.memref_slice %arg7[%mul3A_221, %dma_wait3A_234] : memref<320000x128xf32, #tpu.memory_space<hbm>> -> memref<400x128xf32, #tpu.memory_space<hbm>>
        %dma_wait3A_236 = arith.constant 0 : i32
        %dma_wait3A_237 = tpu.memref_slice %arg7[%mul3A_221, %dma_wait3A_236] : memref<320000x128xf32, #tpu.memory_space<hbm>> -> memref<400x128xf32, #tpu.memory_space<hbm>>
        tpu.wait_dma2 semaphore(%arg13 : memref<!tpu.dma_semaphore, #tpu.memory_space<semaphore_mem>>) src(%arg11 : memref<400x128xf32, #tpu.memory_space<vmem>>) dst(%dma_wait3A_237 : memref<400x128xf32, #tpu.memory_space<hbm>>)
      }
      %scan3A_12 = arith.constant 5 : i32
    }
    %scan3A_5 = arith.constant 5 : i32
    return
  }
}

module attributes {stable_mosaic.version = 14 : i64} {
  func.func @_a_body(%arg0: i32, %arg1: memref<1000x128xf32, #tpu.memory_space<vmem>>, %arg2: memref<128x128xf32, #tpu.memory_space<vmem>>, %arg3: memref<128x128xf32, #tpu.memory_space<vmem>>, %arg4: memref<1000x128xf32, #tpu.memory_space<vmem>>, %arg5: memref<1000x128xf32, #tpu.memory_space<vmem>>) attributes {dimension_semantics = [#tpu.dimension_semantics<arbitrary>], iteration_bounds = array<i64: 10>, scalar_prefetch = 0 : i64, scratch_operands = 0 : i64, tpu.core_type = #tpu.core_type<tc>, window_params = [{transform_indices = @transform_0, window_bounds = array<i64: 1000, 128>}, {pipeline_mode = #tpu.pipeline_mode<synchronous>, transform_indices = @transform_1, window_bounds = array<i64: 128, 128>}, {pipeline_mode = #tpu.pipeline_mode<synchronous>, transform_indices = @transform_2, window_bounds = array<i64: 128, 128>}, {transform_indices = @transform_3, window_bounds = array<i64: 1000, 128>}, {transform_indices = @transform_4, window_bounds = array<i64: 1000, 128>}]} {
    %get3A = arith.constant 0 : index
    %get3A_0 = arith.constant 0 : index
    %get3A_1 = vector.load %arg1[%get3A, %get3A_0] : memref<1000x128xf32, #tpu.memory_space<vmem>>, vector<1000x128xf32>
    %get3A_2 = arith.constant 0 : index
    %get3A_3 = arith.constant 0 : index
    %get3A_4 = vector.load %arg2[%get3A_2, %get3A_3] : memref<128x128xf32, #tpu.memory_space<vmem>>, vector<128x128xf32>
    %dot_general3A = arith.constant dense<0.000000e+00> : vector<1000x128xf32>
    %dot_general3A_5 = tpu.matmul %get3A_1, %get3A_4, %dot_general3A {dimension_numbers = #tpu.dot_dimension_numbers<[1], [0], [0], [1], [0, 0, 1, 1], [], []>, transpose_lhs_hint = false} : vector<1000x128xf32>, vector<128x128xf32>, vector<1000x128xf32> -> vector<1000x128xf32>
    %swap3A = arith.constant 0 : index
    %swap3A_6 = arith.constant 0 : index
    %swap3A_7 = vector.load %arg4[%swap3A, %swap3A_6] : memref<1000x128xf32, #tpu.memory_space<vmem>>, vector<1000x128xf32>
    tpu.vector_store %arg4[%swap3A, %swap3A_6], %dot_general3A_5 {strides = array<i32>} : memref<1000x128xf32, #tpu.memory_space<vmem>>, vector<1000x128xf32>,
    %get3A_8 = arith.constant 0 : index
    %get3A_9 = arith.constant 0 : index
    %get3A_10 = vector.load %arg3[%get3A_8, %get3A_9] : memref<128x128xf32, #tpu.memory_space<vmem>>, vector<128x128xf32>
    %dot_general3A_11 = arith.constant dense<0.000000e+00> : vector<1000x128xf32>
    %dot_general3A_12 = tpu.matmul %get3A_1, %get3A_10, %dot_general3A_11 {dimension_numbers = #tpu.dot_dimension_numbers<[1], [0], [0], [1], [0, 0, 1, 1], [], []>, transpose_lhs_hint = false} : vector<1000x128xf32>, vector<128x128xf32>, vector<1000x128xf32> -> vector<1000x128xf32>
    %swap3A_13 = arith.constant 0 : index
    %swap3A_14 = arith.constant 0 : index
    %swap3A_15 = vector.load %arg5[%swap3A_13, %swap3A_14] : memref<1000x128xf32, #tpu.memory_space<vmem>>, vector<1000x128xf32>
    tpu.vector_store %arg5[%swap3A_13, %swap3A_14], %dot_general3A_12 {strides = array<i32>} : memref<1000x128xf32, #tpu.memory_space<vmem>>, vector<1000x128xf32>,
    return
  }
  func.func @transform_0(%arg0: i32) -> (i32, i32) {
    %c0_i32 = arith.constant 0 : i32
    %c0_i32_0 = arith.constant 0 : i32
    return %arg0, %c0_i32 : i32, i32
  }
  func.func @transform_1(%arg0: i32) -> (i32, i32) {
    %c0_i32 = arith.constant 0 : i32
    %c0_i32_0 = arith.constant 0 : i32
    %c0_i32_1 = arith.constant 0 : i32
    return %c0_i32, %c0_i32_0 : i32, i32
  }
  func.func @transform_2(%arg0: i32) -> (i32, i32) {
    %c0_i32 = arith.constant 0 : i32
    %c0_i32_0 = arith.constant 0 : i32
    %c0_i32_1 = arith.constant 0 : i32
    return %c0_i32, %c0_i32_0 : i32, i32
  }
  func.func @transform_3(%arg0: i32) -> (i32, i32) {
    %c0_i32 = arith.constant 0 : i32
    %c0_i32_0 = arith.constant 0 : i32
    return %arg0, %c0_i32 : i32, i32
  }
  func.func @transform_4(%arg0: i32) -> (i32, i32) {
    %c0_i32 = arith.constant 0 : i32
    %c0_i32_0 = arith.constant 0 : i32
    return %arg0, %c0_i32 : i32, i32
  }
}

module attributes {stable_mosaic.version = 14 : i64} {
  func.func @_c_body(%arg0: i32, %arg1: memref<4000x128xf32, #tpu.memory_space<vmem>>, %arg2: memref<4000x128xf32, #tpu.memory_space<vmem>>, %arg3: memref<4000x128xf32, #tpu.memory_space<vmem>>, %arg4: memref<128x128xf32, #tpu.memory_space<vmem>>, %arg5: memref<128x128xf32, #tpu.memory_space<vmem>>, %arg6: memref<1x128xf32, #tpu.memory_space<vmem>>, %arg7: memref<128x32xf32, #tpu.memory_space<vmem>>, %arg8: memref<32x128xf32, #tpu.memory_space<vmem>>, %arg9: memref<1x128xf32, #tpu.memory_space<vmem>>, %arg10: memref<128x32xf32, #tpu.memory_space<vmem>>, %arg11: memref<1x128xf32, #tpu.memory_space<vmem>>, %arg12: memref<1x128xf32, #tpu.memory_space<vmem>>, %arg13: memref<4000x32xf32, #tpu.memory_space<vmem>>, %arg14: memref<4000x128xf32, #tpu.memory_space<vmem>>) attributes {dimension_semantics = [#tpu.dimension_semantics<arbitrary>], iteration_bounds = array<i64: 80>, scalar_prefetch = 0 : i64, scratch_operands = 0 : i64, tpu.core_type = #tpu.core_type<tc>, window_params = [{transform_indices = @transform_0, window_bounds = array<i64: 4000, 128>}, {transform_indices = @transform_1, window_bounds = array<i64: 4000, 128>}, {transform_indices = @transform_2, window_bounds = array<i64: 4000, 128>}, {pipeline_mode = #tpu.pipeline_mode<synchronous>, transform_indices = @transform_3, window_bounds = array<i64: 128, 128>}, {pipeline_mode = #tpu.pipeline_mode<synchronous>, transform_indices = @transform_4, window_bounds = array<i64: 128, 128>}, {pipeline_mode = #tpu.pipeline_mode<synchronous>, transform_indices = @transform_5, window_bounds = array<i64: 1, 128>}, {pipeline_mode = #tpu.pipeline_mode<synchronous>, transform_indices = @transform_6, window_bounds = array<i64: 128, 32>}, {pipeline_mode = #tpu.pipeline_mode<synchronous>, transform_indices = @transform_7, window_bounds = array<i64: 32, 128>}, {pipeline_mode = #tpu.pipeline_mode<synchronous>, transform_indices = @transform_8, window_bounds = array<i64: 1, 128>}, {pipeline_mode = #tpu.pipeline_mode<synchronous>, transform_indices = @transform_9, window_bounds = array<i64: 128, 32>}, {pipeline_mode = #tpu.pipeline_mode<synchronous>, transform_indices = @transform_10, window_bounds = array<i64: 1, 128>}, {pipeline_mode = #tpu.pipeline_mode<synchronous>, transform_indices = @transform_11, window_bounds = array<i64: 1, 128>}, {transform_indices = @transform_12, window_bounds = array<i64: 4000, 32>}, {transform_indices = @transform_13, window_bounds = array<i64: 4000, 128>}]} {
    %get3A = arith.constant 0 : index
    %get3A_0 = arith.constant 0 : index
    %get3A_1 = vector.load %arg1[%get3A, %get3A_0] : memref<4000x128xf32, #tpu.memory_space<vmem>>, vector<4000x128xf32>
    %get3A_2 = arith.constant 0 : index
    %get3A_3 = arith.constant 0 : index
    %get3A_4 = vector.load %arg7[%get3A_2, %get3A_3] : memref<128x32xf32, #tpu.memory_space<vmem>>, vector<128x32xf32>
    %dot_general3A = arith.constant dense<0.000000e+00> : vector<4000x32xf32>
    %dot_general3A_5 = tpu.matmul %get3A_1, %get3A_4, %dot_general3A {dimension_numbers = #tpu.dot_dimension_numbers<[1], [0], [0], [1], [0, 0, 1, 1], [], []>, transpose_lhs_hint = false} : vector<4000x128xf32>, vector<128x32xf32>, vector<4000x32xf32> -> vector<4000x32xf32>
    %get3A_6 = arith.constant 0 : index
    %get3A_7 = arith.constant 0 : index
    %get3A_8 = vector.load %arg8[%get3A_6, %get3A_7] : memref<32x128xf32, #tpu.memory_space<vmem>>, vector<32x128xf32>
    %dot_general3A_9 = arith.constant dense<0.000000e+00> : vector<4000x128xf32>
    %dot_general3A_10 = tpu.matmul %dot_general3A_5, %get3A_8, %dot_general3A_9 {dimension_numbers = #tpu.dot_dimension_numbers<[1], [0], [0], [1], [0, 0, 1, 1], [], []>, transpose_lhs_hint = false} : vector<4000x32xf32>, vector<32x128xf32>, vector<4000x128xf32> -> vector<4000x128xf32>
    %get3A_11 = arith.constant 0 : index
    %get3A_12 = arith.constant 0 : index
    %get3A_13 = vector.load %arg9[%get3A_11, %get3A_12] : memref<1x128xf32, #tpu.memory_space<vmem>>, vector<1x128xf32>
    %add3A = vector.broadcast %get3A_13 : vector<1x128xf32> to vector<4000x128xf32>
    %add3A_14 = arith.addf %dot_general3A_10, %add3A : vector<4000x128xf32>
    %get3A_15 = arith.constant 0 : index
    %get3A_16 = arith.constant 0 : index
    %get3A_17 = vector.load %arg2[%get3A_15, %get3A_16] : memref<4000x128xf32, #tpu.memory_space<vmem>>, vector<4000x128xf32>
    %get3A_18 = arith.constant 0 : index
    %get3A_19 = arith.constant 0 : index
    %get3A_20 = vector.load %arg3[%get3A_18, %get3A_19] : memref<4000x128xf32, #tpu.memory_space<vmem>>, vector<4000x128xf32>
    %add3A_21 = arith.addf %get3A_17, %get3A_20 : vector<4000x128xf32>
    %get3A_22 = arith.constant 0 : index
    %get3A_23 = arith.constant 0 : index
    %get3A_24 = vector.load %arg4[%get3A_22, %get3A_23] : memref<128x128xf32, #tpu.memory_space<vmem>>, vector<128x128xf32>
    %dot_general3A_25 = arith.constant dense<0.000000e+00> : vector<4000x128xf32>
    %dot_general3A_26 = tpu.matmul %get3A_1, %get3A_24, %dot_general3A_25 {dimension_numbers = #tpu.dot_dimension_numbers<[1], [0], [0], [1], [0, 0, 1, 1], [], []>, transpose_lhs_hint = false} : vector<4000x128xf32>, vector<128x128xf32>, vector<4000x128xf32> -> vector<4000x128xf32>
    %add3A_27 = arith.addf %add3A_21, %dot_general3A_26 : vector<4000x128xf32>
    %get3A_28 = arith.constant 0 : index
    %get3A_29 = arith.constant 0 : index
    %get3A_30 = vector.load %arg5[%get3A_28, %get3A_29] : memref<128x128xf32, #tpu.memory_space<vmem>>, vector<128x128xf32>
    %dot_general3A_31 = arith.constant dense<0.000000e+00> : vector<4000x128xf32>
    %dot_general3A_32 = tpu.matmul %add3A_27, %get3A_30, %dot_general3A_31 {dimension_numbers = #tpu.dot_dimension_numbers<[1], [0], [0], [1], [0, 0, 1, 1], [], []>, transpose_lhs_hint = false} : vector<4000x128xf32>, vector<128x128xf32>, vector<4000x128xf32> -> vector<4000x128xf32>
    %get3A_33 = arith.constant 0 : index
    %get3A_34 = arith.constant 0 : index
    %get3A_35 = vector.load %arg6[%get3A_33, %get3A_34] : memref<1x128xf32, #tpu.memory_space<vmem>>, vector<1x128xf32>
    %add3A_36 = vector.broadcast %get3A_35 : vector<1x128xf32> to vector<4000x128xf32>
    %add3A_37 = arith.addf %dot_general3A_32, %add3A_36 : vector<4000x128xf32>
    %logistic3A = arith.negf %add3A_37 : vector<4000x128xf32>
    %logistic3A_38 = math.exp %logistic3A : vector<4000x128xf32>
    %logistic3A_39 = arith.constant 1.000000e+00 : f32
    %logistic3A_40 = vector.broadcast %logistic3A_39 : f32 to vector<4000x128xf32>
    %logistic3A_41 = arith.addf %logistic3A_40, %logistic3A_38 : vector<4000x128xf32>
    %logistic3A_42 = arith.divf %logistic3A_40, %logistic3A_41 : vector<4000x128xf32>
    %mul3A = arith.mulf %add3A_37, %logistic3A_42 : vector<4000x128xf32>
    %mul3A_43 = arith.mulf %mul3A, %add3A_14 : vector<4000x128xf32>
    %get3A_44 = arith.constant 0 : index
    %get3A_45 = arith.constant 0 : index
    %get3A_46 = vector.load %arg10[%get3A_44, %get3A_45] : memref<128x32xf32, #tpu.memory_space<vmem>>, vector<128x32xf32>
    %dot_general3A_47 = arith.constant dense<0.000000e+00> : vector<4000x32xf32>
    %dot_general3A_48 = tpu.matmul %mul3A_43, %get3A_46, %dot_general3A_47 {dimension_numbers = #tpu.dot_dimension_numbers<[1], [0], [0], [1], [0, 0, 1, 1], [], []>, transpose_lhs_hint = false} : vector<4000x128xf32>, vector<128x32xf32>, vector<4000x32xf32> -> vector<4000x32xf32>
    %swap3A = arith.constant 0 : index
    %swap3A_49 = arith.constant 0 : index
    %swap3A_50 = vector.load %arg13[%swap3A, %swap3A_49] : memref<4000x32xf32, #tpu.memory_space<vmem>>, vector<4000x32xf32>
    tpu.vector_store %arg13[%swap3A, %swap3A_49], %dot_general3A_48 {strides = array<i32>} : memref<4000x32xf32, #tpu.memory_space<vmem>>, vector<4000x32xf32>,
    %add3A_51 = arith.addf %get3A_1, %add3A_14 : vector<4000x128xf32>
    %reduce_sum3A = arith.constant dense<0.000000e+00> : vector<4000xf32>
    %reduce_sum3A_52 = vector.multi_reduction <add>, %add3A_51, %reduce_sum3A [1] : vector<4000x128xf32> to vector<4000xf32>
    %broadcast_in_dim3A = vector.shape_cast %reduce_sum3A_52 : vector<4000xf32> to vector<4000x1xf32>
    %div3A = arith.constant 1.280000e+02 : f32
    %div3A_53 = vector.broadcast %div3A : f32 to vector<4000x1xf32>
    %div3A_54 = arith.divf %broadcast_in_dim3A, %div3A_53 : vector<4000x1xf32>
    %sub3A = vector.broadcast %div3A_54 : vector<4000x1xf32> to vector<4000x128xf32>
    %sub3A_55 = arith.subf %add3A_51, %sub3A : vector<4000x128xf32>
    %integer_pow3A = arith.mulf %sub3A_55, %sub3A_55 : vector<4000x128xf32>
    %reduce_sum3A_56 = arith.constant dense<0.000000e+00> : vector<4000xf32>
    %reduce_sum3A_57 = vector.multi_reduction <add>, %integer_pow3A, %reduce_sum3A_56 [1] : vector<4000x128xf32> to vector<4000xf32>
    %broadcast_in_dim3A_58 = vector.shape_cast %reduce_sum3A_57 : vector<4000xf32> to vector<4000x1xf32>
    %div3A_59 = arith.constant 1.280000e+02 : f32
    %div3A_60 = vector.broadcast %div3A_59 : f32 to vector<4000x1xf32>
    %div3A_61 = arith.divf %broadcast_in_dim3A_58, %div3A_60 : vector<4000x1xf32>
    %sub3A_62 = vector.broadcast %div3A_54 : vector<4000x1xf32> to vector<4000x128xf32>
    %sub3A_63 = arith.subf %add3A_51, %sub3A_62 : vector<4000x128xf32>
    %add3A_64 = arith.constant 9.99999974E-6 : f32
    %add3A_65 = vector.broadcast %add3A_64 : f32 to vector<4000x1xf32>
    %add3A_66 = arith.addf %div3A_61, %add3A_65 : vector<4000x1xf32>
    %sqrt3A = math.sqrt %add3A_66 : vector<4000x1xf32>
    %div3A_67 = vector.broadcast %sqrt3A : vector<4000x1xf32> to vector<4000x128xf32>
    %div3A_68 = arith.divf %sub3A_63, %div3A_67 : vector<4000x128xf32>
    %get3A_69 = arith.constant 0 : index
    %get3A_70 = arith.constant 0 : index
    %get3A_71 = vector.load %arg11[%get3A_69, %get3A_70] : memref<1x128xf32, #tpu.memory_space<vmem>>, vector<1x128xf32>
    %mul3A_72 = vector.broadcast %get3A_71 : vector<1x128xf32> to vector<4000x128xf32>
    %mul3A_73 = arith.mulf %div3A_68, %mul3A_72 : vector<4000x128xf32>
    %get3A_74 = arith.constant 0 : index
    %get3A_75 = arith.constant 0 : index
    %get3A_76 = vector.load %arg12[%get3A_74, %get3A_75] : memref<1x128xf32, #tpu.memory_space<vmem>>, vector<1x128xf32>
    %add3A_77 = vector.broadcast %get3A_76 : vector<1x128xf32> to vector<4000x128xf32>
    %add3A_78 = arith.addf %mul3A_73, %add3A_77 : vector<4000x128xf32>
    %logistic3A_79 = arith.negf %add3A_78 : vector<4000x128xf32>
    %logistic3A_80 = math.exp %logistic3A_79 : vector<4000x128xf32>
    %logistic3A_81 = arith.constant 1.000000e+00 : f32
    %logistic3A_82 = vector.broadcast %logistic3A_81 : f32 to vector<4000x128xf32>
    %logistic3A_83 = arith.addf %logistic3A_82, %logistic3A_80 : vector<4000x128xf32>
    %logistic3A_84 = arith.divf %logistic3A_82, %logistic3A_83 : vector<4000x128xf32>
    %mul3A_85 = arith.mulf %add3A_78, %logistic3A_84 : vector<4000x128xf32>
    %swap3A_86 = arith.constant 0 : index
    %swap3A_87 = arith.constant 0 : index
    %swap3A_88 = vector.load %arg14[%swap3A_86, %swap3A_87] : memref<4000x128xf32, #tpu.memory_space<vmem>>, vector<4000x128xf32>
    tpu.vector_store %arg14[%swap3A_86, %swap3A_87], %mul3A_85 {strides = array<i32>} : memref<4000x128xf32, #tpu.memory_space<vmem>>, vector<4000x128xf32>,
    return
  }
  func.func @transform_0(%arg0: i32) -> (i32, i32) {
    %c0_i32 = arith.constant 0 : i32
    %c0_i32_0 = arith.constant 0 : i32
    return %arg0, %c0_i32 : i32, i32
  }
  func.func @transform_1(%arg0: i32) -> (i32, i32) {
    %c0_i32 = arith.constant 0 : i32
    %c0_i32_0 = arith.constant 0 : i32
    return %arg0, %c0_i32 : i32, i32
  }
  func.func @transform_2(%arg0: i32) -> (i32, i32) {
    %c0_i32 = arith.constant 0 : i32
    %c0_i32_0 = arith.constant 0 : i32
    return %arg0, %c0_i32 : i32, i32
  }
  func.func @transform_3(%arg0: i32) -> (i32, i32) {
    %c0_i32 = arith.constant 0 : i32
    %c0_i32_0 = arith.constant 0 : i32
    %c0_i32_1 = arith.constant 0 : i32
    return %c0_i32, %c0_i32_0 : i32, i32
  }
  func.func @transform_4(%arg0: i32) -> (i32, i32) {
    %c0_i32 = arith.constant 0 : i32
    %c0_i32_0 = arith.constant 0 : i32
    %c0_i32_1 = arith.constant 0 : i32
    return %c0_i32, %c0_i32_0 : i32, i32
  }
  func.func @transform_5(%arg0: i32) -> (i32, i32) {
    %c0_i32 = arith.constant 0 : i32
    %c0_i32_0 = arith.constant 0 : i32
    %c0_i32_1 = arith.constant 0 : i32
    return %c0_i32, %c0_i32_0 : i32, i32
  }
  func.func @transform_6(%arg0: i32) -> (i32, i32) {
    %c0_i32 = arith.constant 0 : i32
    %c0_i32_0 = arith.constant 0 : i32
    %c0_i32_1 = arith.constant 0 : i32
    return %c0_i32, %c0_i32_0 : i32, i32
  }
  func.func @transform_7(%arg0: i32) -> (i32, i32) {
    %c0_i32 = arith.constant 0 : i32
    %c0_i32_0 = arith.constant 0 : i32
    %c0_i32_1 = arith.constant 0 : i32
    return %c0_i32, %c0_i32_0 : i32, i32
  }
  func.func @transform_8(%arg0: i32) -> (i32, i32) {
    %c0_i32 = arith.constant 0 : i32
    %c0_i32_0 = arith.constant 0 : i32
    %c0_i32_1 = arith.constant 0 : i32
    return %c0_i32, %c0_i32_0 : i32, i32
  }
  func.func @transform_9(%arg0: i32) -> (i32, i32) {
    %c0_i32 = arith.constant 0 : i32
    %c0_i32_0 = arith.constant 0 : i32
    %c0_i32_1 = arith.constant 0 : i32
    return %c0_i32, %c0_i32_0 : i32, i32
  }
  func.func @transform_10(%arg0: i32) -> (i32, i32) {
    %c0_i32 = arith.constant 0 : i32
    %c0_i32_0 = arith.constant 0 : i32
    %c0_i32_1 = arith.constant 0 : i32
    return %c0_i32, %c0_i32_0 : i32, i32
  }
  func.func @transform_11(%arg0: i32) -> (i32, i32) {
    %c0_i32 = arith.constant 0 : i32
    %c0_i32_0 = arith.constant 0 : i32
    %c0_i32_1 = arith.constant 0 : i32
    return %c0_i32, %c0_i32_0 : i32, i32
  }
  func.func @transform_12(%arg0: i32) -> (i32, i32) {
    %c0_i32 = arith.constant 0 : i32
    %c0_i32_0 = arith.constant 0 : i32
    return %arg0, %c0_i32 : i32, i32
  }
  func.func @transform_13(%arg0: i32) -> (i32, i32) {
    %c0_i32 = arith.constant 0 : i32
    %c0_i32_0 = arith.constant 0 : i32
    return %arg0, %c0_i32 : i32, i32
  }
}

module attributes {stable_mosaic.version = 14 : i64} {
  func.func @_e_body(%arg0: i32, %arg1: memref<1000x128xf32, #tpu.memory_space<vmem>>, %arg2: memref<1000x32xf32, #tpu.memory_space<vmem>>, %arg3: memref<1000x32xf32, #tpu.memory_space<vmem>>, %arg4: memref<128x32xf32, #tpu.memory_space<vmem>>, %arg5: memref<32x128xf32, #tpu.memory_space<vmem>>, %arg6: memref<1x128xf32, #tpu.memory_space<vmem>>, %arg7: memref<3x128x32xf32, #tpu.memory_space<vmem>>, %arg8: memref<3x32x128xf32, #tpu.memory_space<vmem>>, %arg9: memref<3x1x128xf32, #tpu.memory_space<vmem>>, %arg10: memref<3x128x32xf32, #tpu.memory_space<vmem>>, %arg11: memref<3x32x128xf32, #tpu.memory_space<vmem>>, %arg12: memref<3x1x128xf32, #tpu.memory_space<vmem>>, %arg13: memref<1x128xf32, #tpu.memory_space<vmem>>, %arg14: memref<1x128xf32, #tpu.memory_space<vmem>>, %arg15: memref<1000x128xf32, #tpu.memory_space<vmem>>) attributes {dimension_semantics = [#tpu.dimension_semantics<arbitrary>], iteration_bounds = array<i64: 10>, scalar_prefetch = 0 : i64, scratch_operands = 0 : i64, tpu.core_type = #tpu.core_type<tc>, window_params = [{transform_indices = @transform_0, window_bounds = array<i64: 1000, 128>}, {transform_indices = @transform_1, window_bounds = array<i64: 1000, 32>}, {transform_indices = @transform_2, window_bounds = array<i64: 1000, 32>}, {pipeline_mode = #tpu.pipeline_mode<synchronous>, transform_indices = @transform_3, window_bounds = array<i64: 128, 32>}, {pipeline_mode = #tpu.pipeline_mode<synchronous>, transform_indices = @transform_4, window_bounds = array<i64: 32, 128>}, {pipeline_mode = #tpu.pipeline_mode<synchronous>, transform_indices = @transform_5, window_bounds = array<i64: 1, 128>}, {pipeline_mode = #tpu.pipeline_mode<synchronous>, transform_indices = @transform_6, window_bounds = array<i64: 3, 128, 32>}, {pipeline_mode = #tpu.pipeline_mode<synchronous>, transform_indices = @transform_7, window_bounds = array<i64: 3, 32, 128>}, {pipeline_mode = #tpu.pipeline_mode<synchronous>, transform_indices = @transform_8, window_bounds = array<i64: 3, 1, 128>}, {pipeline_mode = #tpu.pipeline_mode<synchronous>, transform_indices = @transform_9, window_bounds = array<i64: 3, 128, 32>}, {pipeline_mode = #tpu.pipeline_mode<synchronous>, transform_indices = @transform_10, window_bounds = array<i64: 3, 32, 128>}, {pipeline_mode = #tpu.pipeline_mode<synchronous>, transform_indices = @transform_11, window_bounds = array<i64: 3, 1, 128>}, {pipeline_mode = #tpu.pipeline_mode<synchronous>, transform_indices = @transform_12, window_bounds = array<i64: 1, 128>}, {pipeline_mode = #tpu.pipeline_mode<synchronous>, transform_indices = @transform_13, window_bounds = array<i64: 1, 128>}, {transform_indices = @transform_14, window_bounds = array<i64: 1000, 128>}]} {
    %get3A = arith.constant 0 : index
    %get3A_0 = arith.constant 0 : index
    %get3A_1 = vector.load %arg1[%get3A, %get3A_0] : memref<1000x128xf32, #tpu.memory_space<vmem>>, vector<1000x128xf32>
    %get3A_2 = arith.constant 0 : index
    %get3A_3 = arith.constant 0 : index
    %get3A_4 = vector.load %arg4[%get3A_2, %get3A_3] : memref<128x32xf32, #tpu.memory_space<vmem>>, vector<128x32xf32>
    %dot_general3A = arith.constant dense<0.000000e+00> : vector<1000x32xf32>
    %dot_general3A_5 = tpu.matmul %get3A_1, %get3A_4, %dot_general3A {dimension_numbers = #tpu.dot_dimension_numbers<[1], [0], [0], [1], [0, 0, 1, 1], [], []>, transpose_lhs_hint = false} : vector<1000x128xf32>, vector<128x32xf32>, vector<1000x32xf32> -> vector<1000x32xf32>
    %get3A_6 = arith.constant 0 : index
    %get3A_7 = arith.constant 0 : index
    %get3A_8 = vector.load %arg2[%get3A_6, %get3A_7] : memref<1000x32xf32, #tpu.memory_space<vmem>>, vector<1000x32xf32>
    %add3A = arith.addf %dot_general3A_5, %get3A_8 : vector<1000x32xf32>
    %get3A_9 = arith.constant 0 : index
    %get3A_10 = arith.constant 0 : index
    %get3A_11 = vector.load %arg3[%get3A_9, %get3A_10] : memref<1000x32xf32, #tpu.memory_space<vmem>>, vector<1000x32xf32>
    %add3A_12 = arith.addf %add3A, %get3A_11 : vector<1000x32xf32>
    %get3A_13 = arith.constant 0 : index
    %get3A_14 = arith.constant 0 : index
    %get3A_15 = vector.load %arg5[%get3A_13, %get3A_14] : memref<32x128xf32, #tpu.memory_space<vmem>>, vector<32x128xf32>
    %dot_general3A_16 = arith.constant dense<0.000000e+00> : vector<1000x128xf32>
    %dot_general3A_17 = tpu.matmul %add3A_12, %get3A_15, %dot_general3A_16 {dimension_numbers = #tpu.dot_dimension_numbers<[1], [0], [0], [1], [0, 0, 1, 1], [], []>, transpose_lhs_hint = false} : vector<1000x32xf32>, vector<32x128xf32>, vector<1000x128xf32> -> vector<1000x128xf32>
    %get3A_18 = arith.constant 0 : index
    %get3A_19 = arith.constant 0 : index
    %get3A_20 = vector.load %arg6[%get3A_18, %get3A_19] : memref<1x128xf32, #tpu.memory_space<vmem>>, vector<1x128xf32>
    %add3A_21 = vector.broadcast %get3A_20 : vector<1x128xf32> to vector<1000x128xf32>
    %add3A_22 = arith.addf %dot_general3A_17, %add3A_21 : vector<1000x128xf32>
    %logistic3A = arith.negf %add3A_22 : vector<1000x128xf32>
    %logistic3A_23 = math.exp %logistic3A : vector<1000x128xf32>
    %logistic3A_24 = arith.constant 1.000000e+00 : f32
    %logistic3A_25 = vector.broadcast %logistic3A_24 : f32 to vector<1000x128xf32>
    %logistic3A_26 = arith.addf %logistic3A_25, %logistic3A_23 : vector<1000x128xf32>
    %logistic3A_27 = arith.divf %logistic3A_25, %logistic3A_26 : vector<1000x128xf32>
    %mul3A = arith.mulf %add3A_22, %logistic3A_27 : vector<1000x128xf32>
    %get3A_28 = arith.constant 0 : index
    %get3A_29 = arith.constant 0 : index
    %get3A_30 = arith.constant 0 : index
    %get3A_31 = vector.load %arg7[%get3A_28, %get3A_29, %get3A_30] : memref<3x128x32xf32, #tpu.memory_space<vmem>>, vector<1x128x32xf32>
    %get3A_32 = vector.shape_cast %get3A_31 : vector<1x128x32xf32> to vector<128x32xf32>
    %dot_general3A_33 = arith.constant dense<0.000000e+00> : vector<1000x32xf32>
    %dot_general3A_34 = tpu.matmul %mul3A, %get3A_32, %dot_general3A_33 {dimension_numbers = #tpu.dot_dimension_numbers<[1], [0], [0], [1], [0, 0, 1, 1], [], []>, transpose_lhs_hint = false} : vector<1000x128xf32>, vector<128x32xf32>, vector<1000x32xf32> -> vector<1000x32xf32>
    %get3A_35 = arith.constant 0 : index
    %get3A_36 = arith.constant 0 : index
    %get3A_37 = arith.constant 0 : index
    %get3A_38 = vector.load %arg8[%get3A_35, %get3A_36, %get3A_37] : memref<3x32x128xf32, #tpu.memory_space<vmem>>, vector<1x32x128xf32>
    %get3A_39 = vector.shape_cast %get3A_38 : vector<1x32x128xf32> to vector<32x128xf32>
    %dot_general3A_40 = arith.constant dense<0.000000e+00> : vector<1000x128xf32>
    %dot_general3A_41 = tpu.matmul %dot_general3A_34, %get3A_39, %dot_general3A_40 {dimension_numbers = #tpu.dot_dimension_numbers<[1], [0], [0], [1], [0, 0, 1, 1], [], []>, transpose_lhs_hint = false} : vector<1000x32xf32>, vector<32x128xf32>, vector<1000x128xf32> -> vector<1000x128xf32>
    %get3A_42 = arith.constant 0 : index
    %get3A_43 = arith.constant 0 : index
    %get3A_44 = arith.constant 0 : index
    %get3A_45 = vector.load %arg9[%get3A_42, %get3A_43, %get3A_44] : memref<3x1x128xf32, #tpu.memory_space<vmem>>, vector<1x1x128xf32>
    %get3A_46 = vector.shape_cast %get3A_45 : vector<1x1x128xf32> to vector<1x128xf32>
    %add3A_47 = vector.broadcast %get3A_46 : vector<1x128xf32> to vector<1000x128xf32>
    %add3A_48 = arith.addf %dot_general3A_41, %add3A_47 : vector<1000x128xf32>
    %logistic3A_49 = arith.negf %add3A_48 : vector<1000x128xf32>
    %logistic3A_50 = math.exp %logistic3A_49 : vector<1000x128xf32>
    %logistic3A_51 = arith.constant 1.000000e+00 : f32
    %logistic3A_52 = vector.broadcast %logistic3A_51 : f32 to vector<1000x128xf32>
    %logistic3A_53 = arith.addf %logistic3A_52, %logistic3A_50 : vector<1000x128xf32>
    %logistic3A_54 = arith.divf %logistic3A_52, %logistic3A_53 : vector<1000x128xf32>
    %mul3A_55 = arith.mulf %add3A_48, %logistic3A_54 : vector<1000x128xf32>
    %get3A_56 = arith.constant 0 : index
    %get3A_57 = arith.constant 0 : index
    %get3A_58 = arith.constant 0 : index
    %get3A_59 = vector.load %arg10[%get3A_56, %get3A_57, %get3A_58] : memref<3x128x32xf32, #tpu.memory_space<vmem>>, vector<1x128x32xf32>
    %get3A_60 = vector.shape_cast %get3A_59 : vector<1x128x32xf32> to vector<128x32xf32>
    %dot_general3A_61 = arith.constant dense<0.000000e+00> : vector<1000x32xf32>
    %dot_general3A_62 = tpu.matmul %mul3A_55, %get3A_60, %dot_general3A_61 {dimension_numbers = #tpu.dot_dimension_numbers<[1], [0], [0], [1], [0, 0, 1, 1], [], []>, transpose_lhs_hint = false} : vector<1000x128xf32>, vector<128x32xf32>, vector<1000x32xf32> -> vector<1000x32xf32>
    %get3A_63 = arith.constant 0 : index
    %get3A_64 = arith.constant 0 : index
    %get3A_65 = arith.constant 0 : index
    %get3A_66 = vector.load %arg11[%get3A_63, %get3A_64, %get3A_65] : memref<3x32x128xf32, #tpu.memory_space<vmem>>, vector<1x32x128xf32>
    %get3A_67 = vector.shape_cast %get3A_66 : vector<1x32x128xf32> to vector<32x128xf32>
    %dot_general3A_68 = arith.constant dense<0.000000e+00> : vector<1000x128xf32>
    %dot_general3A_69 = tpu.matmul %dot_general3A_62, %get3A_67, %dot_general3A_68 {dimension_numbers = #tpu.dot_dimension_numbers<[1], [0], [0], [1], [0, 0, 1, 1], [], []>, transpose_lhs_hint = false} : vector<1000x32xf32>, vector<32x128xf32>, vector<1000x128xf32> -> vector<1000x128xf32>
    %get3A_70 = arith.constant 0 : index
    %get3A_71 = arith.constant 0 : index
    %get3A_72 = arith.constant 0 : index
    %get3A_73 = vector.load %arg12[%get3A_70, %get3A_71, %get3A_72] : memref<3x1x128xf32, #tpu.memory_space<vmem>>, vector<1x1x128xf32>
    %get3A_74 = vector.shape_cast %get3A_73 : vector<1x1x128xf32> to vector<1x128xf32>
    %add3A_75 = vector.broadcast %get3A_74 : vector<1x128xf32> to vector<1000x128xf32>
    %add3A_76 = arith.addf %dot_general3A_69, %add3A_75 : vector<1000x128xf32>
    %logistic3A_77 = arith.negf %add3A_76 : vector<1000x128xf32>
    %logistic3A_78 = math.exp %logistic3A_77 : vector<1000x128xf32>
    %logistic3A_79 = arith.constant 1.000000e+00 : f32
    %logistic3A_80 = vector.broadcast %logistic3A_79 : f32 to vector<1000x128xf32>
    %logistic3A_81 = arith.addf %logistic3A_80, %logistic3A_78 : vector<1000x128xf32>
    %logistic3A_82 = arith.divf %logistic3A_80, %logistic3A_81 : vector<1000x128xf32>
    %mul3A_83 = arith.mulf %add3A_76, %logistic3A_82 : vector<1000x128xf32>
    %add3A_84 = arith.addf %mul3A, %mul3A_83 : vector<1000x128xf32>
    %get3A_85 = arith.constant 1 : index
    %get3A_86 = arith.constant 0 : index
    %get3A_87 = arith.constant 0 : index
    %get3A_88 = vector.load %arg7[%get3A_85, %get3A_86, %get3A_87] : memref<3x128x32xf32, #tpu.memory_space<vmem>>, vector<1x128x32xf32>
    %get3A_89 = vector.shape_cast %get3A_88 : vector<1x128x32xf32> to vector<128x32xf32>
    %dot_general3A_90 = arith.constant dense<0.000000e+00> : vector<1000x32xf32>
    %dot_general3A_91 = tpu.matmul %add3A_84, %get3A_89, %dot_general3A_90 {dimension_numbers = #tpu.dot_dimension_numbers<[1], [0], [0], [1], [0, 0, 1, 1], [], []>, transpose_lhs_hint = false} : vector<1000x128xf32>, vector<128x32xf32>, vector<1000x32xf32> -> vector<1000x32xf32>
    %get3A_92 = arith.constant 1 : index
    %get3A_93 = arith.constant 0 : index
    %get3A_94 = arith.constant 0 : index
    %get3A_95 = vector.load %arg8[%get3A_92, %get3A_93, %get3A_94] : memref<3x32x128xf32, #tpu.memory_space<vmem>>, vector<1x32x128xf32>
    %get3A_96 = vector.shape_cast %get3A_95 : vector<1x32x128xf32> to vector<32x128xf32>
    %dot_general3A_97 = arith.constant dense<0.000000e+00> : vector<1000x128xf32>
    %dot_general3A_98 = tpu.matmul %dot_general3A_91, %get3A_96, %dot_general3A_97 {dimension_numbers = #tpu.dot_dimension_numbers<[1], [0], [0], [1], [0, 0, 1, 1], [], []>, transpose_lhs_hint = false} : vector<1000x32xf32>, vector<32x128xf32>, vector<1000x128xf32> -> vector<1000x128xf32>
    %get3A_99 = arith.constant 1 : index
    %get3A_100 = arith.constant 0 : index
    %get3A_101 = arith.constant 0 : index
    %get3A_102 = vector.load %arg9[%get3A_99, %get3A_100, %get3A_101] : memref<3x1x128xf32, #tpu.memory_space<vmem>>, vector<1x1x128xf32>
    %get3A_103 = vector.shape_cast %get3A_102 : vector<1x1x128xf32> to vector<1x128xf32>
    %add3A_104 = vector.broadcast %get3A_103 : vector<1x128xf32> to vector<1000x128xf32>
    %add3A_105 = arith.addf %dot_general3A_98, %add3A_104 : vector<1000x128xf32>
    %logistic3A_106 = arith.negf %add3A_105 : vector<1000x128xf32>
    %logistic3A_107 = math.exp %logistic3A_106 : vector<1000x128xf32>
    %logistic3A_108 = arith.constant 1.000000e+00 : f32
    %logistic3A_109 = vector.broadcast %logistic3A_108 : f32 to vector<1000x128xf32>
    %logistic3A_110 = arith.addf %logistic3A_109, %logistic3A_107 : vector<1000x128xf32>
    %logistic3A_111 = arith.divf %logistic3A_109, %logistic3A_110 : vector<1000x128xf32>
    %mul3A_112 = arith.mulf %add3A_105, %logistic3A_111 : vector<1000x128xf32>
    %get3A_113 = arith.constant 1 : index
    %get3A_114 = arith.constant 0 : index
    %get3A_115 = arith.constant 0 : index
    %get3A_116 = vector.load %arg10[%get3A_113, %get3A_114, %get3A_115] : memref<3x128x32xf32, #tpu.memory_space<vmem>>, vector<1x128x32xf32>
    %get3A_117 = vector.shape_cast %get3A_116 : vector<1x128x32xf32> to vector<128x32xf32>
    %dot_general3A_118 = arith.constant dense<0.000000e+00> : vector<1000x32xf32>
    %dot_general3A_119 = tpu.matmul %mul3A_112, %get3A_117, %dot_general3A_118 {dimension_numbers = #tpu.dot_dimension_numbers<[1], [0], [0], [1], [0, 0, 1, 1], [], []>, transpose_lhs_hint = false} : vector<1000x128xf32>, vector<128x32xf32>, vector<1000x32xf32> -> vector<1000x32xf32>
    %get3A_120 = arith.constant 1 : index
    %get3A_121 = arith.constant 0 : index
    %get3A_122 = arith.constant 0 : index
    %get3A_123 = vector.load %arg11[%get3A_120, %get3A_121, %get3A_122] : memref<3x32x128xf32, #tpu.memory_space<vmem>>, vector<1x32x128xf32>
    %get3A_124 = vector.shape_cast %get3A_123 : vector<1x32x128xf32> to vector<32x128xf32>
    %dot_general3A_125 = arith.constant dense<0.000000e+00> : vector<1000x128xf32>
    %dot_general3A_126 = tpu.matmul %dot_general3A_119, %get3A_124, %dot_general3A_125 {dimension_numbers = #tpu.dot_dimension_numbers<[1], [0], [0], [1], [0, 0, 1, 1], [], []>, transpose_lhs_hint = false} : vector<1000x32xf32>, vector<32x128xf32>, vector<1000x128xf32> -> vector<1000x128xf32>
    %get3A_127 = arith.constant 1 : index
    %get3A_128 = arith.constant 0 : index
    %get3A_129 = arith.constant 0 : index
    %get3A_130 = vector.load %arg12[%get3A_127, %get3A_128, %get3A_129] : memref<3x1x128xf32, #tpu.memory_space<vmem>>, vector<1x1x128xf32>
    %get3A_131 = vector.shape_cast %get3A_130 : vector<1x1x128xf32> to vector<1x128xf32>
    %add3A_132 = vector.broadcast %get3A_131 : vector<1x128xf32> to vector<1000x128xf32>
    %add3A_133 = arith.addf %dot_general3A_126, %add3A_132 : vector<1000x128xf32>
    %logistic3A_134 = arith.negf %add3A_133 : vector<1000x128xf32>
    %logistic3A_135 = math.exp %logistic3A_134 : vector<1000x128xf32>
    %logistic3A_136 = arith.constant 1.000000e+00 : f32
    %logistic3A_137 = vector.broadcast %logistic3A_136 : f32 to vector<1000x128xf32>
    %logistic3A_138 = arith.addf %logistic3A_137, %logistic3A_135 : vector<1000x128xf32>
    %logistic3A_139 = arith.divf %logistic3A_137, %logistic3A_138 : vector<1000x128xf32>
    %mul3A_140 = arith.mulf %add3A_133, %logistic3A_139 : vector<1000x128xf32>
    %add3A_141 = arith.addf %add3A_84, %mul3A_140 : vector<1000x128xf32>
    %get3A_142 = arith.constant 2 : index
    %get3A_143 = arith.constant 0 : index
    %get3A_144 = arith.constant 0 : index
    %get3A_145 = vector.load %arg7[%get3A_142, %get3A_143, %get3A_144] : memref<3x128x32xf32, #tpu.memory_space<vmem>>, vector<1x128x32xf32>
    %get3A_146 = vector.shape_cast %get3A_145 : vector<1x128x32xf32> to vector<128x32xf32>
    %dot_general3A_147 = arith.constant dense<0.000000e+00> : vector<1000x32xf32>
    %dot_general3A_148 = tpu.matmul %add3A_141, %get3A_146, %dot_general3A_147 {dimension_numbers = #tpu.dot_dimension_numbers<[1], [0], [0], [1], [0, 0, 1, 1], [], []>, transpose_lhs_hint = false} : vector<1000x128xf32>, vector<128x32xf32>, vector<1000x32xf32> -> vector<1000x32xf32>
    %get3A_149 = arith.constant 2 : index
    %get3A_150 = arith.constant 0 : index
    %get3A_151 = arith.constant 0 : index
    %get3A_152 = vector.load %arg8[%get3A_149, %get3A_150, %get3A_151] : memref<3x32x128xf32, #tpu.memory_space<vmem>>, vector<1x32x128xf32>
    %get3A_153 = vector.shape_cast %get3A_152 : vector<1x32x128xf32> to vector<32x128xf32>
    %dot_general3A_154 = arith.constant dense<0.000000e+00> : vector<1000x128xf32>
    %dot_general3A_155 = tpu.matmul %dot_general3A_148, %get3A_153, %dot_general3A_154 {dimension_numbers = #tpu.dot_dimension_numbers<[1], [0], [0], [1], [0, 0, 1, 1], [], []>, transpose_lhs_hint = false} : vector<1000x32xf32>, vector<32x128xf32>, vector<1000x128xf32> -> vector<1000x128xf32>
    %get3A_156 = arith.constant 2 : index
    %get3A_157 = arith.constant 0 : index
    %get3A_158 = arith.constant 0 : index
    %get3A_159 = vector.load %arg9[%get3A_156, %get3A_157, %get3A_158] : memref<3x1x128xf32, #tpu.memory_space<vmem>>, vector<1x1x128xf32>
    %get3A_160 = vector.shape_cast %get3A_159 : vector<1x1x128xf32> to vector<1x128xf32>
    %add3A_161 = vector.broadcast %get3A_160 : vector<1x128xf32> to vector<1000x128xf32>
    %add3A_162 = arith.addf %dot_general3A_155, %add3A_161 : vector<1000x128xf32>
    %logistic3A_163 = arith.negf %add3A_162 : vector<1000x128xf32>
    %logistic3A_164 = math.exp %logistic3A_163 : vector<1000x128xf32>
    %logistic3A_165 = arith.constant 1.000000e+00 : f32
    %logistic3A_166 = vector.broadcast %logistic3A_165 : f32 to vector<1000x128xf32>
    %logistic3A_167 = arith.addf %logistic3A_166, %logistic3A_164 : vector<1000x128xf32>
    %logistic3A_168 = arith.divf %logistic3A_166, %logistic3A_167 : vector<1000x128xf32>
    %mul3A_169 = arith.mulf %add3A_162, %logistic3A_168 : vector<1000x128xf32>
    %get3A_170 = arith.constant 2 : index
    %get3A_171 = arith.constant 0 : index
    %get3A_172 = arith.constant 0 : index
    %get3A_173 = vector.load %arg10[%get3A_170, %get3A_171, %get3A_172] : memref<3x128x32xf32, #tpu.memory_space<vmem>>, vector<1x128x32xf32>
    %get3A_174 = vector.shape_cast %get3A_173 : vector<1x128x32xf32> to vector<128x32xf32>
    %dot_general3A_175 = arith.constant dense<0.000000e+00> : vector<1000x32xf32>
    %dot_general3A_176 = tpu.matmul %mul3A_169, %get3A_174, %dot_general3A_175 {dimension_numbers = #tpu.dot_dimension_numbers<[1], [0], [0], [1], [0, 0, 1, 1], [], []>, transpose_lhs_hint = false} : vector<1000x128xf32>, vector<128x32xf32>, vector<1000x32xf32> -> vector<1000x32xf32>
    %get3A_177 = arith.constant 2 : index
    %get3A_178 = arith.constant 0 : index
    %get3A_179 = arith.constant 0 : index
    %get3A_180 = vector.load %arg11[%get3A_177, %get3A_178, %get3A_179] : memref<3x32x128xf32, #tpu.memory_space<vmem>>, vector<1x32x128xf32>
    %get3A_181 = vector.shape_cast %get3A_180 : vector<1x32x128xf32> to vector<32x128xf32>
    %dot_general3A_182 = arith.constant dense<0.000000e+00> : vector<1000x128xf32>
    %dot_general3A_183 = tpu.matmul %dot_general3A_176, %get3A_181, %dot_general3A_182 {dimension_numbers = #tpu.dot_dimension_numbers<[1], [0], [0], [1], [0, 0, 1, 1], [], []>, transpose_lhs_hint = false} : vector<1000x32xf32>, vector<32x128xf32>, vector<1000x128xf32> -> vector<1000x128xf32>
    %get3A_184 = arith.constant 2 : index
    %get3A_185 = arith.constant 0 : index
    %get3A_186 = arith.constant 0 : index
    %get3A_187 = vector.load %arg12[%get3A_184, %get3A_185, %get3A_186] : memref<3x1x128xf32, #tpu.memory_space<vmem>>, vector<1x1x128xf32>
    %get3A_188 = vector.shape_cast %get3A_187 : vector<1x1x128xf32> to vector<1x128xf32>
    %add3A_189 = vector.broadcast %get3A_188 : vector<1x128xf32> to vector<1000x128xf32>
    %add3A_190 = arith.addf %dot_general3A_183, %add3A_189 : vector<1000x128xf32>
    %logistic3A_191 = arith.negf %add3A_190 : vector<1000x128xf32>
    %logistic3A_192 = math.exp %logistic3A_191 : vector<1000x128xf32>
    %logistic3A_193 = arith.constant 1.000000e+00 : f32
    %logistic3A_194 = vector.broadcast %logistic3A_193 : f32 to vector<1000x128xf32>
    %logistic3A_195 = arith.addf %logistic3A_194, %logistic3A_192 : vector<1000x128xf32>
    %logistic3A_196 = arith.divf %logistic3A_194, %logistic3A_195 : vector<1000x128xf32>
    %mul3A_197 = arith.mulf %add3A_190, %logistic3A_196 : vector<1000x128xf32>
    %add3A_198 = arith.addf %add3A_141, %mul3A_197 : vector<1000x128xf32>
    %reduce_sum3A = arith.constant dense<0.000000e+00> : vector<1000xf32>
    %reduce_sum3A_199 = vector.multi_reduction <add>, %add3A_198, %reduce_sum3A [1] : vector<1000x128xf32> to vector<1000xf32>
    %broadcast_in_dim3A = vector.shape_cast %reduce_sum3A_199 : vector<1000xf32> to vector<1000x1xf32>
    %div3A = arith.constant 1.280000e+02 : f32
    %div3A_200 = vector.broadcast %div3A : f32 to vector<1000x1xf32>
    %div3A_201 = arith.divf %broadcast_in_dim3A, %div3A_200 : vector<1000x1xf32>
    %sub3A = vector.broadcast %div3A_201 : vector<1000x1xf32> to vector<1000x128xf32>
    %sub3A_202 = arith.subf %add3A_198, %sub3A : vector<1000x128xf32>
    %integer_pow3A = arith.mulf %sub3A_202, %sub3A_202 : vector<1000x128xf32>
    %reduce_sum3A_203 = arith.constant dense<0.000000e+00> : vector<1000xf32>
    %reduce_sum3A_204 = vector.multi_reduction <add>, %integer_pow3A, %reduce_sum3A_203 [1] : vector<1000x128xf32> to vector<1000xf32>
    %broadcast_in_dim3A_205 = vector.shape_cast %reduce_sum3A_204 : vector<1000xf32> to vector<1000x1xf32>
    %div3A_206 = arith.constant 1.280000e+02 : f32
    %div3A_207 = vector.broadcast %div3A_206 : f32 to vector<1000x1xf32>
    %div3A_208 = arith.divf %broadcast_in_dim3A_205, %div3A_207 : vector<1000x1xf32>
    %sub3A_209 = vector.broadcast %div3A_201 : vector<1000x1xf32> to vector<1000x128xf32>
    %sub3A_210 = arith.subf %add3A_198, %sub3A_209 : vector<1000x128xf32>
    %add3A_211 = arith.constant 9.99999974E-6 : f32
    %add3A_212 = vector.broadcast %add3A_211 : f32 to vector<1000x1xf32>
    %add3A_213 = arith.addf %div3A_208, %add3A_212 : vector<1000x1xf32>
    %sqrt3A = math.sqrt %add3A_213 : vector<1000x1xf32>
    %div3A_214 = vector.broadcast %sqrt3A : vector<1000x1xf32> to vector<1000x128xf32>
    %div3A_215 = arith.divf %sub3A_210, %div3A_214 : vector<1000x128xf32>
    %get3A_216 = arith.constant 0 : index
    %get3A_217 = arith.constant 0 : index
    %get3A_218 = vector.load %arg13[%get3A_216, %get3A_217] : memref<1x128xf32, #tpu.memory_space<vmem>>, vector<1x128xf32>
    %mul3A_219 = vector.broadcast %get3A_218 : vector<1x128xf32> to vector<1000x128xf32>
    %mul3A_220 = arith.mulf %div3A_215, %mul3A_219 : vector<1000x128xf32>
    %get3A_221 = arith.constant 0 : index
    %get3A_222 = arith.constant 0 : index
    %get3A_223 = vector.load %arg14[%get3A_221, %get3A_222] : memref<1x128xf32, #tpu.memory_space<vmem>>, vector<1x128xf32>
    %add3A_224 = vector.broadcast %get3A_223 : vector<1x128xf32> to vector<1000x128xf32>
    %add3A_225 = arith.addf %mul3A_220, %add3A_224 : vector<1000x128xf32>
    %logistic3A_226 = arith.negf %add3A_225 : vector<1000x128xf32>
    %logistic3A_227 = math.exp %logistic3A_226 : vector<1000x128xf32>
    %logistic3A_228 = arith.constant 1.000000e+00 : f32
    %logistic3A_229 = vector.broadcast %logistic3A_228 : f32 to vector<1000x128xf32>
    %logistic3A_230 = arith.addf %logistic3A_229, %logistic3A_227 : vector<1000x128xf32>
    %logistic3A_231 = arith.divf %logistic3A_229, %logistic3A_230 : vector<1000x128xf32>
    %mul3A_232 = arith.mulf %add3A_225, %logistic3A_231 : vector<1000x128xf32>
    %add3A_233 = arith.addf %get3A_1, %mul3A_232 : vector<1000x128xf32>
    %swap3A = arith.constant 0 : index
    %swap3A_234 = arith.constant 0 : index
    %swap3A_235 = vector.load %arg15[%swap3A, %swap3A_234] : memref<1000x128xf32, #tpu.memory_space<vmem>>, vector<1000x128xf32>
    tpu.vector_store %arg15[%swap3A, %swap3A_234], %add3A_233 {strides = array<i32>} : memref<1000x128xf32, #tpu.memory_space<vmem>>, vector<1000x128xf32>,
    return
  }
  func.func @transform_0(%arg0: i32) -> (i32, i32) {
    %c0_i32 = arith.constant 0 : i32
    %c0_i32_0 = arith.constant 0 : i32
    return %arg0, %c0_i32 : i32, i32
  }
  func.func @transform_1(%arg0: i32) -> (i32, i32) {
    %c0_i32 = arith.constant 0 : i32
    %c0_i32_0 = arith.constant 0 : i32
    return %arg0, %c0_i32 : i32, i32
  }
  func.func @transform_2(%arg0: i32) -> (i32, i32) {
    %c0_i32 = arith.constant 0 : i32
    %c0_i32_0 = arith.constant 0 : i32
    return %arg0, %c0_i32 : i32, i32
  }
  func.func @transform_3(%arg0: i32) -> (i32, i32) {
    %c0_i32 = arith.constant 0 : i32
    %c0_i32_0 = arith.constant 0 : i32
    %c0_i32_1 = arith.constant 0 : i32
    return %c0_i32, %c0_i32_0 : i32, i32
  }
  func.func @transform_4(%arg0: i32) -> (i32, i32) {
    %c0_i32 = arith.constant 0 : i32
    %c0_i32_0 = arith.constant 0 : i32
    %c0_i32_1 = arith.constant 0 : i32
    return %c0_i32, %c0_i32_0 : i32, i32
  }
  func.func @transform_5(%arg0: i32) -> (i32, i32) {
    %c0_i32 = arith.constant 0 : i32
    %c0_i32_0 = arith.constant 0 : i32
    %c0_i32_1 = arith.constant 0 : i32
    return %c0_i32, %c0_i32_0 : i32, i32
  }
  func.func @transform_6(%arg0: i32) -> (i32, i32, i32) {
    %c0_i32 = arith.constant 0 : i32
    %c0_i32_0 = arith.constant 0 : i32
    %c0_i32_1 = arith.constant 0 : i32
    %c0_i32_2 = arith.constant 0 : i32
    return %c0_i32, %c0_i32_0, %c0_i32_1 : i32, i32, i32
  }
  func.func @transform_7(%arg0: i32) -> (i32, i32, i32) {
    %c0_i32 = arith.constant 0 : i32
    %c0_i32_0 = arith.constant 0 : i32
    %c0_i32_1 = arith.constant 0 : i32
    %c0_i32_2 = arith.constant 0 : i32
    return %c0_i32, %c0_i32_0, %c0_i32_1 : i32, i32, i32
  }
  func.func @transform_8(%arg0: i32) -> (i32, i32, i32) {
    %c0_i32 = arith.constant 0 : i32
    %c0_i32_0 = arith.constant 0 : i32
    %c0_i32_1 = arith.constant 0 : i32
    %c0_i32_2 = arith.constant 0 : i32
    return %c0_i32, %c0_i32_0, %c0_i32_1 : i32, i32, i32
  }
  func.func @transform_9(%arg0: i32) -> (i32, i32, i32) {
    %c0_i32 = arith.constant 0 : i32
    %c0_i32_0 = arith.constant 0 : i32
    %c0_i32_1 = arith.constant 0 : i32
    %c0_i32_2 = arith.constant 0 : i32
    return %c0_i32, %c0_i32_0, %c0_i32_1 : i32, i32, i32
  }
  func.func @transform_10(%arg0: i32) -> (i32, i32, i32) {
    %c0_i32 = arith.constant 0 : i32
    %c0_i32_0 = arith.constant 0 : i32
    %c0_i32_1 = arith.constant 0 : i32
    %c0_i32_2 = arith.constant 0 : i32
    return %c0_i32, %c0_i32_0, %c0_i32_1 : i32, i32, i32
  }
  func.func @transform_11(%arg0: i32) -> (i32, i32, i32) {
    %c0_i32 = arith.constant 0 : i32
    %c0_i32_0 = arith.constant 0 : i32
    %c0_i32_1 = arith.constant 0 : i32
    %c0_i32_2 = arith.constant 0 : i32
    return %c0_i32, %c0_i32_0, %c0_i32_1 : i32, i32, i32
  }
  func.func @transform_12(%arg0: i32) -> (i32, i32) {
    %c0_i32 = arith.constant 0 : i32
    %c0_i32_0 = arith.constant 0 : i32
    %c0_i32_1 = arith.constant 0 : i32
    return %c0_i32, %c0_i32_0 : i32, i32
  }
  func.func @transform_13(%arg0: i32) -> (i32, i32) {
    %c0_i32 = arith.constant 0 : i32
    %c0_i32_0 = arith.constant 0 : i32
    %c0_i32_1 = arith.constant 0 : i32
    return %c0_i32, %c0_i32_0 : i32, i32
  }
  func.func @transform_14(%arg0: i32) -> (i32, i32) {
    %c0_i32 = arith.constant 0 : i32
    %c0_i32_0 = arith.constant 0 : i32
    return %arg0, %c0_i32 : i32, i32
  }
}

</mosaic_0001>

<sc_bundles>
// kernel: kernel.10.cloned.1.call-start
scs
__scs_entry_jumppad:
0x0: {  	(pc) =	sbr.rel $0x88, $3  }
0x1: {  	(tag) =	ssettag $0x0;
	lr =	simm.s32 $0x1  }
0x2: {  	[smem:$0x3F7F] =	sst lr;
	_ =	strace $0xD0000000  }
0x3: {  	_ = 	snop  }
0x4: {  	_ = 	snop  }
0x5: {  	_ = 	snop  }
0x6: {  	_ = 	snop  }
0x7: {  	_ = 	snop  }
__scs_overlays_trampoline_lowered:
0x8: {  	[smem:$0x3F8E] =	sst s0  }
0x9: {  	[smem:$0x3F8F] =	sst s1  }
0xa: {  	[smem:$0x3F90] =	sst s2  }
0xb: {  	[smem:$0x3F91] =	sst s3  }
0xc: {  	[smem:$0x3F92] =	sst s4  }
0xd: {  	[smem:$0x3F93] =	sst s5  }
0xe: {  	[smem:$0x3F94] =	sst s6  }
0xf: {  	[smem:$0x3F95] =	sst s7  }
0x10: {  	[smem:$0x3F96] =	sst s8  }
0x11: {  	[smem:$0x3F97] =	sst s9;
	s0 =	simm.s32 @!p0 $0x0  }
0x12: {  	s1 =	sld [smem:$0x3F7D];
	s0 =	simm.s32 @p0 $0x1  }
0x13: {  	[smem:$0x3F98] =	sst s0;
	s0 =	simm.s32 @!p1 $0x0  }
0x14: {  	s2 =	sld [smem:$0x3F7C];
	s0 =	simm.s32 @p1 $0x1  }
0x15: {  	[smem:$0x3F99] =	sst s0;
	s0 =	simm.s32 @!p2 $0x0  }
0x16: {  	s3 =	sld [smem:$0x3FDB];
	s0 =	simm.s32 @p2 $0x1  }
0x17: {  	s4 =	simm.s32 $0x1BF5;
	[smem:$0x3F9B] =	sst s0  }
0x18: {  	s0 =	sld [smem:$0x3F7E];
	_ =	swait.ge [sflag:s4], $0x0  }
0x19: {  	s7 =	sld [smem:$0x3F7F]  }
0x1a: {  	s8 =	sadd.s32 $0xFFFFE003, lr  }
0x1b: {  	s9 =	sadd.s32 $0xFFFFFEF7, lr;
	s5 =	simm.s32 $0xFFFFFFFF;
	p2 =	slt.u32 s8, $0xFFFFF086  }
0x1c: {  	p1 =	slt.u32 s9, $0xF7A;
	s5 =	simm.s32 @!p2 $0x0  }
0x1d: {  	s5 =	simm.s32 @p1 $0x1;
	p0 =	seq.s32 s7, s2  }
0x1e: {  	s7 =	smul.u32 @!p0 $0xF7A, s2;
	p2 =	seq.s32 @!p0 s5, $0x0  }
0x1f: {  	s9 =	smul.u32 $0xF7A, s1;
	s8 =	simm.s32 @!p0 $0x1BF5;
	p2 =	por !p2, p0  }
0x20: {  	[sflag:s8] =	ssyncset.s32 @!p0 $0xFFFFF086;
	s6 =	sadd.s32 @!p0 s3, s7;
	s7 =	simm.s32 @!p0 $0x108  }
0x21: {  	s3 =	sadd.s32 s3, s9;
	s6 =	sadd.s32 @!p0 $0x88, s6;
	s7 =	simm.s32 @p2 $0x1082  }
0x22: {  	[simem:s7], [sflag:s8] =	dma.local @!p0 [hbm:s6], $0xF7A  }
0x23: {  	s9 =	sor.u32 $0xD0000000, s2;
	s6 =	simm.s32 $0x108;
	_ =	swait.ge @!p0 [sflag:s8], $0x0  }
0x24: {  	s3 =	sadd.s32 $0x88, s3;
	s6 =	simm.s32 @!p1 $0x1082;
	[sflag:s4] =	ssyncset.s32 $0xFFFFF086  }
0x25: {  	[simem:s6], [sflag:s4] =	dma.local [hbm:s3], $0xF7A  }
0x26: {  	[smem:$0x3F7F] =	sst s1;
	(tag) =	ssettag s2;
	_ =	strace s9  }
0x27: {  	s1 =	sld [smem:$0x3F8F]  }
0x28: {  	s2 =	sld [smem:$0x3F90]  }
0x29: {  	s4 =	sld [smem:$0x3F92]  }
0x2a: {  	p0 =	seq.s32 s5, $0x0;
	s5 =	sld [smem:$0x3F93]  }
0x2b: {  	s6 =	sld [smem:$0x3F94]  }
0x2c: {  	s7 =	sld [smem:$0x3F95]  }
0x2d: {  	s3 =	simm.s32 $0x108;
	s8 =	sld [smem:$0x3F96]  }
0x2e: {  	s3 =	simm.s32 @!p0 $0x1082;
	s9 =	sld [smem:$0x3F97]  }
0x2f: {  	lr =	sadd.s32 s0, s3;
	s0 =	sld [smem:$0x3F8E]  }
0x30: {  	s3 =	sld [smem:$0x3F91]  }
0x31: {  	[smem:$0x3F9A] =	sst s10  }
0x32: {  	s10 =	sld [smem:$0x3F98];
	_ =	sdelay $0x3  }
0x33: {  	p0 =	seq.s32 s10, $0x1;
	s10 =	sld [smem:$0x3F9A];
	_ =	sdelay $0x3  }
0x34: {  	[smem:$0x3F9A] =	sst s10  }
0x35: {  	s10 =	sld [smem:$0x3F99];
	_ =	sdelay $0x3  }
0x36: {  	p1 =	seq.s32 s10, $0x1;
	s10 =	sld [smem:$0x3F9A];
	_ =	sdelay $0x3  }
0x37: {  	[smem:$0x3F9A] =	sst s10  }
0x38: {  	s10 =	sld [smem:$0x3F9B]  }
0x39: {  	_ = 	snop;
	(pc) =	sbr.ind lr, $3  }
0x3a: {  	_ = 	snop  }
0x3b: {  	_ = 	snop  }
0x3c: {  	p2 =	seq.s32 s10, $0x1;
	s10 =	sld [smem:$0x3F9A]  }
0x3d: {  	_ =	shalt  }
0x3e: {  	_ =	shalt  }
0x3f: {  	_ =	shalt  }
0x40: {  	_ =	shalt  }
0x41: {  	_ =	shalt  }
0x42: {  	_ =	shalt  }
0x43: {  	_ =	shalt  }
0x44: {  	_ =	shalt  }
0x45: {  	_ =	shalt  }
0x46: {  	_ =	shalt  }
0x47: {  	_ =	shalt  }
0x48: {  	_ =	shalt  }
0x49: {  	_ =	shalt  }
0x4a: {  	_ =	shalt  }
0x4b: {  	_ =	shalt  }
0x4c: {  	_ =	shalt  }
0x4d: {  	_ =	shalt  }
0x4e: {  	_ =	shalt  }
0x4f: {  	_ =	shalt  }
0x50: {  	_ =	shalt  }
0x51: {  	_ =	shalt  }
0x52: {  	_ =	shalt  }
0x53: {  	_ =	shalt  }
0x54: {  	_ =	shalt  }
0x55: {  	_ =	shalt  }
0x56: {  	_ =	shalt  }
0x57: {  	_ =	shalt  }
0x58: {  	_ =	shalt  }
0x59: {  	_ =	shalt  }
0x5a: {  	_ =	shalt  }
0x5b: {  	_ =	shalt  }
0x5c: {  	_ =	shalt  }
0x5d: {  	_ =	shalt  }
0x5e: {  	_ =	shalt  }
0x5f: {  	_ =	shalt  }
0x60: {  	_ =	shalt  }
0x61: {  	_ =	shalt  }
0x62: {  	_ =	shalt  }
0x63: {  	_ =	shalt  }
0x64: {  	_ =	shalt  }
0x65: {  	_ =	shalt  }
0x66: {  	_ =	shalt  }
0x67: {  	_ =	shalt  }
0x68: {  	_ =	shalt  }
0x69: {  	_ =	shalt  }
0x6a: {  	_ =	shalt  }
0x6b: {  	_ =	shalt  }
0x6c: {  	_ =	shalt  }
0x6d: {  	_ =	shalt  }
0x6e: {  	_ =	shalt  }
0x6f: {  	_ =	shalt  }
0x70: {  	_ =	shalt  }
0x71: {  	_ =	shalt  }
0x72: {  	_ =	shalt  }
0x73: {  	_ =	shalt  }
0x74: {  	_ =	shalt  }
0x75: {  	_ =	shalt  }
0x76: {  	_ =	shalt  }
0x77: {  	_ =	shalt  }
0x78: {  	_ =	shalt  }
0x79: {  	_ =	shalt  }
0x7a: {  	_ =	shalt  }
0x7b: {  	_ =	shalt  }
0x7c: {  	_ =	shalt  }
0x7d: {  	_ =	shalt  }
0x7e: {  	_ =	shalt  }
0x7f: {  	_ =	shalt  }
0x80: {  	_ =	shalt  }
0x81: {  	_ =	shalt  }
0x82: {  	_ =	shalt  }
0x83: {  	_ =	shalt  }
0x84: {  	_ =	shalt  }
0x85: {  	_ =	shalt  }
0x86: {  	_ =	shalt  }
0x87: {  	_ =	shalt  }
.Lfunc_end0:
.L_simem_size_0:
called_computation.1_lowered:
.L_overlay_start_0:
0x88: {  	s2 =	sld [smem:$0x3FD9]  }
0x89: {  	s3 =	sld [smem:$0x3FFE];
	_ =	sdelay $0x1  }
0x8a: {  	s1 =	srdreg.scid  }
0x8b: {  	s0 =	sand.u32 $0x1, s1  }
0x8c: {  	s14 =	sshll.u32 s0, $0xA;
	s2 =	sadd.s32 s3, s2  }
0x8d: {  	s2 =	sadd.s32 s2, s14  }
0x8e: {  	[smem:$0x3FA6] =	sst s2  }
0x8f: {  	_ = 	snop  }
0x90: {  	s2 =	sld [smem:$0x3FD0];
	_ =	sdelay $0x2  }
0x91: {  	s15 =	simm.s32 $0xA;
	s4 =	simm.s32 $0x10  }
0x92: {  	[smem:s4], [sflag:s15] =	dma.local [hbm:s2], $0x1  }
0x93: {  	_ =	swait.eq [sflag:s15], $0x1  }
0x94: {  	[sflag:s15] =	ssyncset.done $0x0  }
0x95: {  	[sflag:s15] =	ssyncadd.s32 $0xFFFFFFFF  }
0x96: {  	s16 =	sld [smem:$0x10];
	(tm) =	ssettm $0x1  }
0x97: {  	s17 =	sld [smem:$0x3FFB];
	_ =	sdelay $0x3  }
0x98: {  	_ =	strace s17  }
0x99: {  	s3 =	sld [smem:$0x3FFC];
	_ =	sdelay $0x3  }
0x9a: {  	_ =	strace s3  }
0x9b: {  	s3 =	sld [smem:$0x3FFD];
	_ =	sdelay $0x3  }
0x9c: {  	_ =	strace s3  }
0x9d: {  	_ =	strace $0x8FFFFFFF  }
0x9e: {  	s18 =	sld [smem:$0x3FDB];
	_ =	sdelay $0x1  }
0x9f: {  	s19 =	simm.s32 $_scs_section_size  }
0xa0: {  	s5 =	simm.s32 $_size__tile_overlayer_lowered;
	s6 =	simm.s32 $_tile_overlayer_lowered  }
0xa1: {  	s22 =	simm.s32 $0x1BFF;
	s21 =	sshll.u32 s6, $0x1;
	s3 =	sadd.s32 s19, s18  }
0xa2: {  	s7 =	simm.s32 $0x0;
	s20 =	sshll.u32 s5, $0x1;
	s5 =	sadd.s32 s21, s3  }
0xa3: {  	[timem:s7], [sflag:s22] =	dma.local [hbm:s5], s20  }
0xa4: {  	_ =	swait.ge [sflag:s22], s20  }
0xa5: {  	s4 =	ssub.s32 $0x0, s20;
	[sflag:s22] =	ssyncset.done $0x0  }
0xa6: {  	[sflag:s22] =	ssyncadd.s32 s4;
	_ =	sdelay $0x1  }
0xa7: {  	s23 =	simm.s32 $0x1B8B  }
0xa8: {  	_ =	swait.ge [sflag:s23], $0x1  }
0xa9: {  	[sflag:s23] =	ssyncset.done $0x0  }
0xaa: {  	s25 =	simm.s32 $0x1B8E;
	s24 =	sld [smem:$0x3FFE];
	[sflag:s23] =	ssyncadd.s32 $0xFFFFFFFF  }
0xab: {  	s26 =	simm.s32 $execute0_lowered;
	[smem:$0x3FD2] =	sst s25  }
0xac: {  	s5 =	sshll.u32 s26, $0x1;
	_ =	strace $0x80000049;
	[dreg:$0x1] =	wrdreg $0xFFFFFFFF  }
0xad: {  	s28 =	simm.s32 $_size_execute0_lowered;
	s3 =	sadd.s32 s3, s5;
	[dreg:$0x0] =	wrdreg $0x0  }
0xae: {  	s5 =	sshll.u32 s28, $0x1;
	[dreg:$0x2] =	wrdreg s3  }
0xaf: {  	[dreg:$0x3] =	wrdreg s5  }
0xb0: {  	[dreg:$0x4] =	wrdreg $0xC0  }
0xb1: {  	_ =	task [dreg:s7], $0x5FFFF  }
0xb2: {  	[dreg:$0x1] =	wrdreg $0xFFFFFFFF  }
0xb3: {  	[dreg:$0x0] =	wrdreg $0x60  }
0xb4: {  	[dreg:$0x2] =	wrdreg s24  }
0xb5: {  	[dreg:$0x3] =	wrdreg s16  }
0xb6: {  	[dreg:$0x4] =	wrdreg $0x171100  }
0xb7: {  	[dreg:$0x5] =	wrdreg $0x9  }
0xb8: {  	_ =	task.clear_ibuf [dreg:s7], $0x6FFFF;
	_ =	strace $0x90000049  }
0xb9: {  	s29 =	simm.s32 $0x9;
	_ =	strace $0x8000004B  }
0xba: {  	_ =	swait.ge [sflag:s29], $0x1  }
0xbb: {  	[sflag:s29] =	ssyncadd.s32 $0xFFFFFFFF  }
0xbc: {  	_ =	strace $0x9000004B  }
0xbd: {  	_ =	sfence  }
0xbe: {  	s30 =	sld [smem:$0x0];
	_ =	sdelay $0x2  }
0xbf: {  	s31 =	sshll.u32 s1, $0xD;
	s1 =	sshrl.u32 s1, $0x2  }
0xc0: {  	s3 =	sand.u32 $0x4000, s31;
	s1 =	sadd.s32 s1, s30  }
0xc1: {  	s0 =	sor.u32 s3, s0;
	s1 =	sshll.u32 s1, $0x11  }
0xc2: {  	s0 =	sor.u32 s1, s0  }
0xc3: {  	s0 =	sadd.s32 $0x8F2B, s0  }
0xc4: {  	[sflag:s0] =	ssyncadd.remote.s32 $0x1  }
0xc5: {  	_ =	sfence.sel $0xFFFF  }
0xc6: {  	[dreg:$0x0] =	wrdreg $0xFFFFFFFF;
	(pc) =	sbr.abs _section_cstart, $3  }
0xc7: {  	[dreg:$0x1] =	wrdreg $0xFFFFFFFF  }
0xc8: {  	_ =	task.clear_ibuf [dreg:s7], $0x2FFFF;
	_ =	strace $0x9FFFFFFF  }
0xc9: {  	(tm) =	ssettm $0x7FFFFFFF  }
tec
execute0_lowered:
.L_overlay_start_1:
0x0: {  	(tag) =	ssettag $0x1  }
0x1: {  	s4 =	rddreg [dreg:$0x0]  }
0x2: {  	s7 =	rddreg [dreg:$0x1]  }
0x3: {  	s1 =	srdreg.scid;
	s2 =	rddreg [dreg:$0x2]  }
0x4: {  	s3 =	simm.s32 $0x0;
	s6 =	sand.u32 $0x1, s1;
	s1 =	rddreg [dreg:$0x3]  }
0x5: {  	s10 =	simm.s32 $0x3B10;
	[smem:$0x7FF] =	sst s3  }
0x6: {  	s11 =	simm.s32 $0x4510;
	_ =	strace $0x8000004A;
	[dreg:$0x6] =	wrdreg s10  }
0x7: {  	s12 =	simm.s32 $0x4F10;
	[dreg:$0x7] =	wrdreg s11  }
0x8: {  	s13 =	simm.s32 $0x5910;
	[dreg:$0x8] =	wrdreg s12  }
0x9: {  	s14 =	simm.s32 $0x6310;
	[dreg:$0x9] =	wrdreg s13  }
0xa: {  	s15 =	simm.s32 $0x6D10;
	[dreg:$0xa] =	wrdreg s14  }
0xb: {  	s16 =	simm.s32 $0x7710;
	[dreg:$0xb] =	wrdreg s15  }
0xc: {  	s18 =	simm.s32 $0x8110;
	[dreg:$0xc] =	wrdreg s16  }
0xd: {  	s19 =	simm.s32 $0x8B10;
	[dreg:$0xd] =	wrdreg s18  }
0xe: {  	s20 =	simm.s32 $0x9510;
	[dreg:$0xe] =	wrdreg s19  }
0xf: {  	s21 =	simm.s32 $0x9F10;
	[dreg:$0xf] =	wrdreg s20  }
0x10: {  	s22 =	simm.s32 $0xA910;
	[dreg:$0x10] =	wrdreg s21  }
0x11: {  	s23 =	simm.s32 $0xB310;
	[dreg:$0x11] =	wrdreg s22  }
0x12: {  	s24 =	simm.s32 $0xBD10;
	[dreg:$0x12] =	wrdreg s23  }
0x13: {  	s25 =	simm.s32 $0xC710;
	[dreg:$0x13] =	wrdreg s24  }
0x14: {  	s0 =	stileid.u32;
	s26 =	simm.s32 $0xD110;
	[dreg:$0x14] =	wrdreg s25  }
0x15: {  	s28 =	simm.s32 $0xDB10;
	s29 =	simm.s32 $0xE510;
	[dreg:$0x15] =	wrdreg s26  }
0x16: {  	s30 =	simm.s32 $0xEF10;
	s31 =	simm.s32 $0xF910;
	[dreg:$0x16] =	wrdreg s28  }
0x17: {  	s5 =	smul.u32 $0x13880, s0;
	s9 =	sshll.u32 s0, $0x1;
	[dreg:$0x17] =	wrdreg s29  }
0x18: {  	s8 =	smul.u32 $0x9C40, s6;
	s17 =	ssub.s32 $0x2, s6;
	[dreg:$0x18] =	wrdreg s30  }
0x19: {  	s12 =	smul.u32 $0x50000, s6;
	[dreg:$0x19] =	wrdreg s31;
	s13 =	simm.s32 $0x10310  }
0x1a: {  	s14 =	simm.s32 $0x11710;
	s15 =	simm.s32 $0x1;
	s5 =	sadd.s32 s5, s4  }
0x1b: {  	s16 =	simm.s32 $0x0;
	s11 =	sshrl.u32 s17, $0x1;
	s5 =	sadd.s32 s8, s5  }
0x1c: {  	[dreg:$0x1a] =	wrdreg s13;
	s8 =	simm.s32 $0x3110;
	s5 =	sadd.s32 $0x10000, s5  }
0x1d: {  	[dreg:$0x5] =	wrdreg s8;
	s8 =	sor.u32 s6, s9;
	s9 =	smul.u32 $0x5000, s0  }
0x1e: {  	s13 =	simm.s32 $0x10D10;
	[dreg:$0x4] =	wrdreg s5;
	s8 =	smul.u32 $0x4E2, s8  }
0x1f: {  	s10 =	sshrl.u32 s9, $0x3;
	s5 =	sadd.s32 s9, s2;
	s9 =	sadd.s32 s9, s12  }
0x20: {  	s12 =	simm.s32 $0x50;
	s8 =	sadd.s32 s8, s4;
	s4 =	sadd.s32 s10, s4  }
0x21: {  	s10 =	ssub.s32 s17, s11;
	s9 =	sshrl.u32 s9, $0x3;
	s11 =	simm.s32 $0x2710  }
0x22: {  	s4 =	sadd.s32 $0x148800, s4;
	s6 =	sadd.s32 $0x6200, s8;
	s7 =	sadd.s32 s7, s9  }
0x23: {  	s8 =	smax.u32 s10, $0x1;
	s9 =	simm.s32 $0x12110;
	s10 =	simm.s32 $0x2  }
.LBB2_1:
0x24: {  	[tilespmem:s9], [sflag:$0x2] =	stream.linear.gather [hbm4b:s4+s3], $0x5000, $0x38;
	[tilespmem:$0x1C110] =	vst v63  }
0x25: {  	_ =	swait.ge [sflag:s10], $0x5000  }
0x26: {  	[sflag:s10] =	ssyncset.done $0x0  }
0x27: {  	[sflag:s10] =	ssyncadd.s32 $0xFFFFB000  }
0x28: {  	[spmem:s5] =	stream.linear.scatter [tilespmem:s9], [sflag:$0x2], $0x5000, $0x38;
	[tilespmem:$0x1C110] =	vst v63  }
0x29: {  	_ =	swait.ge [sflag:s10], $0x5000  }
0x2a: {  	[sflag:s10] =	ssyncset.done $0x0  }
0x2b: {  	[sflag:s10] =	ssyncadd.s32 $0xFFFFB000  }
0x2c: {  	[bflag:$0x0] =	sbarrier.arrive $0xFFFF  }
0x2d: {  	[tilespmem:s3], [sflag:$0x2] =	stream.linear.gather [hbm4b:s6+s3], $0x2710, $0x38;
	[tilespmem:$0x1C110] =	vst v63  }
0x2e: {  	_ =	swait.ge [sflag:s10], $0x2710  }
0x2f: {  	s17 =	rddreg [dreg:$0x4];
	[sflag:s10] =	ssyncset.done $0x0  }
0x30: {  	[sflag:s10] =	ssyncadd.s32 $0xFFFFD8F0;
	s17 =	sadd.s32 $0x0, s17  }
0x31: {  	[tilespmem:s11], [sflag:$0x2] =	stream.linear.gather [hbm4b:s17+s3], $0xFA00, $0x38;
	[tilespmem:$0x1C110] =	vst v63  }
0x32: {  	_ =	swait.ge [sflag:s10], $0xFA00  }
0x33: {  	[sflag:s10] =	ssyncset.done $0x0  }
0x34: {  	s21 =	simm.s32 $0x0;
	[sflag:s10] =	ssyncadd.s32 $0xFFFF0600  }
0x35: {  	[spmem:s2] =	stream.indirect.scatter.add.f32 [tilespmem:s11], [sflag:$0x1], $0x20, s21, s12, $0xb8;
	[tilespmem:$0x1C110] =	vst v63  }
0x36: {  	s22 =	simm.s32 $0x50;
	s18 =	rddreg [dreg:$0x5]  }
0x37: {  	[spmem:s2] =	stream.indirect.scatter.add.f32 [tilespmem:s18], [sflag:$0x1], $0x20, s22, s12, $0xb8;
	[tilespmem:$0x1C110] =	vst v63  }
0x38: {  	s23 =	simm.s32 $0xA0;
	s19 =	rddreg [dreg:$0x6]  }
0x39: {  	[spmem:s2] =	stream.indirect.scatter.add.f32 [tilespmem:s19], [sflag:$0x1], $0x20, s23, s12, $0xb8;
	[tilespmem:$0x1C110] =	vst v63  }
0x3a: {  	s25 =	simm.s32 $0xF0;
	s24 =	rddreg [dreg:$0x7]  }
0x3b: {  	[spmem:s2] =	stream.indirect.scatter.add.f32 [tilespmem:s24], [sflag:$0x1], $0x20, s25, s12, $0xb8;
	[tilespmem:$0x1C110] =	vst v63  }
0x3c: {  	s28 =	simm.s32 $0x140;
	s26 =	rddreg [dreg:$0x8]  }
0x3d: {  	[spmem:s2] =	stream.indirect.scatter.add.f32 [tilespmem:s26], [sflag:$0x1], $0x20, s28, s12, $0xb8;
	[tilespmem:$0x1C110] =	vst v63  }
0x3e: {  	s30 =	simm.s32 $0x190;
	s29 =	rddreg [dreg:$0x9]  }
0x3f: {  	[spmem:s2] =	stream.indirect.scatter.add.f32 [tilespmem:s29], [sflag:$0x1], $0x20, s30, s12, $0xb8;
	[tilespmem:$0x1C110] =	vst v63  }
0x40: {  	s31 =	rddreg [dreg:$0xa];
	s18 =	simm.s32 $0x1E0  }
0x41: {  	[spmem:s2] =	stream.indirect.scatter.add.f32 [tilespmem:s31], [sflag:$0x1], $0x20, s18, s12, $0xb8;
	[tilespmem:$0x1C110] =	vst v63  }
0x42: {  	s20 =	rddreg [dreg:$0xb];
	s21 =	simm.s32 $0x230  }
0x43: {  	[spmem:s2] =	stream.indirect.scatter.add.f32 [tilespmem:s20], [sflag:$0x1], $0x20, s21, s12, $0xb8;
	[tilespmem:$0x1C110] =	vst v63  }
0x44: {  	s22 =	rddreg [dreg:$0xc];
	s23 =	simm.s32 $0x280  }
0x45: {  	[spmem:s2] =	stream.indirect.scatter.add.f32 [tilespmem:s22], [sflag:$0x1], $0x20, s23, s12, $0xb8;
	[tilespmem:$0x1C110] =	vst v63  }
0x46: {  	s24 =	rddreg [dreg:$0xd];
	s25 =	simm.s32 $0x2D0  }
0x47: {  	[spmem:s2] =	stream.indirect.scatter.add.f32 [tilespmem:s24], [sflag:$0x1], $0x20, s25, s12, $0xb8;
	[tilespmem:$0x1C110] =	vst v63  }
0x48: {  	s26 =	rddreg [dreg:$0xe];
	s28 =	simm.s32 $0x320  }
0x49: {  	[spmem:s2] =	stream.indirect.scatter.add.f32 [tilespmem:s26], [sflag:$0x1], $0x20, s28, s12, $0xb8;
	[tilespmem:$0x1C110] =	vst v63  }
0x4a: {  	s29 =	rddreg [dreg:$0xf];
	s30 =	simm.s32 $0x370  }
0x4b: {  	[spmem:s2] =	stream.indirect.scatter.add.f32 [tilespmem:s29], [sflag:$0x1], $0x20, s30, s12, $0xb8;
	[tilespmem:$0x1C110] =	vst v63  }
0x4c: {  	s31 =	rddreg [dreg:$0x10];
	s18 =	simm.s32 $0x3C0  }
0x4d: {  	[spmem:s2] =	stream.indirect.scatter.add.f32 [tilespmem:s31], [sflag:$0x1], $0x20, s18, s12, $0xb8;
	[tilespmem:$0x1C110] =	vst v63  }
0x4e: {  	s20 =	rddreg [dreg:$0x11];
	s21 =	simm.s32 $0x410  }
0x4f: {  	[spmem:s2] =	stream.indirect.scatter.add.f32 [tilespmem:s20], [sflag:$0x1], $0x20, s21, s12, $0xb8;
	[tilespmem:$0x1C110] =	vst v63  }
0x50: {  	s22 =	rddreg [dreg:$0x12];
	s23 =	simm.s32 $0x460  }
0x51: {  	[spmem:s2] =	stream.indirect.scatter.add.f32 [tilespmem:s22], [sflag:$0x1], $0x20, s23, s12, $0xb8;
	[tilespmem:$0x1C110] =	vst v63  }
0x52: {  	s24 =	rddreg [dreg:$0x13];
	s25 =	simm.s32 $0x4B0  }
0x53: {  	[spmem:s2] =	stream.indirect.scatter.add.f32 [tilespmem:s24], [sflag:$0x1], $0x20, s25, s12, $0xb8;
	[tilespmem:$0x1C110] =	vst v63  }
0x54: {  	s26 =	rddreg [dreg:$0x14];
	s28 =	simm.s32 $0x500  }
0x55: {  	[spmem:s2] =	stream.indirect.scatter.add.f32 [tilespmem:s26], [sflag:$0x1], $0x20, s28, s12, $0xb8;
	[tilespmem:$0x1C110] =	vst v63  }
0x56: {  	s29 =	rddreg [dreg:$0x15];
	s30 =	simm.s32 $0x550  }
0x57: {  	[spmem:s2] =	stream.indirect.scatter.add.f32 [tilespmem:s29], [sflag:$0x1], $0x20, s30, s12, $0xb8;
	[tilespmem:$0x1C110] =	vst v63  }
0x58: {  	s31 =	rddreg [dreg:$0x16];
	s20 =	simm.s32 $0x5A0  }
0x59: {  	[spmem:s2] =	stream.indirect.scatter.add.f32 [tilespmem:s31], [sflag:$0x1], $0x20, s20, s12, $0xb8;
	[tilespmem:$0x1C110] =	vst v63  }
0x5a: {  	s21 =	rddreg [dreg:$0x17];
	s22 =	simm.s32 $0x5F0  }
0x5b: {  	[spmem:s2] =	stream.indirect.scatter.add.f32 [tilespmem:s21], [sflag:$0x1], $0x20, s22, s12, $0xb8;
	[tilespmem:$0x1C110] =	vst v63  }
0x5c: {  	s23 =	rddreg [dreg:$0x18];
	s24 =	simm.s32 $0x640  }
0x5d: {  	[spmem:s2] =	stream.indirect.scatter.add.f32 [tilespmem:s23], [sflag:$0x1], $0x20, s24, s12, $0xb8;
	[tilespmem:$0x1C110] =	vst v63  }
0x5e: {  	s25 =	rddreg [dreg:$0x19];
	s26 =	simm.s32 $0x690  }
0x5f: {  	[spmem:s2] =	stream.indirect.scatter.add.f32 [tilespmem:s25], [sflag:$0x1], $0x20, s26, s12, $0xb8;
	[tilespmem:$0x1C110] =	vst v63  }
0x60: {  	s28 =	rddreg [dreg:$0x1a];
	s29 =	simm.s32 $0x6E0  }
0x61: {  	[spmem:s2] =	stream.indirect.scatter.add.f32 [tilespmem:s28], [sflag:$0x1], $0x20, s29, s12, $0xb8;
	[tilespmem:$0x1C110] =	vst v63  }
0x62: {  	s30 =	simm.s32 $0x730  }
0x63: {  	[spmem:s2] =	stream.indirect.scatter.add.f32 [tilespmem:s13], [sflag:$0x1], $0x20, s30, s12, $0xb8;
	[tilespmem:$0x1C110] =	vst v63  }
0x64: {  	s31 =	simm.s32 $0x780  }
0x65: {  	[spmem:s2] =	stream.indirect.scatter.add.f32 [tilespmem:s14], [sflag:$0x1], $0x20, s31, s12, $0xb8;
	[tilespmem:$0x1C110] =	vst v63  }
0x66: {  	_ =	swait.ge [sflag:s15], $0xA00  }
0x67: {  	[sflag:s15] =	ssyncset.done $0x0  }
0x68: {  	[sflag:s15] =	ssyncadd.s32 $0xFFFFF600  }
0x69: {  	_ =	swait.ge [sflag:s15], $0xA00  }
0x6a: {  	[sflag:s15] =	ssyncset.done $0x0  }
0x6b: {  	[sflag:s15] =	ssyncadd.s32 $0xFFFFF600  }
0x6c: {  	_ =	swait.ge [sflag:s15], $0xA00  }
0x6d: {  	[sflag:s15] =	ssyncset.done $0x0  }
0x6e: {  	[sflag:s15] =	ssyncadd.s32 $0xFFFFF600  }
0x6f: {  	_ =	swait.ge [sflag:s15], $0xA00  }
0x70: {  	[sflag:s15] =	ssyncset.done $0x0  }
0x71: {  	[sflag:s15] =	ssyncadd.s32 $0xFFFFF600  }
0x72: {  	_ =	swait.ge [sflag:s15], $0xA00  }
0x73: {  	[sflag:s15] =	ssyncset.done $0x0  }
0x74: {  	[sflag:s15] =	ssyncadd.s32 $0xFFFFF600  }
0x75: {  	_ =	swait.ge [sflag:s15], $0xA00  }
0x76: {  	[sflag:s15] =	ssyncset.done $0x0  }
0x77: {  	[sflag:s15] =	ssyncadd.s32 $0xFFFFF600  }
0x78: {  	_ =	swait.ge [sflag:s15], $0xA00  }
0x79: {  	[sflag:s15] =	ssyncset.done $0x0  }
0x7a: {  	[sflag:s15] =	ssyncadd.s32 $0xFFFFF600  }
0x7b: {  	_ =	swait.ge [sflag:s15], $0xA00  }
0x7c: {  	[sflag:s15] =	ssyncset.done $0x0  }
0x7d: {  	[sflag:s15] =	ssyncadd.s32 $0xFFFFF600  }
0x7e: {  	_ =	swait.ge [sflag:s15], $0xA00  }
0x7f: {  	[sflag:s15] =	ssyncset.done $0x0  }
0x80: {  	[sflag:s15] =	ssyncadd.s32 $0xFFFFF600  }
0x81: {  	_ =	swait.ge [sflag:s15], $0xA00  }
0x82: {  	[sflag:s15] =	ssyncset.done $0x0  }
0x83: {  	[sflag:s15] =	ssyncadd.s32 $0xFFFFF600  }
0x84: {  	_ =	swait.ge [sflag:s15], $0xA00  }
0x85: {  	[sflag:s15] =	ssyncset.done $0x0  }
0x86: {  	[sflag:s15] =	ssyncadd.s32 $0xFFFFF600  }
0x87: {  	_ =	swait.ge [sflag:s15], $0xA00  }
0x88: {  	[sflag:s15] =	ssyncset.done $0x0  }
0x89: {  	[sflag:s15] =	ssyncadd.s32 $0xFFFFF600  }
0x8a: {  	_ =	swait.ge [sflag:s15], $0xA00  }
0x8b: {  	[sflag:s15] =	ssyncset.done $0x0  }
0x8c: {  	[sflag:s15] =	ssyncadd.s32 $0xFFFFF600  }
0x8d: {  	_ =	swait.ge [sflag:s15], $0xA00  }
0x8e: {  	[sflag:s15] =	ssyncset.done $0x0  }
0x8f: {  	[sflag:s15] =	ssyncadd.s32 $0xFFFFF600  }
0x90: {  	_ =	swait.ge [sflag:s15], $0xA00  }
0x91: {  	[sflag:s15] =	ssyncset.done $0x0  }
0x92: {  	[sflag:s15] =	ssyncadd.s32 $0xFFFFF600  }
0x93: {  	_ =	swait.ge [sflag:s15], $0xA00  }
0x94: {  	[sflag:s15] =	ssyncset.done $0x0  }
0x95: {  	[sflag:s15] =	ssyncadd.s32 $0xFFFFF600  }
0x96: {  	_ =	swait.ge [sflag:s15], $0xA00  }
0x97: {  	[sflag:s15] =	ssyncset.done $0x0  }
0x98: {  	[sflag:s15] =	ssyncadd.s32 $0xFFFFF600  }
0x99: {  	_ =	swait.ge [sflag:s15], $0xA00  }
0x9a: {  	[sflag:s15] =	ssyncset.done $0x0  }
0x9b: {  	[sflag:s15] =	ssyncadd.s32 $0xFFFFF600  }
0x9c: {  	_ =	swait.ge [sflag:s15], $0xA00  }
0x9d: {  	[sflag:s15] =	ssyncset.done $0x0  }
0x9e: {  	[sflag:s15] =	ssyncadd.s32 $0xFFFFF600  }
0x9f: {  	_ =	swait.ge [sflag:s15], $0xA00  }
0xa0: {  	[sflag:s15] =	ssyncset.done $0x0  }
0xa1: {  	[sflag:s15] =	ssyncadd.s32 $0xFFFFF600  }
0xa2: {  	_ =	swait.ge [sflag:s15], $0xA00  }
0xa3: {  	[sflag:s15] =	ssyncset.done $0x0  }
0xa4: {  	[sflag:s15] =	ssyncadd.s32 $0xFFFFF600  }
0xa5: {  	_ =	swait.ge [sflag:s15], $0xA00  }
0xa6: {  	[sflag:s15] =	ssyncset.done $0x0  }
0xa7: {  	[sflag:s15] =	ssyncadd.s32 $0xFFFFF600  }
0xa8: {  	_ =	swait.ge [sflag:s15], $0xA00  }
0xa9: {  	[sflag:s15] =	ssyncset.done $0x0  }
0xaa: {  	[sflag:s15] =	ssyncadd.s32 $0xFFFFF600  }
0xab: {  	_ =	swait.ge [sflag:s15], $0xA00  }
0xac: {  	[sflag:s15] =	ssyncset.done $0x0  }
0xad: {  	[sflag:s15] =	ssyncadd.s32 $0xFFFFF600  }
0xae: {  	s17 =	simm.s32 $0x1F40;
	_ =	swait.ge [sflag:s15], $0xA00  }
0xaf: {  	s18 =	simm.s32 $0x3E80;
	s19 =	rddreg [dreg:$0x4];
	[sflag:s15] =	ssyncset.done $0x0  }
.LBB2_2:
0xb0: {  	[sflag:s15] =	ssyncadd.s32 $0xFFFFF600;
	s19 =	sadd.s32 s17, s19  }
0xb1: {  	[tilespmem:s11], [sflag:$0x2] =	stream.linear.gather [hbm4b:s19+s3], $0xFA00, $0x38;
	[tilespmem:$0x1C110] =	vst v63  }
0xb2: {  	_ =	swait.ge [sflag:s10], $0xFA00  }
0xb3: {  	[sflag:s10] =	ssyncset.done $0x0  }
0xb4: {  	s19 =	sshra.s32 s17, $0x2;
	[sflag:s10] =	ssyncadd.s32 $0xFFFF0600  }
0xb5: {  	[spmem:s2] =	stream.indirect.scatter.add.f32 [tilespmem:s11], [sflag:$0x1], $0x20, s19, s12, $0xb8;
	[tilespmem:$0x1C110] =	vst v63  }
0xb6: {  	s22 =	sadd.s32 $0x50, s19;
	s21 =	rddreg [dreg:$0x5]  }
0xb7: {  	[spmem:s2] =	stream.indirect.scatter.add.f32 [tilespmem:s21], [sflag:$0x1], $0x20, s22, s12, $0xb8;
	[tilespmem:$0x1C110] =	vst v63  }
0xb8: {  	s23 =	rddreg [dreg:$0x6];
	s21 =	sadd.s32 $0xA0, s19  }
0xb9: {  	[spmem:s2] =	stream.indirect.scatter.add.f32 [tilespmem:s23], [sflag:$0x1], $0x20, s21, s12, $0xb8;
	[tilespmem:$0x1C110] =	vst v63  }
0xba: {  	s22 =	rddreg [dreg:$0x7];
	s23 =	sadd.s32 $0xF0, s19  }
0xbb: {  	[spmem:s2] =	stream.indirect.scatter.add.f32 [tilespmem:s22], [sflag:$0x1], $0x20, s23, s12, $0xb8;
	[tilespmem:$0x1C110] =	vst v63  }
0xbc: {  	s25 =	sadd.s32 $0x140, s19;
	s24 =	rddreg [dreg:$0x8]  }
0xbd: {  	[spmem:s2] =	stream.indirect.scatter.add.f32 [tilespmem:s24], [sflag:$0x1], $0x20, s25, s12, $0xb8;
	[tilespmem:$0x1C110] =	vst v63  }
0xbe: {  	s28 =	sadd.s32 $0x190, s19;
	s26 =	rddreg [dreg:$0x9]  }
0xbf: {  	[spmem:s2] =	stream.indirect.scatter.add.f32 [tilespmem:s26], [sflag:$0x1], $0x20, s28, s12, $0xb8;
	[tilespmem:$0x1C110] =	vst v63  }
0xc0: {  	s30 =	sadd.s32 $0x1E0, s19;
	s29 =	rddreg [dreg:$0xa]  }
0xc1: {  	[spmem:s2] =	stream.indirect.scatter.add.f32 [tilespmem:s29], [sflag:$0x1], $0x20, s30, s12, $0xb8;
	[tilespmem:$0x1C110] =	vst v63  }
0xc2: {  	s31 =	rddreg [dreg:$0xb];
	s23 =	sadd.s32 $0x230, s19  }
0xc3: {  	[spmem:s2] =	stream.indirect.scatter.add.f32 [tilespmem:s31], [sflag:$0x1], $0x20, s23, s12, $0xb8;
	[tilespmem:$0x1C110] =	vst v63  }
0xc4: {  	s24 =	rddreg [dreg:$0xc];
	s25 =	sadd.s32 $0x280, s19  }
0xc5: {  	[spmem:s2] =	stream.indirect.scatter.add.f32 [tilespmem:s24], [sflag:$0x1], $0x20, s25, s12, $0xb8;
	[tilespmem:$0x1C110] =	vst v63  }
0xc6: {  	s26 =	rddreg [dreg:$0xd];
	s28 =	sadd.s32 $0x2D0, s19  }
0xc7: {  	[spmem:s2] =	stream.indirect.scatter.add.f32 [tilespmem:s26], [sflag:$0x1], $0x20, s28, s12, $0xb8;
	[tilespmem:$0x1C110] =	vst v63  }
0xc8: {  	s29 =	rddreg [dreg:$0xe];
	s30 =	sadd.s32 $0x320, s19  }
0xc9: {  	[spmem:s2] =	stream.indirect.scatter.add.f32 [tilespmem:s29], [sflag:$0x1], $0x20, s30, s12, $0xb8;
	[tilespmem:$0x1C110] =	vst v63  }
0xca: {  	s31 =	rddreg [dreg:$0xf];
	s23 =	sadd.s32 $0x370, s19  }
0xcb: {  	[spmem:s2] =	stream.indirect.scatter.add.f32 [tilespmem:s31], [sflag:$0x1], $0x20, s23, s12, $0xb8;
	[tilespmem:$0x1C110] =	vst v63  }
0xcc: {  	s24 =	rddreg [dreg:$0x10];
	s25 =	sadd.s32 $0x3C0, s19  }
0xcd: {  	[spmem:s2] =	stream.indirect.scatter.add.f32 [tilespmem:s24], [sflag:$0x1], $0x20, s25, s12, $0xb8;
	[tilespmem:$0x1C110] =	vst v63  }
0xce: {  	s26 =	rddreg [dreg:$0x11];
	s28 =	sadd.s32 $0x410, s19  }
0xcf: {  	[spmem:s2] =	stream.indirect.scatter.add.f32 [tilespmem:s26], [sflag:$0x1], $0x20, s28, s12, $0xb8;
	[tilespmem:$0x1C110] =	vst v63  }
0xd0: {  	s29 =	rddreg [dreg:$0x12];
	s30 =	sadd.s32 $0x460, s19  }
0xd1: {  	[spmem:s2] =	stream.indirect.scatter.add.f32 [tilespmem:s29], [sflag:$0x1], $0x20, s30, s12, $0xb8;
	[tilespmem:$0x1C110] =	vst v63  }
0xd2: {  	s31 =	rddreg [dreg:$0x13];
	s23 =	sadd.s32 $0x4B0, s19  }
0xd3: {  	[spmem:s2] =	stream.indirect.scatter.add.f32 [tilespmem:s31], [sflag:$0x1], $0x20, s23, s12, $0xb8;
	[tilespmem:$0x1C110] =	vst v63  }
0xd4: {  	s24 =	rddreg [dreg:$0x14];
	s25 =	sadd.s32 $0x500, s19  }
0xd5: {  	[spmem:s2] =	stream.indirect.scatter.add.f32 [tilespmem:s24], [sflag:$0x1], $0x20, s25, s12, $0xb8;
	[tilespmem:$0x1C110] =	vst v63  }
0xd6: {  	s26 =	rddreg [dreg:$0x15];
	s28 =	sadd.s32 $0x550, s19  }
0xd7: {  	[spmem:s2] =	stream.indirect.scatter.add.f32 [tilespmem:s26], [sflag:$0x1], $0x20, s28, s12, $0xb8;
	[tilespmem:$0x1C110] =	vst v63  }
0xd8: {  	s29 =	rddreg [dreg:$0x16];
	s30 =	sadd.s32 $0x5A0, s19  }
0xd9: {  	[spmem:s2] =	stream.indirect.scatter.add.f32 [tilespmem:s29], [sflag:$0x1], $0x20, s30, s12, $0xb8;
	[tilespmem:$0x1C110] =	vst v63  }
0xda: {  	s31 =	rddreg [dreg:$0x17];
	s23 =	sadd.s32 $0x5F0, s19  }
0xdb: {  	[spmem:s2] =	stream.indirect.scatter.add.f32 [tilespmem:s31], [sflag:$0x1], $0x20, s23, s12, $0xb8;
	[tilespmem:$0x1C110] =	vst v63  }
0xdc: {  	s24 =	rddreg [dreg:$0x18];
	s25 =	sadd.s32 $0x640, s19  }
0xdd: {  	[spmem:s2] =	stream.indirect.scatter.add.f32 [tilespmem:s24], [sflag:$0x1], $0x20, s25, s12, $0xb8;
	[tilespmem:$0x1C110] =	vst v63  }
0xde: {  	s26 =	rddreg [dreg:$0x19];
	s28 =	sadd.s32 $0x690, s19  }
0xdf: {  	[spmem:s2] =	stream.indirect.scatter.add.f32 [tilespmem:s26], [sflag:$0x1], $0x20, s28, s12, $0xb8;
	[tilespmem:$0x1C110] =	vst v63  }
0xe0: {  	s29 =	rddreg [dreg:$0x1a];
	s30 =	sadd.s32 $0x6E0, s19  }
0xe1: {  	[spmem:s2] =	stream.indirect.scatter.add.f32 [tilespmem:s29], [sflag:$0x1], $0x20, s30, s12, $0xb8;
	[tilespmem:$0x1C110] =	vst v63  }
0xe2: {  	s31 =	sadd.s32 $0x730, s19  }
0xe3: {  	[spmem:s2] =	stream.indirect.scatter.add.f32 [tilespmem:s13], [sflag:$0x1], $0x20, s31, s12, $0xb8;
	[tilespmem:$0x1C110] =	vst v63  }
0xe4: {  	s19 =	sadd.s32 $0x780, s19  }
0xe5: {  	[spmem:s2] =	stream.indirect.scatter.add.f32 [tilespmem:s14], [sflag:$0x1], $0x20, s19, s12, $0xb8;
	[tilespmem:$0x1C110] =	vst v63  }
0xe6: {  	_ =	swait.ge [sflag:s15], $0xA00  }
0xe7: {  	[sflag:s15] =	ssyncset.done $0x0  }
0xe8: {  	[sflag:s15] =	ssyncadd.s32 $0xFFFFF600  }
0xe9: {  	_ =	swait.ge [sflag:s15], $0xA00  }
0xea: {  	[sflag:s15] =	ssyncset.done $0x0  }
0xeb: {  	[sflag:s15] =	ssyncadd.s32 $0xFFFFF600  }
0xec: {  	_ =	swait.ge [sflag:s15], $0xA00  }
0xed: {  	[sflag:s15] =	ssyncset.done $0x0  }
0xee: {  	[sflag:s15] =	ssyncadd.s32 $0xFFFFF600  }
0xef: {  	_ =	swait.ge [sflag:s15], $0xA00  }
0xf0: {  	[sflag:s15] =	ssyncset.done $0x0  }
0xf1: {  	[sflag:s15] =	ssyncadd.s32 $0xFFFFF600  }
0xf2: {  	_ =	swait.ge [sflag:s15], $0xA00  }
0xf3: {  	[sflag:s15] =	ssyncset.done $0x0  }
0xf4: {  	[sflag:s15] =	ssyncadd.s32 $0xFFFFF600  }
0xf5: {  	_ =	swait.ge [sflag:s15], $0xA00  }
0xf6: {  	[sflag:s15] =	ssyncset.done $0x0  }
0xf7: {  	[sflag:s15] =	ssyncadd.s32 $0xFFFFF600  }
0xf8: {  	_ =	swait.ge [sflag:s15], $0xA00  }
0xf9: {  	[sflag:s15] =	ssyncset.done $0x0  }
0xfa: {  	[sflag:s15] =	ssyncadd.s32 $0xFFFFF600  }
0xfb: {  	_ =	swait.ge [sflag:s15], $0xA00  }
0xfc: {  	[sflag:s15] =	ssyncset.done $0x0  }
0xfd: {  	[sflag:s15] =	ssyncadd.s32 $0xFFFFF600  }
0xfe: {  	_ =	swait.ge [sflag:s15], $0xA00  }
0xff: {  	[sflag:s15] =	ssyncset.done $0x0  }
0x100: {  	[sflag:s15] =	ssyncadd.s32 $0xFFFFF600  }
0x101: {  	_ =	swait.ge [sflag:s15], $0xA00  }
0x102: {  	[sflag:s15] =	ssyncset.done $0x0  }
0x103: {  	[sflag:s15] =	ssyncadd.s32 $0xFFFFF600  }
0x104: {  	_ =	swait.ge [sflag:s15], $0xA00  }
0x105: {  	[sflag:s15] =	ssyncset.done $0x0  }
0x106: {  	[sflag:s15] =	ssyncadd.s32 $0xFFFFF600  }
0x107: {  	_ =	swait.ge [sflag:s15], $0xA00  }
0x108: {  	[sflag:s15] =	ssyncset.done $0x0  }
0x109: {  	[sflag:s15] =	ssyncadd.s32 $0xFFFFF600  }
0x10a: {  	_ =	swait.ge [sflag:s15], $0xA00  }
0x10b: {  	[sflag:s15] =	ssyncset.done $0x0  }
0x10c: {  	[sflag:s15] =	ssyncadd.s32 $0xFFFFF600  }
0x10d: {  	_ =	swait.ge [sflag:s15], $0xA00  }
0x10e: {  	[sflag:s15] =	ssyncset.done $0x0  }
0x10f: {  	[sflag:s15] =	ssyncadd.s32 $0xFFFFF600  }
0x110: {  	_ =	swait.ge [sflag:s15], $0xA00  }
0x111: {  	[sflag:s15] =	ssyncset.done $0x0  }
0x112: {  	[sflag:s15] =	ssyncadd.s32 $0xFFFFF600  }
0x113: {  	_ =	swait.ge [sflag:s15], $0xA00  }
0x114: {  	[sflag:s15] =	ssyncset.done $0x0  }
0x115: {  	[sflag:s15] =	ssyncadd.s32 $0xFFFFF600  }
0x116: {  	_ =	swait.ge [sflag:s15], $0xA00  }
0x117: {  	[sflag:s15] =	ssyncset.done $0x0  }
0x118: {  	[sflag:s15] =	ssyncadd.s32 $0xFFFFF600  }
0x119: {  	_ =	swait.ge [sflag:s15], $0xA00  }
0x11a: {  	[sflag:s15] =	ssyncset.done $0x0  }
0x11b: {  	[sflag:s15] =	ssyncadd.s32 $0xFFFFF600  }
0x11c: {  	_ =	swait.ge [sflag:s15], $0xA00  }
0x11d: {  	[sflag:s15] =	ssyncset.done $0x0  }
0x11e: {  	[sflag:s15] =	ssyncadd.s32 $0xFFFFF600  }
0x11f: {  	_ =	swait.ge [sflag:s15], $0xA00  }
0x120: {  	[sflag:s15] =	ssyncset.done $0x0  }
0x121: {  	[sflag:s15] =	ssyncadd.s32 $0xFFFFF600  }
0x122: {  	_ =	swait.ge [sflag:s15], $0xA00  }
0x123: {  	[sflag:s15] =	ssyncset.done $0x0  }
0x124: {  	[sflag:s15] =	ssyncadd.s32 $0xFFFFF600  }
0x125: {  	_ =	swait.ge [sflag:s15], $0xA00  }
0x126: {  	[sflag:s15] =	ssyncset.done $0x0  }
0x127: {  	[sflag:s15] =	ssyncadd.s32 $0xFFFFF600  }
0x128: {  	_ =	swait.ge [sflag:s15], $0xA00  }
0x129: {  	[sflag:s15] =	ssyncset.done $0x0  }
0x12a: {  	p0 =	sne.s32 s18, $0x7D00;
	[sflag:s15] =	ssyncadd.s32 $0xFFFFF600  }
.Ltmp0:
0x12b: {  	_ =	swait.ge [sflag:s15], $0xA00;
	(pc) =	sbr.rel @p0 .LBB2_2-.Ltmp0, $4  }
0x12c: {  	[sflag:s15] =	ssyncset.done $0x0  }
0x12d: {  	[sflag:s15] =	ssyncadd.s32 $0xFFFFF600  }
0x12e: {  	s20 =	smov.u32 s18;
	s18 =	sadd.s32 $0x1F40, s18;
	_ =	swait.ge [sflag:s15], $0xA00  }
0x12f: {  	s17 =	smov.u32 s20;
	s19 =	rddreg [dreg:$0x4];
	[sflag:s15] =	ssyncset.done $0x0  }
0x130: {  	[sflag:s15] =	ssyncadd.s32 $0xFFFFF600;
	s18 =	sadd.s32 s17, s19  }
0x131: {  	[tilespmem:s11], [sflag:$0x2] =	stream.linear.gather [hbm4b:s18+s3], $0xFA00, $0x38;
	[tilespmem:$0x1C110] =	vst v63  }
0x132: {  	_ =	swait.ge [sflag:s10], $0xFA00  }
0x133: {  	[sflag:s10] =	ssyncset.done $0x0  }
0x134: {  	s17 =	sshra.s32 s17, $0x2;
	[sflag:s10] =	ssyncadd.s32 $0xFFFF0600  }
0x135: {  	[spmem:s2] =	stream.indirect.scatter.add.f32 [tilespmem:s11], [sflag:$0x1], $0x20, s17, s12, $0xb8;
	[tilespmem:$0x1C110] =	vst v63  }
0x136: {  	s29 =	sadd.s32 $0x50, s17;
	s28 =	rddreg [dreg:$0x5]  }
0x137: {  	[spmem:s2] =	stream.indirect.scatter.add.f32 [tilespmem:s28], [sflag:$0x1], $0x20, s29, s12, $0xb8;
	[tilespmem:$0x1C110] =	vst v63  }
0x138: {  	s30 =	sadd.s32 $0xA0, s17;
	s20 =	rddreg [dreg:$0x6]  }
0x139: {  	[spmem:s2] =	stream.indirect.scatter.add.f32 [tilespmem:s20], [sflag:$0x1], $0x20, s30, s12, $0xb8;
	[tilespmem:$0x1C110] =	vst v63  }
0x13a: {  	s21 =	sadd.s32 $0xF0, s17;
	s31 =	rddreg [dreg:$0x7]  }
0x13b: {  	[spmem:s2] =	stream.indirect.scatter.add.f32 [tilespmem:s31], [sflag:$0x1], $0x20, s21, s12, $0xb8;
	[tilespmem:$0x1C110] =	vst v63  }
0x13c: {  	s23 =	sadd.s32 $0x140, s17;
	s22 =	rddreg [dreg:$0x8]  }
0x13d: {  	[spmem:s2] =	stream.indirect.scatter.add.f32 [tilespmem:s22], [sflag:$0x1], $0x20, s23, s12, $0xb8;
	[tilespmem:$0x1C110] =	vst v63  }
0x13e: {  	s25 =	sadd.s32 $0x190, s17;
	s24 =	rddreg [dreg:$0x9]  }
0x13f: {  	[spmem:s2] =	stream.indirect.scatter.add.f32 [tilespmem:s24], [sflag:$0x1], $0x20, s25, s12, $0xb8;
	[tilespmem:$0x1C110] =	vst v63  }
0x140: {  	s26 =	rddreg [dreg:$0xa];
	s28 =	sadd.s32 $0x1E0, s17  }
0x141: {  	[spmem:s2] =	stream.indirect.scatter.add.f32 [tilespmem:s26], [sflag:$0x1], $0x20, s28, s12, $0xb8;
	[tilespmem:$0x1C110] =	vst v63  }
0x142: {  	s29 =	rddreg [dreg:$0xb];
	s30 =	sadd.s32 $0x230, s17  }
0x143: {  	[spmem:s2] =	stream.indirect.scatter.add.f32 [tilespmem:s29], [sflag:$0x1], $0x20, s30, s12, $0xb8;
	[tilespmem:$0x1C110] =	vst v63  }
0x144: {  	s31 =	rddreg [dreg:$0xc];
	s21 =	sadd.s32 $0x280, s17  }
0x145: {  	[spmem:s2] =	stream.indirect.scatter.add.f32 [tilespmem:s31], [sflag:$0x1], $0x20, s21, s12, $0xb8;
	[tilespmem:$0x1C110] =	vst v63  }
0x146: {  	s22 =	rddreg [dreg:$0xd];
	s23 =	sadd.s32 $0x2D0, s17  }
0x147: {  	[spmem:s2] =	stream.indirect.scatter.add.f32 [tilespmem:s22], [sflag:$0x1], $0x20, s23, s12, $0xb8;
	[tilespmem:$0x1C110] =	vst v63  }
0x148: {  	s24 =	rddreg [dreg:$0xe];
	s25 =	sadd.s32 $0x320, s17  }
0x149: {  	[spmem:s2] =	stream.indirect.scatter.add.f32 [tilespmem:s24], [sflag:$0x1], $0x20, s25, s12, $0xb8;
	[tilespmem:$0x1C110] =	vst v63  }
0x14a: {  	s26 =	rddreg [dreg:$0xf];
	s28 =	sadd.s32 $0x370, s17  }
0x14b: {  	[spmem:s2] =	stream.indirect.scatter.add.f32 [tilespmem:s26], [sflag:$0x1], $0x20, s28, s12, $0xb8;
	[tilespmem:$0x1C110] =	vst v63  }
0x14c: {  	s29 =	rddreg [dreg:$0x10];
	s30 =	sadd.s32 $0x3C0, s17  }
0x14d: {  	[spmem:s2] =	stream.indirect.scatter.add.f32 [tilespmem:s29], [sflag:$0x1], $0x20, s30, s12, $0xb8;
	[tilespmem:$0x1C110] =	vst v63  }
0x14e: {  	s31 =	rddreg [dreg:$0x11];
	s21 =	sadd.s32 $0x410, s17  }
0x14f: {  	[spmem:s2] =	stream.indirect.scatter.add.f32 [tilespmem:s31], [sflag:$0x1], $0x20, s21, s12, $0xb8;
	[tilespmem:$0x1C110] =	vst v63  }
0x150: {  	s22 =	rddreg [dreg:$0x12];
	s23 =	sadd.s32 $0x460, s17  }
0x151: {  	[spmem:s2] =	stream.indirect.scatter.add.f32 [tilespmem:s22], [sflag:$0x1], $0x20, s23, s12, $0xb8;
	[tilespmem:$0x1C110] =	vst v63  }
0x152: {  	s24 =	rddreg [dreg:$0x13];
	s25 =	sadd.s32 $0x4B0, s17  }
0x153: {  	[spmem:s2] =	stream.indirect.scatter.add.f32 [tilespmem:s24], [sflag:$0x1], $0x20, s25, s12, $0xb8;
	[tilespmem:$0x1C110] =	vst v63  }
0x154: {  	s26 =	rddreg [dreg:$0x14];
	s28 =	sadd.s32 $0x500, s17  }
0x155: {  	[spmem:s2] =	stream.indirect.scatter.add.f32 [tilespmem:s26], [sflag:$0x1], $0x20, s28, s12, $0xb8;
	[tilespmem:$0x1C110] =	vst v63  }
0x156: {  	s29 =	rddreg [dreg:$0x15];
	s30 =	sadd.s32 $0x550, s17  }
0x157: {  	[spmem:s2] =	stream.indirect.scatter.add.f32 [tilespmem:s29], [sflag:$0x1], $0x20, s30, s12, $0xb8;
	[tilespmem:$0x1C110] =	vst v63  }
0x158: {  	s31 =	rddreg [dreg:$0x16];
	s21 =	sadd.s32 $0x5A0, s17  }
0x159: {  	[spmem:s2] =	stream.indirect.scatter.add.f32 [tilespmem:s31], [sflag:$0x1], $0x20, s21, s12, $0xb8;
	[tilespmem:$0x1C110] =	vst v63  }
0x15a: {  	s22 =	rddreg [dreg:$0x17];
	s23 =	sadd.s32 $0x5F0, s17  }
0x15b: {  	[spmem:s2] =	stream.indirect.scatter.add.f32 [tilespmem:s22], [sflag:$0x1], $0x20, s23, s12, $0xb8;
	[tilespmem:$0x1C110] =	vst v63  }
0x15c: {  	s24 =	rddreg [dreg:$0x18];
	s25 =	sadd.s32 $0x640, s17  }
0x15d: {  	[spmem:s2] =	stream.indirect.scatter.add.f32 [tilespmem:s24], [sflag:$0x1], $0x20, s25, s12, $0xb8;
	[tilespmem:$0x1C110] =	vst v63  }
0x15e: {  	s26 =	rddreg [dreg:$0x19];
	s28 =	sadd.s32 $0x690, s17  }
0x15f: {  	[spmem:s2] =	stream.indirect.scatter.add.f32 [tilespmem:s26], [sflag:$0x1], $0x20, s28, s12, $0xb8;
	[tilespmem:$0x1C110] =	vst v63  }
0x160: {  	s29 =	rddreg [dreg:$0x1a];
	s30 =	sadd.s32 $0x6E0, s17  }
0x161: {  	[spmem:s2] =	stream.indirect.scatter.add.f32 [tilespmem:s29], [sflag:$0x1], $0x20, s30, s12, $0xb8;
	[tilespmem:$0x1C110] =	vst v63  }
0x162: {  	s31 =	sadd.s32 $0x730, s17  }
0x163: {  	[spmem:s2] =	stream.indirect.scatter.add.f32 [tilespmem:s13], [sflag:$0x1], $0x20, s31, s12, $0xb8;
	[tilespmem:$0x1C110] =	vst v63  }
0x164: {  	s17 =	sadd.s32 $0x780, s17  }
0x165: {  	[spmem:s2] =	stream.indirect.scatter.add.f32 [tilespmem:s14], [sflag:$0x1], $0x20, s17, s12, $0xb8;
	[tilespmem:$0x1C110] =	vst v63  }
0x166: {  	_ =	swait.ge [sflag:s15], $0xA00  }
0x167: {  	[sflag:s15] =	ssyncset.done $0x0  }
0x168: {  	[sflag:s15] =	ssyncadd.s32 $0xFFFFF600  }
0x169: {  	_ =	swait.ge [sflag:s15], $0xA00  }
0x16a: {  	[sflag:s15] =	ssyncset.done $0x0  }
0x16b: {  	[sflag:s15] =	ssyncadd.s32 $0xFFFFF600  }
0x16c: {  	_ =	swait.ge [sflag:s15], $0xA00  }
0x16d: {  	[sflag:s15] =	ssyncset.done $0x0  }
0x16e: {  	[sflag:s15] =	ssyncadd.s32 $0xFFFFF600  }
0x16f: {  	_ =	swait.ge [sflag:s15], $0xA00  }
0x170: {  	[sflag:s15] =	ssyncset.done $0x0  }
0x171: {  	[sflag:s15] =	ssyncadd.s32 $0xFFFFF600  }
0x172: {  	_ =	swait.ge [sflag:s15], $0xA00  }
0x173: {  	[sflag:s15] =	ssyncset.done $0x0  }
0x174: {  	[sflag:s15] =	ssyncadd.s32 $0xFFFFF600  }
0x175: {  	_ =	swait.ge [sflag:s15], $0xA00  }
0x176: {  	[sflag:s15] =	ssyncset.done $0x0  }
0x177: {  	[sflag:s15] =	ssyncadd.s32 $0xFFFFF600  }
0x178: {  	_ =	swait.ge [sflag:s15], $0xA00  }
0x179: {  	[sflag:s15] =	ssyncset.done $0x0  }
0x17a: {  	[sflag:s15] =	ssyncadd.s32 $0xFFFFF600  }
0x17b: {  	_ =	swait.ge [sflag:s15], $0xA00  }
0x17c: {  	[sflag:s15] =	ssyncset.done $0x0  }
0x17d: {  	[sflag:s15] =	ssyncadd.s32 $0xFFFFF600  }
0x17e: {  	_ =	swait.ge [sflag:s15], $0xA00  }
0x17f: {  	[sflag:s15] =	ssyncset.done $0x0  }
0x180: {  	[sflag:s15] =	ssyncadd.s32 $0xFFFFF600  }
0x181: {  	_ =	swait.ge [sflag:s15], $0xA00  }
0x182: {  	[sflag:s15] =	ssyncset.done $0x0  }
0x183: {  	[sflag:s15] =	ssyncadd.s32 $0xFFFFF600  }
0x184: {  	_ =	swait.ge [sflag:s15], $0xA00  }
0x185: {  	[sflag:s15] =	ssyncset.done $0x0  }
0x186: {  	[sflag:s15] =	ssyncadd.s32 $0xFFFFF600  }
0x187: {  	_ =	swait.ge [sflag:s15], $0xA00  }
0x188: {  	[sflag:s15] =	ssyncset.done $0x0  }
0x189: {  	[sflag:s15] =	ssyncadd.s32 $0xFFFFF600  }
0x18a: {  	_ =	swait.ge [sflag:s15], $0xA00  }
0x18b: {  	[sflag:s15] =	ssyncset.done $0x0  }
0x18c: {  	[sflag:s15] =	ssyncadd.s32 $0xFFFFF600  }
0x18d: {  	_ =	swait.ge [sflag:s15], $0xA00  }
0x18e: {  	[sflag:s15] =	ssyncset.done $0x0  }
0x18f: {  	[sflag:s15] =	ssyncadd.s32 $0xFFFFF600  }
0x190: {  	_ =	swait.ge [sflag:s15], $0xA00  }
0x191: {  	[sflag:s15] =	ssyncset.done $0x0  }
0x192: {  	[sflag:s15] =	ssyncadd.s32 $0xFFFFF600  }
0x193: {  	_ =	swait.ge [sflag:s15], $0xA00  }
0x194: {  	[sflag:s15] =	ssyncset.done $0x0  }
0x195: {  	[sflag:s15] =	ssyncadd.s32 $0xFFFFF600  }
0x196: {  	_ =	swait.ge [sflag:s15], $0xA00  }
0x197: {  	[sflag:s15] =	ssyncset.done $0x0  }
0x198: {  	[sflag:s15] =	ssyncadd.s32 $0xFFFFF600  }
0x199: {  	_ =	swait.ge [sflag:s15], $0xA00  }
0x19a: {  	[sflag:s15] =	ssyncset.done $0x0  }
0x19b: {  	[sflag:s15] =	ssyncadd.s32 $0xFFFFF600  }
0x19c: {  	_ =	swait.ge [sflag:s15], $0xA00  }
0x19d: {  	[sflag:s15] =	ssyncset.done $0x0  }
0x19e: {  	[sflag:s15] =	ssyncadd.s32 $0xFFFFF600  }
0x19f: {  	_ =	swait.ge [sflag:s15], $0xA00  }
0x1a0: {  	[sflag:s15] =	ssyncset.done $0x0  }
0x1a1: {  	[sflag:s15] =	ssyncadd.s32 $0xFFFFF600  }
0x1a2: {  	_ =	swait.ge [sflag:s15], $0xA00  }
0x1a3: {  	[sflag:s15] =	ssyncset.done $0x0  }
0x1a4: {  	[sflag:s15] =	ssyncadd.s32 $0xFFFFF600  }
0x1a5: {  	_ =	swait.ge [sflag:s15], $0xA00  }
0x1a6: {  	[sflag:s15] =	ssyncset.done $0x0  }
0x1a7: {  	[sflag:s15] =	ssyncadd.s32 $0xFFFFF600  }
0x1a8: {  	_ =	swait.ge [sflag:s15], $0xA00  }
0x1a9: {  	[sflag:s15] =	ssyncset.done $0x0  }
0x1aa: {  	[sflag:s15] =	ssyncadd.s32 $0xFFFFF600  }
0x1ab: {  	_ =	swait.ge [sflag:s15], $0xA00  }
0x1ac: {  	[sflag:s15] =	ssyncset.done $0x0  }
0x1ad: {  	[sflag:s15] =	ssyncadd.s32 $0xFFFFF600  }
0x1ae: {  	_ =	swait.ge [sflag:s15], $0xA00  }
0x1af: {  	[sflag:s15] =	ssyncset.done $0x0  }
0x1b0: {  	[sflag:s15] =	ssyncadd.s32 $0xFFFFF600  }
0x1b1: {  	[bflag:$0x0] =	sbarrier.arrive $0xFFFF  }
0x1b2: {  	[tilespmem:s9], [sflag:$0x2] =	stream.linear.gather [spmem:s5], $0x5000, $0x38;
	[tilespmem:$0x1C110] =	vst v63  }
0x1b3: {  	s16 =	sadd.s32 $0x1, s16;
	_ =	swait.ge [sflag:s10], $0x5000  }
0x1b4: {  	p0 =	sne.s32 s16, s8;
	[sflag:s10] =	ssyncset.done $0x0  }
.Ltmp1:
0x1b5: {  	[sflag:s10] =	ssyncadd.s32 $0xFFFFB000;
	(pc) =	sbr.rel @p0 .LBB2_1-.Ltmp1, $4  }
0x1b6: {  	[hbm4b:s7+s3] =	stream.linear.scatter [tilespmem:s9], [sflag:$0x2], $0x5000, $0x38;
	[tilespmem:$0x1C110] =	vst v63  }
0x1b7: {  	_ =	swait.ge [sflag:s10], $0x5000  }
0x1b8: {  	[sflag:s10] =	ssyncset.done $0x0  }
0x1b9: {  	[sflag:s10] =	ssyncadd.s32 $0xFFFFB000  }
0x1ba: {  	_ =	sfence.sel $0x180000  }
0x1bb: {  	[bflag:$0x0] =	sbarrier.arrive $0xFFFF  }
0x1bc: {  	p0 =	sne.s32 s0, $0x0;
	_ =	strace $0x9000004A  }
0x1bd: {  	s0 =	sadd.s32 @!p0 $0x100000, s1;
	[bflag:$0x2] =	sbarrier.arrive $0xFFFF  }
0x1be: {  	[sflag:s0] =	ssyncadd.tile.s32 @!p0 $0x1;
	_ =	shalt  }
.Lfunc_end2:
_tile_overlayer_lowered:
.L_overlay_start_2:
0x1bf: {  	(tag) =	ssettag $0x2  }
0x1c0: {  	s0 =	rddreg [dreg:$0x0];
	s2 =	stileid.u32  }
0x1c1: {  	s1 =	rddreg [dreg:$0x1];
	p0 =	sne.s32 s2, $0x0  }
0x1c2: {  	s3 =	rddreg [dreg:$0x2];
	[bflag:$0x3] =	sbarrier.arrive $0xFFFF;
	s2 =	simm.s32 @!p0 $0x1C02  }
0x1c3: {  	[timem:s3], [sflag:s2] =	dma.local @!p0 [hbm:s0], s1  }
0x1c4: {  	s0 =	simm.s32 @!p0 $0x2  }
0x1c5: {  	_ =	swait.ge @!p0 [sflag:s0], s1  }
0x1c6: {  	s1 =	ssub.s32 @!p0 $0x0, s1;
	[sflag:s0] =	ssyncset.done @!p0 $0x0  }
0x1c7: {  	[sflag:s0] =	ssyncadd.s32 @!p0 s1  }
0x1c8: {  	[bflag:$0x3] =	sbarrier.arrive $0xFFFF  }
0x1c9: {  	_ =	shalt  }

// kernel: kernel.7.cloned.1.call-start
scs
__scs_entry_jumppad:
0x0: {  	(pc) =	sbr.rel $0x88, $3  }
0x1: {  	(tag) =	ssettag $0x0;
	lr =	simm.s32 $0x1  }
0x2: {  	[smem:$0x3F7F] =	sst lr;
	_ =	strace $0xD0000000  }
0x3: {  	_ = 	snop  }
0x4: {  	_ = 	snop  }
0x5: {  	_ = 	snop  }
0x6: {  	_ = 	snop  }
0x7: {  	_ = 	snop  }
__scs_overlays_trampoline_lowered:
0x8: {  	[smem:$0x3F8E] =	sst s0  }
0x9: {  	[smem:$0x3F8F] =	sst s1  }
0xa: {  	[smem:$0x3F90] =	sst s2  }
0xb: {  	[smem:$0x3F91] =	sst s3  }
0xc: {  	[smem:$0x3F92] =	sst s4  }
0xd: {  	[smem:$0x3F93] =	sst s5  }
0xe: {  	[smem:$0x3F94] =	sst s6  }
0xf: {  	[smem:$0x3F95] =	sst s7  }
0x10: {  	[smem:$0x3F96] =	sst s8  }
0x11: {  	[smem:$0x3F97] =	sst s9;
	s0 =	simm.s32 @!p0 $0x0  }
0x12: {  	s1 =	sld [smem:$0x3F7D];
	s0 =	simm.s32 @p0 $0x1  }
0x13: {  	[smem:$0x3F98] =	sst s0;
	s0 =	simm.s32 @!p1 $0x0  }
0x14: {  	s2 =	sld [smem:$0x3F7C];
	s0 =	simm.s32 @p1 $0x1  }
0x15: {  	[smem:$0x3F99] =	sst s0;
	s0 =	simm.s32 @!p2 $0x0  }
0x16: {  	s3 =	sld [smem:$0x3FDB];
	s0 =	simm.s32 @p2 $0x1  }
0x17: {  	s4 =	simm.s32 $0x1BF5;
	[smem:$0x3F9B] =	sst s0  }
0x18: {  	s0 =	sld [smem:$0x3F7E];
	_ =	swait.ge [sflag:s4], $0x0  }
0x19: {  	s7 =	sld [smem:$0x3F7F]  }
0x1a: {  	s8 =	sadd.s32 $0xFFFFE003, lr  }
0x1b: {  	s9 =	sadd.s32 $0xFFFFFEF7, lr;
	s5 =	simm.s32 $0xFFFFFFFF;
	p2 =	slt.u32 s8, $0xFFFFF086  }
0x1c: {  	p1 =	slt.u32 s9, $0xF7A;
	s5 =	simm.s32 @!p2 $0x0  }
0x1d: {  	s5 =	simm.s32 @p1 $0x1;
	p0 =	seq.s32 s7, s2  }
0x1e: {  	s7 =	smul.u32 @!p0 $0xF7A, s2;
	p2 =	seq.s32 @!p0 s5, $0x0  }
0x1f: {  	s9 =	smul.u32 $0xF7A, s1;
	s8 =	simm.s32 @!p0 $0x1BF5;
	p2 =	por !p2, p0  }
0x20: {  	[sflag:s8] =	ssyncset.s32 @!p0 $0xFFFFF086;
	s6 =	sadd.s32 @!p0 s3, s7;
	s7 =	simm.s32 @!p0 $0x108  }
0x21: {  	s3 =	sadd.s32 s3, s9;
	s6 =	sadd.s32 @!p0 $0x88, s6;
	s7 =	simm.s32 @p2 $0x1082  }
0x22: {  	[simem:s7], [sflag:s8] =	dma.local @!p0 [hbm:s6], $0xF7A  }
0x23: {  	s9 =	sor.u32 $0xD0000000, s2;
	s6 =	simm.s32 $0x108;
	_ =	swait.ge @!p0 [sflag:s8], $0x0  }
0x24: {  	s3 =	sadd.s32 $0x88, s3;
	s6 =	simm.s32 @!p1 $0x1082;
	[sflag:s4] =	ssyncset.s32 $0xFFFFF086  }
0x25: {  	[simem:s6], [sflag:s4] =	dma.local [hbm:s3], $0xF7A  }
0x26: {  	[smem:$0x3F7F] =	sst s1;
	(tag) =	ssettag s2;
	_ =	strace s9  }
0x27: {  	s1 =	sld [smem:$0x3F8F]  }
0x28: {  	s2 =	sld [smem:$0x3F90]  }
0x29: {  	s4 =	sld [smem:$0x3F92]  }
0x2a: {  	p0 =	seq.s32 s5, $0x0;
	s5 =	sld [smem:$0x3F93]  }
0x2b: {  	s6 =	sld [smem:$0x3F94]  }
0x2c: {  	s7 =	sld [smem:$0x3F95]  }
0x2d: {  	s3 =	simm.s32 $0x108;
	s8 =	sld [smem:$0x3F96]  }
0x2e: {  	s3 =	simm.s32 @!p0 $0x1082;
	s9 =	sld [smem:$0x3F97]  }
0x2f: {  	lr =	sadd.s32 s0, s3;
	s0 =	sld [smem:$0x3F8E]  }
0x30: {  	s3 =	sld [smem:$0x3F91]  }
0x31: {  	[smem:$0x3F9A] =	sst s10  }
0x32: {  	s10 =	sld [smem:$0x3F98];
	_ =	sdelay $0x3  }
0x33: {  	p0 =	seq.s32 s10, $0x1;
	s10 =	sld [smem:$0x3F9A];
	_ =	sdelay $0x3  }
0x34: {  	[smem:$0x3F9A] =	sst s10  }
0x35: {  	s10 =	sld [smem:$0x3F99];
	_ =	sdelay $0x3  }
0x36: {  	p1 =	seq.s32 s10, $0x1;
	s10 =	sld [smem:$0x3F9A];
	_ =	sdelay $0x3  }
0x37: {  	[smem:$0x3F9A] =	sst s10  }
0x38: {  	s10 =	sld [smem:$0x3F9B]  }
0x39: {  	_ = 	snop;
	(pc) =	sbr.ind lr, $3  }
0x3a: {  	_ = 	snop  }
0x3b: {  	_ = 	snop  }
0x3c: {  	p2 =	seq.s32 s10, $0x1;
	s10 =	sld [smem:$0x3F9A]  }
0x3d: {  	_ =	shalt  }
0x3e: {  	_ =	shalt  }
0x3f: {  	_ =	shalt  }
0x40: {  	_ =	shalt  }
0x41: {  	_ =	shalt  }
0x42: {  	_ =	shalt  }
0x43: {  	_ =	shalt  }
0x44: {  	_ =	shalt  }
0x45: {  	_ =	shalt  }
0x46: {  	_ =	shalt  }
0x47: {  	_ =	shalt  }
0x48: {  	_ =	shalt  }
0x49: {  	_ =	shalt  }
0x4a: {  	_ =	shalt  }
0x4b: {  	_ =	shalt  }
0x4c: {  	_ =	shalt  }
0x4d: {  	_ =	shalt  }
0x4e: {  	_ =	shalt  }
0x4f: {  	_ =	shalt  }
0x50: {  	_ =	shalt  }
0x51: {  	_ =	shalt  }
0x52: {  	_ =	shalt  }
0x53: {  	_ =	shalt  }
0x54: {  	_ =	shalt  }
0x55: {  	_ =	shalt  }
0x56: {  	_ =	shalt  }
0x57: {  	_ =	shalt  }
0x58: {  	_ =	shalt  }
0x59: {  	_ =	shalt  }
0x5a: {  	_ =	shalt  }
0x5b: {  	_ =	shalt  }
0x5c: {  	_ =	shalt  }
0x5d: {  	_ =	shalt  }
0x5e: {  	_ =	shalt  }
0x5f: {  	_ =	shalt  }
0x60: {  	_ =	shalt  }
0x61: {  	_ =	shalt  }
0x62: {  	_ =	shalt  }
0x63: {  	_ =	shalt  }
0x64: {  	_ =	shalt  }
0x65: {  	_ =	shalt  }
0x66: {  	_ =	shalt  }
0x67: {  	_ =	shalt  }
0x68: {  	_ =	shalt  }
0x69: {  	_ =	shalt  }
0x6a: {  	_ =	shalt  }
0x6b: {  	_ =	shalt  }
0x6c: {  	_ =	shalt  }
0x6d: {  	_ =	shalt  }
0x6e: {  	_ =	shalt  }
0x6f: {  	_ =	shalt  }
0x70: {  	_ =	shalt  }
0x71: {  	_ =	shalt  }
0x72: {  	_ =	shalt  }
0x73: {  	_ =	shalt  }
0x74: {  	_ =	shalt  }
0x75: {  	_ =	shalt  }
0x76: {  	_ =	shalt  }
0x77: {  	_ =	shalt  }
0x78: {  	_ =	shalt  }
0x79: {  	_ =	shalt  }
0x7a: {  	_ =	shalt  }
0x7b: {  	_ =	shalt  }
0x7c: {  	_ =	shalt  }
0x7d: {  	_ =	shalt  }
0x7e: {  	_ =	shalt  }
0x7f: {  	_ =	shalt  }
0x80: {  	_ =	shalt  }
0x81: {  	_ =	shalt  }
0x82: {  	_ =	shalt  }
0x83: {  	_ =	shalt  }
0x84: {  	_ =	shalt  }
0x85: {  	_ =	shalt  }
0x86: {  	_ =	shalt  }
0x87: {  	_ =	shalt  }
.Lfunc_end0:
.L_simem_size_0:
called_computation_lowered:
.L_overlay_start_0:
0x88: {  	s2 =	sld [smem:$0x3FD9]  }
0x89: {  	s3 =	sld [smem:$0x3FFE];
	_ =	sdelay $0x1  }
0x8a: {  	s1 =	srdreg.scid  }
0x8b: {  	s0 =	sand.u32 $0x1, s1  }
0x8c: {  	s14 =	sshll.u32 s0, $0xA;
	s2 =	sadd.s32 s3, s2  }
0x8d: {  	s2 =	sadd.s32 s2, s14  }
0x8e: {  	[smem:$0x3FA6] =	sst s2  }
0x8f: {  	_ = 	snop  }
0x90: {  	s2 =	sld [smem:$0x3FD0];
	_ =	sdelay $0x2  }
0x91: {  	s15 =	simm.s32 $0xA;
	s4 =	simm.s32 $0x10  }
0x92: {  	[smem:s4], [sflag:s15] =	dma.local [hbm:s2], $0x1  }
0x93: {  	_ =	swait.eq [sflag:s15], $0x1  }
0x94: {  	[sflag:s15] =	ssyncset.done $0x0  }
0x95: {  	s16 =	sld [smem:$0x10];
	[sflag:s15] =	ssyncadd.s32 $0xFFFFFFFF  }
0x96: {  	s17 =	sld [smem:$0x11];
	(tm) =	ssettm $0x1  }
0x97: {  	s18 =	sld [smem:$0x3FFB];
	_ =	sdelay $0x3  }
0x98: {  	_ =	strace s18  }
0x99: {  	s4 =	sld [smem:$0x3FFC];
	_ =	sdelay $0x3  }
0x9a: {  	_ =	strace s4  }
0x9b: {  	s4 =	sld [smem:$0x3FFD];
	_ =	sdelay $0x3  }
0x9c: {  	_ =	strace s4  }
0x9d: {  	_ =	strace $0x8FFFFFFF  }
0x9e: {  	s19 =	sld [smem:$0x3FDB];
	_ =	sdelay $0x1  }
0x9f: {  	s5 =	simm.s32 $_scs_section_size  }
0xa0: {  	s6 =	simm.s32 $_size__tile_overlayer_lowered;
	s7 =	simm.s32 $_tile_overlayer_lowered  }
0xa1: {  	s22 =	simm.s32 $0x1BFF;
	s21 =	sshll.u32 s7, $0x1;
	s4 =	sadd.s32 s5, s19  }
0xa2: {  	s8 =	simm.s32 $0x0;
	s20 =	sshll.u32 s6, $0x1;
	s6 =	sadd.s32 s21, s4  }
0xa3: {  	[timem:s8], [sflag:s22] =	dma.local [hbm:s6], s20  }
0xa4: {  	_ =	swait.ge [sflag:s22], s20  }
0xa5: {  	s5 =	ssub.s32 $0x0, s20;
	[sflag:s22] =	ssyncset.done $0x0  }
0xa6: {  	[sflag:s22] =	ssyncadd.s32 s5;
	_ =	sdelay $0x1  }
0xa7: {  	s23 =	simm.s32 $0x1B8B  }
0xa8: {  	_ =	swait.ge [sflag:s23], $0x1  }
0xa9: {  	[sflag:s23] =	ssyncset.done $0x0  }
0xaa: {  	s25 =	simm.s32 $0x1B8E;
	s24 =	sld [smem:$0x3FFE];
	[sflag:s23] =	ssyncadd.s32 $0xFFFFFFFF  }
0xab: {  	s26 =	simm.s32 $execute0_lowered;
	[smem:$0x3FD2] =	sst s25  }
0xac: {  	s6 =	sshll.u32 s26, $0x1;
	_ =	strace $0x80000046;
	[dreg:$0x1] =	wrdreg $0xFFFFFFFF  }
0xad: {  	s28 =	simm.s32 $_size_execute0_lowered;
	s4 =	sadd.s32 s4, s6;
	[dreg:$0x0] =	wrdreg $0x0  }
0xae: {  	s6 =	sshll.u32 s28, $0x1;
	[dreg:$0x2] =	wrdreg s4  }
0xaf: {  	[dreg:$0x3] =	wrdreg s6  }
0xb0: {  	[dreg:$0x4] =	wrdreg $0xC0  }
0xb1: {  	_ =	task [dreg:s8], $0x5FFFF  }
0xb2: {  	[dreg:$0x1] =	wrdreg $0xFFFFFFFF  }
0xb3: {  	[dreg:$0x0] =	wrdreg $0x60  }
0xb4: {  	[dreg:$0x2] =	wrdreg s16  }
0xb5: {  	[dreg:$0x3] =	wrdreg s17  }
0xb6: {  	[dreg:$0x4] =	wrdreg s24  }
0xb7: {  	[dreg:$0x5] =	wrdreg $0x9  }
0xb8: {  	_ =	task.clear_ibuf [dreg:s8], $0x6FFFF;
	_ =	strace $0x90000046  }
0xb9: {  	s29 =	simm.s32 $0x9;
	_ =	strace $0x80000048  }
0xba: {  	_ =	swait.ge [sflag:s29], $0x1  }
0xbb: {  	[sflag:s29] =	ssyncadd.s32 $0xFFFFFFFF  }
0xbc: {  	_ =	strace $0x90000048  }
0xbd: {  	_ =	sfence  }
0xbe: {  	s30 =	sld [smem:$0x0];
	_ =	sdelay $0x2  }
0xbf: {  	s31 =	sshll.u32 s1, $0xD;
	s1 =	sshrl.u32 s1, $0x2  }
0xc0: {  	s3 =	sand.u32 $0x4000, s31;
	s1 =	sadd.s32 s1, s30  }
0xc1: {  	s0 =	sor.u32 s3, s0;
	s1 =	sshll.u32 s1, $0x11  }
0xc2: {  	s0 =	sor.u32 s1, s0  }
0xc3: {  	s0 =	sadd.s32 $0x8F2B, s0  }
0xc4: {  	[sflag:s0] =	ssyncadd.remote.s32 $0x1  }
0xc5: {  	_ =	sfence.sel $0xFFFF  }
0xc6: {  	[dreg:$0x0] =	wrdreg $0xFFFFFFFF;
	(pc) =	sbr.abs _section_cstart, $3  }
0xc7: {  	[dreg:$0x1] =	wrdreg $0xFFFFFFFF  }
0xc8: {  	_ =	task.clear_ibuf [dreg:s8], $0x2FFFF;
	_ =	strace $0x9FFFFFFF  }
0xc9: {  	(tm) =	ssettm $0x7FFFFFFF  }
tec
execute0_lowered:
.L_overlay_start_1:
0x0: {  	(tag) =	ssettag $0x1  }
0x1: {  	s1 =	rddreg [dreg:$0x0]  }
0x2: {  	s2 =	rddreg [dreg:$0x1]  }
0x3: {  	s0 =	rddreg [dreg:$0x2];
	s4 =	simm.s32 $0x0;
	s3 =	srdreg.scid  }
0x4: {  	s10 =	stileid.u32;
	s11 =	simm.s32 $0x3;
	s12 =	simm.s32 $0x1000  }
0x5: {  	s13 =	simm.s32 $0x50;
	s14 =	simm.s32 $0x2000;
	s15 =	simm.s32 $0xE800  }
0x6: {  	s16 =	simm.s32 $0x4800;
	s17 =	simm.s32 $0x11000;
	s18 =	simm.s32 $0x7000  }
0x7: {  	s19 =	simm.s32 $0x13800;
	s20 =	simm.s32 $0x9800;
	s21 =	simm.s32 $0x16000  }
0x8: {  	s22 =	simm.s32 $0xC000;
	s3 =	sand.u32 $0x1, s3;
	s7 =	smul.u32 $0x271000, s10  }
0x9: {  	s23 =	simm.s32 $0x18800;
	s24 =	simm.s32 $0x1;
	s8 =	smul.u32 $0x138800, s3  }
0xa: {  	s25 =	simm.s32 $0x2;
	[smem:$0x7FF] =	sst s4;
	s9 =	ssub.s32 $0x2, s3  }
0xb: {  	s5 =	sadd.s32 $0x10000, s0;
	s29 =	sshrl.u32 s9, $0x1;
	s7 =	sadd.s32 s8, s7  }
0xc: {  	s6 =	sadd.s32 $0x24000, s0;
	s8 =	ssub.s32 s9, s29;
	s7 =	sshrl.u32 s7, $0x3  }
0xd: {  	s10 =	sshll.u32 s10, $0x1;
	s30 =	smax.u32 s8, $0x1;
	s0 =	sadd.s32 s7, s0  }
0xe: {  	_ =	strace $0x80000047;
	[dreg:$0x4] =	wrdreg s30;
	s31 =	sadd.s32 $0x51A000, s0  }
0xf: {  	s3 =	sor.u32 s3, s10;
	s0 =	sadd.s32 $0x38000, s0;
	[dreg:$0x5] =	wrdreg s31  }
0x10: {  	s26 =	simm.s32 $0x0;
	s7 =	smul.u32 $0x5000, s3;
	[dreg:$0x6] =	wrdreg s0  }
.LBB2_1:
0x11: {  	s28 =	rddreg [dreg:$0x6]  }
0x12: {  	s29 =	rddreg [dreg:$0x5];
	s30 =	simm.s32 $0x0  }
.LBB2_2:
0x13: {  	s0 =	sshll.u32 s30, $0xC  }
0x14: {  	s0 =	sadd.s32 s7, s0  }
0x15: {  	s0 =	sshrl.u32 s0, $0x3  }
0x16: {  	s8 =	simm.s32 $0x0;
	s3 =	sadd.s32 s5, s0  }
0x17: {  	[tilespmem:s8], [sflag:$0x3] =	stream.linear.gather [hbm4b:s3+s8], $0xC80, $0x38;
	[tilespmem:$0x1B000] =	vst v63  }
0x18: {  	_ =	swait.ge [sflag:s11], $0xC80  }
0x19: {  	[sflag:s11] =	ssyncset.done $0x0  }
0x1a: {  	s0 =	sadd.s32 s6, s0;
	[sflag:s11] =	ssyncadd.s32 $0xFFFFF380  }
0x1b: {  	[tilespmem:s12], [sflag:$0x3] =	stream.linear.gather [hbm4b:s0+s8], $0xC80, $0x38;
	[tilespmem:$0x1B000] =	vst v63  }
0x1c: {  	_ =	swait.ge [sflag:s11], $0xC80  }
0x1d: {  	[sflag:s11] =	ssyncset.done $0x0  }
0x1e: {  	s9 =	simm.s32 $0x0;
	[sflag:s11] =	ssyncadd.s32 $0xFFFFF380  }
0x1f: {  	[tilespmem:s14], [sflag:$0x1] =	stream.indirect.gather [hbm4b:s1+s13], $0x80, s9, s13, $0xb8;
	[tilespmem:$0x1B000] =	vst v63  }
0x20: {  	s10 =	simm.s32 $0x1000  }
0x21: {  	[tilespmem:s15], [sflag:$0x1] =	stream.indirect.gather [hbm4b:s2+s13], $0x80, s10, s13, $0xb8;
	[tilespmem:$0x1B000] =	vst v63  }
0x22: {  	s3 =	simm.s32 $0x80  }
0x23: {  	[tilespmem:s16], [sflag:$0x1] =	stream.indirect.gather [hbm4b:s1+s13], $0x80, s3, s13, $0xb8;
	[tilespmem:$0x1B000] =	vst v63  }
0x24: {  	s8 =	simm.s32 $0x1080  }
0x25: {  	[tilespmem:s17], [sflag:$0x1] =	stream.indirect.gather [hbm4b:s2+s13], $0x80, s8, s13, $0xb8;
	[tilespmem:$0x1B000] =	vst v63  }
0x26: {  	s9 =	simm.s32 $0x100  }
0x27: {  	[tilespmem:s18], [sflag:$0x1] =	stream.indirect.gather [hbm4b:s1+s13], $0x80, s9, s13, $0xb8;
	[tilespmem:$0x1B000] =	vst v63  }
0x28: {  	s10 =	simm.s32 $0x1100  }
0x29: {  	[tilespmem:s19], [sflag:$0x1] =	stream.indirect.gather [hbm4b:s2+s13], $0x80, s10, s13, $0xb8;
	[tilespmem:$0x1B000] =	vst v63  }
0x2a: {  	s3 =	simm.s32 $0x180  }
0x2b: {  	[tilespmem:s20], [sflag:$0x1] =	stream.indirect.gather [hbm4b:s1+s13], $0x80, s3, s13, $0xb8;
	[tilespmem:$0x1B000] =	vst v63  }
0x2c: {  	s8 =	simm.s32 $0x1180  }
0x2d: {  	[tilespmem:s21], [sflag:$0x1] =	stream.indirect.gather [hbm4b:s2+s13], $0x80, s8, s13, $0xb8;
	[tilespmem:$0x1B000] =	vst v63  }
0x2e: {  	s9 =	simm.s32 $0x200  }
0x2f: {  	[tilespmem:s22], [sflag:$0x1] =	stream.indirect.gather [hbm4b:s1+s13], $0x80, s9, s13, $0xb8;
	[tilespmem:$0x1B000] =	vst v63  }
0x30: {  	s10 =	simm.s32 $0x1200  }
0x31: {  	[tilespmem:s23], [sflag:$0x1] =	stream.indirect.gather [hbm4b:s2+s13], $0x80, s10, s13, $0xb8;
	[tilespmem:$0x1B000] =	vst v63  }
0x32: {  	_ =	swait.ge [sflag:s24], $0x2800  }
0x33: {  	[sflag:s24] =	ssyncset.done $0x0  }
0x34: {  	[sflag:s24] =	ssyncadd.s32 $0xFFFFD800  }
0x35: {  	_ =	swait.ge [sflag:s24], $0x2800  }
0x36: {  	[sflag:s24] =	ssyncset.done $0x0  }
0x37: {  	[sflag:s24] =	ssyncadd.s32 $0xFFFFD800  }
0x38: {  	_ =	swait.ge [sflag:s24], $0x2800  }
0x39: {  	[sflag:s24] =	ssyncset.done $0x0  }
0x3a: {  	[sflag:s24] =	ssyncadd.s32 $0xFFFFD800  }
0x3b: {  	_ =	swait.ge [sflag:s24], $0x2800  }
0x3c: {  	[sflag:s24] =	ssyncset.done $0x0  }
0x3d: {  	[sflag:s24] =	ssyncadd.s32 $0xFFFFD800  }
0x3e: {  	_ =	swait.ge [sflag:s24], $0x2800  }
0x3f: {  	[sflag:s24] =	ssyncset.done $0x0  }
0x40: {  	[sflag:s24] =	ssyncadd.s32 $0xFFFFD800  }
0x41: {  	_ =	swait.ge [sflag:s24], $0x2800  }
0x42: {  	[sflag:s24] =	ssyncset.done $0x0  }
0x43: {  	[sflag:s24] =	ssyncadd.s32 $0xFFFFD800  }
0x44: {  	_ =	swait.ge [sflag:s24], $0x2800  }
0x45: {  	[sflag:s24] =	ssyncset.done $0x0  }
0x46: {  	[sflag:s24] =	ssyncadd.s32 $0xFFFFD800  }
0x47: {  	_ =	swait.ge [sflag:s24], $0x2800  }
0x48: {  	[sflag:s24] =	ssyncset.done $0x0  }
0x49: {  	[sflag:s24] =	ssyncadd.s32 $0xFFFFD800  }
0x4a: {  	_ =	swait.ge [sflag:s24], $0x2800  }
0x4b: {  	[sflag:s24] =	ssyncset.done $0x0  }
0x4c: {  	[sflag:s24] =	ssyncadd.s32 $0xFFFFD800  }
0x4d: {  	_ =	swait.ge [sflag:s24], $0x2800  }
0x4e: {  	[sflag:s24] =	ssyncset.done $0x0  }
0x4f: {  	[sflag:s24] =	ssyncadd.s32 $0xFFFFD800  }
0x50: {  	[hbm4b:s28+s4] =	stream.linear.scatter [tilespmem:s14], [sflag:$0x2], $0xC800, $0x38;
	[tilespmem:$0x1B000] =	vst v63  }
0x51: {  	_ = 	snop  }
0x52: {  	[hbm4b:s29+s4] =	stream.linear.scatter [tilespmem:s15], [sflag:$0x2], $0xC800, $0x38;
	[tilespmem:$0x1B000] =	vst v63  }
0x53: {  	_ =	swait.ge [sflag:s25], $0xC800  }
0x54: {  	[sflag:s25] =	ssyncset.done $0x0  }
0x55: {  	[sflag:s25] =	ssyncadd.s32 $0xFFFF3800  }
0x56: {  	s31 =	sadd.s32 $0x1900, s29;
	s0 =	sadd.s32 $0x1900, s28;
	_ =	swait.ge [sflag:s25], $0xC800  }
0x57: {  	s3 =	simm.s32 $0xA00;
	s8 =	simm.s32 $0x1400;
	[sflag:s25] =	ssyncset.done $0x0  }
.LBB2_3:
0x58: {  	s10 =	sshra.s32 s3, $0x2  }
0x59: {  	[sflag:s25] =	ssyncadd.s32 $0xFFFF3800;
	s3 =	smov.u32 s8;
	s9 =	sadd.s32 $0xA00, s8  }
0x5a: {  	[tilespmem:s14], [sflag:$0x1] =	stream.indirect.gather [hbm4b:s1+s13], $0x80, s10, s13, $0xb8;
	[tilespmem:$0x1B000] =	vst v63  }
0x5b: {  	p0 =	sne.s32 s8, $0x2800;
	s8 =	sadd.s32 $0x1000, s10  }
0x5c: {  	[tilespmem:s15], [sflag:$0x1] =	stream.indirect.gather [hbm4b:s2+s13], $0x80, s8, s13, $0xb8;
	[tilespmem:$0x1B000] =	vst v63  }
0x5d: {  	s8 =	sadd.s32 $0x80, s10  }
0x5e: {  	[tilespmem:s16], [sflag:$0x1] =	stream.indirect.gather [hbm4b:s1+s13], $0x80, s8, s13, $0xb8;
	[tilespmem:$0x1B000] =	vst v63  }
0x5f: {  	s8 =	sadd.s32 $0x1080, s10  }
0x60: {  	[tilespmem:s17], [sflag:$0x1] =	stream.indirect.gather [hbm4b:s2+s13], $0x80, s8, s13, $0xb8;
	[tilespmem:$0x1B000] =	vst v63  }
0x61: {  	s8 =	sadd.s32 $0x100, s10  }
0x62: {  	[tilespmem:s18], [sflag:$0x1] =	stream.indirect.gather [hbm4b:s1+s13], $0x80, s8, s13, $0xb8;
	[tilespmem:$0x1B000] =	vst v63  }
0x63: {  	s8 =	sadd.s32 $0x1100, s10  }
0x64: {  	[tilespmem:s19], [sflag:$0x1] =	stream.indirect.gather [hbm4b:s2+s13], $0x80, s8, s13, $0xb8;
	[tilespmem:$0x1B000] =	vst v63  }
0x65: {  	s8 =	sadd.s32 $0x180, s10  }
0x66: {  	[tilespmem:s20], [sflag:$0x1] =	stream.indirect.gather [hbm4b:s1+s13], $0x80, s8, s13, $0xb8;
	[tilespmem:$0x1B000] =	vst v63  }
0x67: {  	s8 =	sadd.s32 $0x1180, s10  }
0x68: {  	[tilespmem:s21], [sflag:$0x1] =	stream.indirect.gather [hbm4b:s2+s13], $0x80, s8, s13, $0xb8;
	[tilespmem:$0x1B000] =	vst v63  }
0x69: {  	s8 =	sadd.s32 $0x200, s10  }
0x6a: {  	[tilespmem:s22], [sflag:$0x1] =	stream.indirect.gather [hbm4b:s1+s13], $0x80, s8, s13, $0xb8;
	[tilespmem:$0x1B000] =	vst v63  }
0x6b: {  	s8 =	sadd.s32 $0x1200, s10  }
0x6c: {  	[tilespmem:s23], [sflag:$0x1] =	stream.indirect.gather [hbm4b:s2+s13], $0x80, s8, s13, $0xb8;
	[tilespmem:$0x1B000] =	vst v63  }
0x6d: {  	_ =	swait.ge [sflag:s24], $0x2800  }
0x6e: {  	[sflag:s24] =	ssyncset.done $0x0  }
0x6f: {  	[sflag:s24] =	ssyncadd.s32 $0xFFFFD800  }
0x70: {  	_ =	swait.ge [sflag:s24], $0x2800  }
0x71: {  	[sflag:s24] =	ssyncset.done $0x0  }
0x72: {  	[sflag:s24] =	ssyncadd.s32 $0xFFFFD800  }
0x73: {  	_ =	swait.ge [sflag:s24], $0x2800  }
0x74: {  	[sflag:s24] =	ssyncset.done $0x0  }
0x75: {  	[sflag:s24] =	ssyncadd.s32 $0xFFFFD800  }
0x76: {  	_ =	swait.ge [sflag:s24], $0x2800  }
0x77: {  	[sflag:s24] =	ssyncset.done $0x0  }
0x78: {  	[sflag:s24] =	ssyncadd.s32 $0xFFFFD800  }
0x79: {  	_ =	swait.ge [sflag:s24], $0x2800  }
0x7a: {  	[sflag:s24] =	ssyncset.done $0x0  }
0x7b: {  	[sflag:s24] =	ssyncadd.s32 $0xFFFFD800  }
0x7c: {  	_ =	swait.ge [sflag:s24], $0x2800  }
0x7d: {  	[sflag:s24] =	ssyncset.done $0x0  }
0x7e: {  	[sflag:s24] =	ssyncadd.s32 $0xFFFFD800  }
0x7f: {  	_ =	swait.ge [sflag:s24], $0x2800  }
0x80: {  	[sflag:s24] =	ssyncset.done $0x0  }
0x81: {  	[sflag:s24] =	ssyncadd.s32 $0xFFFFD800  }
0x82: {  	_ =	swait.ge [sflag:s24], $0x2800  }
0x83: {  	[sflag:s24] =	ssyncset.done $0x0  }
0x84: {  	[sflag:s24] =	ssyncadd.s32 $0xFFFFD800  }
0x85: {  	_ =	swait.ge [sflag:s24], $0x2800  }
0x86: {  	[sflag:s24] =	ssyncset.done $0x0  }
0x87: {  	[sflag:s24] =	ssyncadd.s32 $0xFFFFD800  }
0x88: {  	_ =	swait.ge [sflag:s24], $0x2800  }
0x89: {  	[sflag:s24] =	ssyncset.done $0x0  }
0x8a: {  	[sflag:s24] =	ssyncadd.s32 $0xFFFFD800  }
0x8b: {  	[hbm4b:s0+s4] =	stream.linear.scatter [tilespmem:s14], [sflag:$0x2], $0xC800, $0x38;
	[tilespmem:$0x1B000] =	vst v63  }
0x8c: {  	_ = 	snop  }
0x8d: {  	[hbm4b:s31+s4] =	stream.linear.scatter [tilespmem:s15], [sflag:$0x2], $0xC800, $0x38;
	[tilespmem:$0x1B000] =	vst v63  }
.Ltmp0:
0x8e: {  	_ =	swait.ge [sflag:s25], $0xC800;
	(pc) =	sbr.rel @p0 .LBB2_3-.Ltmp0, $4  }
0x8f: {  	[sflag:s25] =	ssyncset.done $0x0  }
0x90: {  	[sflag:s25] =	ssyncadd.s32 $0xFFFF3800  }
0x91: {  	s8 =	smov.u32 s9;
	_ =	swait.ge [sflag:s25], $0xC800  }
0x92: {  	s0 =	sadd.s32 $0x1900, s0;
	s31 =	sadd.s32 $0x1900, s31;
	[sflag:s25] =	ssyncset.done $0x0  }
0x93: {  	s3 =	sshra.s32 s3, $0x2;
	[sflag:s25] =	ssyncadd.s32 $0xFFFF3800  }
0x94: {  	[tilespmem:s14], [sflag:$0x1] =	stream.indirect.gather [hbm4b:s1+s13], $0x80, s3, s13, $0xb8;
	[tilespmem:$0x1B000] =	vst v63  }
0x95: {  	s8 =	sadd.s32 $0x1000, s3  }
0x96: {  	[tilespmem:s15], [sflag:$0x1] =	stream.indirect.gather [hbm4b:s2+s13], $0x80, s8, s13, $0xb8;
	[tilespmem:$0x1B000] =	vst v63  }
0x97: {  	s10 =	sadd.s32 $0x80, s3  }
0x98: {  	[tilespmem:s16], [sflag:$0x1] =	stream.indirect.gather [hbm4b:s1+s13], $0x80, s10, s13, $0xb8;
	[tilespmem:$0x1B000] =	vst v63  }
0x99: {  	s9 =	sadd.s32 $0x1080, s3  }
0x9a: {  	[tilespmem:s17], [sflag:$0x1] =	stream.indirect.gather [hbm4b:s2+s13], $0x80, s9, s13, $0xb8;
	[tilespmem:$0x1B000] =	vst v63  }
0x9b: {  	s10 =	sadd.s32 $0x100, s3  }
0x9c: {  	[tilespmem:s18], [sflag:$0x1] =	stream.indirect.gather [hbm4b:s1+s13], $0x80, s10, s13, $0xb8;
	[tilespmem:$0x1B000] =	vst v63  }
0x9d: {  	s9 =	sadd.s32 $0x1100, s3  }
0x9e: {  	[tilespmem:s19], [sflag:$0x1] =	stream.indirect.gather [hbm4b:s2+s13], $0x80, s9, s13, $0xb8;
	[tilespmem:$0x1B000] =	vst v63  }
0x9f: {  	s10 =	sadd.s32 $0x180, s3  }
0xa0: {  	[tilespmem:s20], [sflag:$0x1] =	stream.indirect.gather [hbm4b:s1+s13], $0x80, s10, s13, $0xb8;
	[tilespmem:$0x1B000] =	vst v63  }
0xa1: {  	s9 =	sadd.s32 $0x1180, s3  }
0xa2: {  	[tilespmem:s21], [sflag:$0x1] =	stream.indirect.gather [hbm4b:s2+s13], $0x80, s9, s13, $0xb8;
	[tilespmem:$0x1B000] =	vst v63  }
0xa3: {  	s10 =	sadd.s32 $0x200, s3  }
0xa4: {  	[tilespmem:s22], [sflag:$0x1] =	stream.indirect.gather [hbm4b:s1+s13], $0x80, s10, s13, $0xb8;
	[tilespmem:$0x1B000] =	vst v63  }
0xa5: {  	s3 =	sadd.s32 $0x1200, s3  }
0xa6: {  	[tilespmem:s23], [sflag:$0x1] =	stream.indirect.gather [hbm4b:s2+s13], $0x80, s3, s13, $0xb8;
	[tilespmem:$0x1B000] =	vst v63  }
0xa7: {  	_ =	swait.ge [sflag:s24], $0x2800  }
0xa8: {  	[sflag:s24] =	ssyncset.done $0x0  }
0xa9: {  	[sflag:s24] =	ssyncadd.s32 $0xFFFFD800  }
0xaa: {  	_ =	swait.ge [sflag:s24], $0x2800  }
0xab: {  	[sflag:s24] =	ssyncset.done $0x0  }
0xac: {  	[sflag:s24] =	ssyncadd.s32 $0xFFFFD800  }
0xad: {  	_ =	swait.ge [sflag:s24], $0x2800  }
0xae: {  	[sflag:s24] =	ssyncset.done $0x0  }
0xaf: {  	[sflag:s24] =	ssyncadd.s32 $0xFFFFD800  }
0xb0: {  	_ =	swait.ge [sflag:s24], $0x2800  }
0xb1: {  	[sflag:s24] =	ssyncset.done $0x0  }
0xb2: {  	[sflag:s24] =	ssyncadd.s32 $0xFFFFD800  }
0xb3: {  	_ =	swait.ge [sflag:s24], $0x2800  }
0xb4: {  	[sflag:s24] =	ssyncset.done $0x0  }
0xb5: {  	[sflag:s24] =	ssyncadd.s32 $0xFFFFD800  }
0xb6: {  	_ =	swait.ge [sflag:s24], $0x2800  }
0xb7: {  	[sflag:s24] =	ssyncset.done $0x0  }
0xb8: {  	[sflag:s24] =	ssyncadd.s32 $0xFFFFD800  }
0xb9: {  	_ =	swait.ge [sflag:s24], $0x2800  }
0xba: {  	[sflag:s24] =	ssyncset.done $0x0  }
0xbb: {  	[sflag:s24] =	ssyncadd.s32 $0xFFFFD800  }
0xbc: {  	_ =	swait.ge [sflag:s24], $0x2800  }
0xbd: {  	[sflag:s24] =	ssyncset.done $0x0  }
0xbe: {  	[sflag:s24] =	ssyncadd.s32 $0xFFFFD800  }
0xbf: {  	_ =	swait.ge [sflag:s24], $0x2800  }
0xc0: {  	[sflag:s24] =	ssyncset.done $0x0  }
0xc1: {  	[sflag:s24] =	ssyncadd.s32 $0xFFFFD800  }
0xc2: {  	_ =	swait.ge [sflag:s24], $0x2800  }
0xc3: {  	[sflag:s24] =	ssyncset.done $0x0  }
0xc4: {  	[sflag:s24] =	ssyncadd.s32 $0xFFFFD800  }
0xc5: {  	[hbm4b:s0+s4] =	stream.linear.scatter [tilespmem:s14], [sflag:$0x2], $0xC800, $0x38;
	[tilespmem:$0x1B000] =	vst v63  }
0xc6: {  	s30 =	sadd.s32 $0x1, s30  }
0xc7: {  	[hbm4b:s31+s4] =	stream.linear.scatter [tilespmem:s15], [sflag:$0x2], $0xC800, $0x38;
	[tilespmem:$0x1B000] =	vst v63  }
0xc8: {  	p0 =	sne.s32 s30, $0x5;
	_ =	swait.ge [sflag:s25], $0xC800  }
.Ltmp1:
0xc9: {  	[sflag:s25] =	ssyncset.done $0x0;
	(pc) =	sbr.rel @p0 .LBB2_2-.Ltmp1, $4  }
0xca: {  	[sflag:s25] =	ssyncadd.s32 $0xFFFF3800  }
0xcb: {  	_ =	swait.ge [sflag:s25], $0xC800  }
0xcc: {  	[sflag:s25] =	ssyncset.done $0x0  }
0xcd: {  	s29 =	sadd.s32 $0x7D00, s29;
	s28 =	sadd.s32 $0x7D00, s28;
	[sflag:s25] =	ssyncadd.s32 $0xFFFF3800  }
0xce: {  	s26 =	sadd.s32 $0x1, s26;
	s0 =	rddreg [dreg:$0x4]  }
0xcf: {  	p0 =	sne.s32 s26, s0  }
.Ltmp2:
0xd0: {  	_ = 	snop;
	(pc) =	sbr.rel @p0 .LBB2_1-.Ltmp2, $1  }
0xd1: {  	_ =	sdelay $0x3  }
0xd2: {  	_ =	sfence.sel $0x180000  }
0xd3: {  	[bflag:$0x0] =	sbarrier.arrive $0xFFFF  }
0xd4: {  	_ =	strace $0x90000047  }
0xd5: {  	s0 =	stileid.u32;
	[bflag:$0x2] =	sbarrier.arrive $0xFFFF  }
0xd6: {  	p0 =	sne.s32 s0, $0x0;
	s0 =	rddreg [dreg:$0x3]  }
0xd7: {  	s0 =	sadd.s32 @!p0 $0x100000, s0  }
0xd8: {  	[sflag:s0] =	ssyncadd.tile.s32 @!p0 $0x1;
	_ =	shalt  }
.Lfunc_end2:
_tile_overlayer_lowered:
.L_overlay_start_2:
0xd9: {  	(tag) =	ssettag $0x2  }
0xda: {  	s0 =	rddreg [dreg:$0x0];
	s2 =	stileid.u32  }
0xdb: {  	s1 =	rddreg [dreg:$0x1];
	p0 =	sne.s32 s2, $0x0  }
0xdc: {  	s3 =	rddreg [dreg:$0x2];
	[bflag:$0x3] =	sbarrier.arrive $0xFFFF;
	s2 =	simm.s32 @!p0 $0x1C03  }
0xdd: {  	[timem:s3], [sflag:s2] =	dma.local @!p0 [hbm:s0], s1  }
0xde: {  	s0 =	simm.s32 @!p0 $0x3  }
0xdf: {  	_ =	swait.ge @!p0 [sflag:s0], s1  }
0xe0: {  	s1 =	ssub.s32 @!p0 $0x0, s1;
	[sflag:s0] =	ssyncset.done @!p0 $0x0  }
0xe1: {  	[sflag:s0] =	ssyncadd.s32 @!p0 s1  }
0xe2: {  	[bflag:$0x3] =	sbarrier.arrive $0xFFFF  }
0xe3: {  	_ =	shalt  }

</sc_bundles>
